<compile_context>
chip_gen: v7x
topology: tpu7x:2x2x1
jax: 0.10.2.dev20260603
libtpu: 0.0.44.dev20260713+nightly
codegen_flags: <defaults>
</compile_context>

<pallas_src>
import functools

import jax
import jax.numpy as jnp
from jax import lax
from jax.experimental import pallas as pl
from jax.experimental.pallas import tpu as pltpu
from jax.experimental.pallas import tpu_sc as plsc

PN = 2048
DK = 64
TOPK = 64
ROW_BLK = 256


def _scores_kernel(xa_ref, xf_ref, out_ref):
    a = xa_ref[0]
    f = xf_ref[0]
    simT = jax.lax.dot_general(f, a, (((1,), (1,)), ((), ()))) * (DK ** -0.5)
    m = jnp.max(simT, axis=0, keepdims=True)
    e = jnp.exp(simT - m)
    z = jnp.sum(e, axis=0, keepdims=True)
    attn = e / z
    out_ref[0, 0] = jnp.sum(attn, axis=0) / PN


def _topk_kernel(s_ref, out_ref):
    s = s_ref[0]
    rows = PN // 128
    iota = (jax.lax.broadcasted_iota(jnp.int32, (rows, 128), 0) * 128
            + jax.lax.broadcasted_iota(jnp.int32, (rows, 128), 1))
    kota = jax.lax.broadcasted_iota(jnp.int32, (1, TOPK), 1)

    ind = jnp.zeros((1, TOPK), jnp.int32)
    for k in range(TOPK):
        m = jnp.max(s, axis=(0, 1), keepdims=True)
        idx = jnp.min(jnp.where(s == m, iota, PN), axis=(0, 1), keepdims=True)
        ind = jnp.where(kota == k, idx, ind)
        s = jnp.where(iota == idx, -jnp.inf, s)
    out_ref[0] = ind + pl.program_id(0) * PN


def _make_sc_gather(n_rows, row_elems, b_per_w):
    mesh = plsc.VectorSubcoreMesh(core_axis_name="c", subcore_axis_name="s")

    @functools.partial(
        pl.kernel, mesh=mesh,
        out_type=jax.ShapeDtypeStruct((n_rows, row_elems), jnp.float32),
        scratch_types=[
            pltpu.VMEM((b_per_w,), jnp.int32),
            pltpu.VMEM((b_per_w, row_elems), jnp.float32),
            pltpu.SemaphoreType.DMA,
        ],
    )
    def _sc_gather(table_hbm, idx_hbm, out_hbm, idx_v, rows_v, sem):
        wid = lax.axis_index("s") * 2 + lax.axis_index("c")
        base = wid * b_per_w
        pltpu.sync_copy(idx_hbm.at[pl.ds(base, b_per_w)], idx_v)
        pltpu.async_copy(table_hbm.at[idx_v], rows_v, sem).wait()
        pltpu.sync_copy(rows_v, out_hbm.at[pl.ds(base, b_per_w)])

    return _sc_gather


def kernel(x, traj_map):
    B, PN_, T, H, W = traj_map.shape
    xr = jnp.transpose(x, (0, 3, 2, 1)).reshape(B, PN_, -1)

    scores = pl.pallas_call(
        _scores_kernel,
        grid=(B, PN // ROW_BLK),
        in_specs=[
            pl.BlockSpec((1, ROW_BLK, DK), lambda b, i: (b, i, 0)),
            pl.BlockSpec((1, PN, DK), lambda b, i: (b, 0, 0)),
        ],
        out_specs=pl.BlockSpec((1, 1, ROW_BLK), lambda b, i: (b, 0, i)),
        out_shape=jax.ShapeDtypeStruct((B, 1, PN), jnp.float32),
        compiler_params=pltpu.CompilerParams(
            dimension_semantics=("parallel", "arbitrary")),
    )(xr, xr)

    idx = pl.pallas_call(
        _topk_kernel,
        grid=(B,),
        in_specs=[pl.BlockSpec((1, PN // 128, 128), lambda b: (b, 0, 0))],
        out_specs=pl.BlockSpec((1, 1, TOPK), lambda b: (b, 0, 0)),
        out_shape=jax.ShapeDtypeStruct((B, 1, TOPK), jnp.int32),
        compiler_params=pltpu.CompilerParams(
            dimension_semantics=("parallel",)),
    )(scores.reshape(B, PN // 128, 128)).reshape(B, TOPK)

    row_elems = T * H * W
    table = traj_map.reshape(B * PN_, row_elems)
    sel = _make_sc_gather(B * TOPK, row_elems, B * TOPK // 32)(
        table, idx.reshape(B * TOPK))
    return sel.reshape(B, TOPK, T, H, W)

# --- scband reference (transcript-rebuilt; emitter-appended) ---
"""Pipeline reference for scband-attention-point-selector-1752346656929 (READ-ONLY COPY).

The authoritative reference and input builder live on the scoring server;
editing this copy changes nothing except your own understanding.
"""

import jax, jax.numpy as jnp
import numpy as np

TOP_K = 64

def setup_inputs(seed: int = 0) -> dict:
    key = jax.random.key(seed)
    k1, k2 = jax.random.split(key)
    x = jax.random.normal(k1, (4, 8, 8, 2048), dtype=jnp.float32)
    traj_map = jax.random.normal(k2, (4, 2048, 8, 32, 32), dtype=jnp.float32)
    return {"x": x, "traj_map": traj_map}

def reference(x, traj_map):
    B, PN, T, H, W = traj_map.shape
    # einops rearrange 'b c t pn -> b pn (t c)'
    xr = jnp.transpose(x, (0, 3, 2, 1)).reshape(B, PN, -1)
    d_k = xr.shape[-1]
    sim = jnp.matmul(xr, jnp.swapaxes(xr, -2, -1)) * (d_k ** -0.5)
    attn = jax.nn.softmax(sim, axis=-1)
    scores = jnp.mean(attn, axis=-1)
    topk_scores, topk_indices = jax.lax.top_k(scores, TOP_K)
    idx = topk_indices[:, :, None, None, None]
    selected_traj_map = jnp.take_along_axis(traj_map, idx, axis=1)
    return selected_traj_map

if __name__ == "__main__":
    import jax
    _d = setup_inputs()
    print(jax.jit(kernel)(*tuple(_d.values())))

</pallas_src>

<mosaic_0001>
#map = affine_map<(d0, d1) -> (0, 0)>
#map1 = affine_map<(d0, d1) -> (0)>
module attributes {stable_mosaic.version = 14 : i64} {
  func.func @_sc_gather(%arg0: i32, %arg1: i32, %arg2: memref<8192x8192xf32, #tpu.memory_space<hbm>>, %arg3: memref<256xi32, #tpu.memory_space<hbm>>, %arg4: memref<256x8192xf32, #tpu.memory_space<hbm>>, %arg5: memref<8xi32, #tpu.memory_space<vmem>>, %arg6: memref<8x8192xf32, #tpu.memory_space<vmem>>, %arg7: memref<!tpu.dma_semaphore, #tpu.memory_space<semaphore_mem>>) attributes {dimension_semantics = [#tpu.dimension_semantics<core_parallel>, #tpu.dimension_semantics<subcore_parallel>], iteration_bounds = array<i64: 2, 16>, scalar_prefetch = 0 : i64, scratch_operands = 3 : i64, tpu.core_type = #tpu.core_type<sc_vector_subcore>, window_params = [{transform_indices = #map}, {transform_indices = #map1}, {transform_indices = #map}]} {
    %mul3A = arith.constant 2 : i32
    %mul3A_0 = arith.muli %arg1, %mul3A : i32
    %add3A = arith.addi %mul3A_0, %arg0 : i32
    %mul3A_1 = arith.constant 8 : i32
    %mul3A_2 = arith.muli %add3A, %mul3A_1 : i32
    "tpu.region"() ({
      %run_scoped3A = tpu.sem_alloc : memref<!tpu.dma_semaphore, #tpu.memory_space<semaphore_mem>>
      %dma_start3A_7 = tpu.memref_slice %arg3[%mul3A_2] : memref<256xi32, #tpu.memory_space<hbm>> -> memref<8xi32, #tpu.memory_space<hbm>>
      %dma_start3A_8 = tpu.memref_slice %arg3[%mul3A_2] : memref<256xi32, #tpu.memory_space<hbm>> -> memref<8xi32, #tpu.memory_space<hbm>>
      tpu.enqueue_dma source(%dma_start3A_8 : memref<8xi32, #tpu.memory_space<hbm>>) target(%arg5 : memref<8xi32, #tpu.memory_space<vmem>>) target_semaphore(%run_scoped3A : memref<!tpu.dma_semaphore, #tpu.memory_space<semaphore_mem>>)
      %dma_wait3A_9 = tpu.memref_slice %arg3[%mul3A_2] : memref<256xi32, #tpu.memory_space<hbm>> -> memref<8xi32, #tpu.memory_space<hbm>>
      %dma_wait3A_10 = tpu.memref_slice %arg3[%mul3A_2] : memref<256xi32, #tpu.memory_space<hbm>> -> memref<8xi32, #tpu.memory_space<hbm>>
      tpu.wait_dma2 semaphore(%run_scoped3A : memref<!tpu.dma_semaphore, #tpu.memory_space<semaphore_mem>>) src(%dma_wait3A_10 : memref<8xi32, #tpu.memory_space<hbm>>) dst(%arg5 : memref<8xi32, #tpu.memory_space<vmem>>)
      tpu.yield
    }) : () -> ()
    %dma_start3A = arith.constant 0 : i32
    %dma_start3A_3 = arith.constant 0 : i32
    %dma_start3A_4 = tpu.memref_slice %arg2[%dma_start3A, %dma_start3A_3] : memref<8192x8192xf32, #tpu.memory_space<hbm>> -> memref<8192x8192xf32, #tpu.memory_space<hbm>>
    tpu.enqueue_indirect_dma source(%dma_start3A_4 : memref<8192x8192xf32, #tpu.memory_space<hbm>>) target(%arg6 : memref<8x8192xf32, #tpu.memory_space<vmem>>) offsets(%arg5 : memref<8xi32, #tpu.memory_space<vmem>>) semaphore(%arg7 : memref<!tpu.dma_semaphore, #tpu.memory_space<semaphore_mem>>)
    %dma_wait3A = arith.constant 0 : i32
    %dma_wait3A_5 = arith.constant 0 : i32
    %dma_wait3A_6 = tpu.memref_slice %arg2[%dma_wait3A, %dma_wait3A_5] : memref<8192x8192xf32, #tpu.memory_space<hbm>> -> memref<8192x8192xf32, #tpu.memory_space<hbm>>
    tpu.wait_indirect_dma semaphore(%arg7 : memref<!tpu.dma_semaphore, #tpu.memory_space<semaphore_mem>>) src(%dma_wait3A_6 : memref<8192x8192xf32, #tpu.memory_space<hbm>>) dst(%arg6 : memref<8x8192xf32, #tpu.memory_space<vmem>>)
    "tpu.region"() ({
      %run_scoped3A = tpu.sem_alloc : memref<!tpu.dma_semaphore, #tpu.memory_space<semaphore_mem>>
      %dma_start3A_7 = arith.constant 0 : i32
      %dma_start3A_8 = tpu.memref_slice %arg4[%mul3A_2, %dma_start3A_7] : memref<256x8192xf32, #tpu.memory_space<hbm>> -> memref<8x8192xf32, #tpu.memory_space<hbm>>
      %dma_start3A_9 = arith.constant 0 : i32
      %dma_start3A_10 = tpu.memref_slice %arg4[%mul3A_2, %dma_start3A_9] : memref<256x8192xf32, #tpu.memory_space<hbm>> -> memref<8x8192xf32, #tpu.memory_space<hbm>>
      tpu.enqueue_dma source(%arg6 : memref<8x8192xf32, #tpu.memory_space<vmem>>) target(%dma_start3A_10 : memref<8x8192xf32, #tpu.memory_space<hbm>>) target_semaphore(%run_scoped3A : memref<!tpu.dma_semaphore, #tpu.memory_space<semaphore_mem>>)
      %dma_wait3A_11 = arith.constant 0 : i32
      %dma_wait3A_12 = tpu.memref_slice %arg4[%mul3A_2, %dma_wait3A_11] : memref<256x8192xf32, #tpu.memory_space<hbm>> -> memref<8x8192xf32, #tpu.memory_space<hbm>>
      %dma_wait3A_13 = arith.constant 0 : i32
      %dma_wait3A_14 = tpu.memref_slice %arg4[%mul3A_2, %dma_wait3A_13] : memref<256x8192xf32, #tpu.memory_space<hbm>> -> memref<8x8192xf32, #tpu.memory_space<hbm>>
      tpu.wait_dma2 semaphore(%run_scoped3A : memref<!tpu.dma_semaphore, #tpu.memory_space<semaphore_mem>>) src(%arg6 : memref<8x8192xf32, #tpu.memory_space<vmem>>) dst(%dma_wait3A_14 : memref<8x8192xf32, #tpu.memory_space<hbm>>)
      tpu.yield
    }) : () -> ()
    return
  }
}

module attributes {stable_mosaic.version = 14 : i64} {
  func.func @_scores_kernel(%arg0: i32, %arg1: i32, %arg2: memref<1x256x64xf32, #tpu.memory_space<vmem>>, %arg3: memref<1x2048x64xf32, #tpu.memory_space<vmem>>, %arg4: memref<1x1x256xf32, #tpu.memory_space<vmem>>) attributes {dimension_semantics = [#tpu.dimension_semantics<parallel>, #tpu.dimension_semantics<arbitrary>], iteration_bounds = array<i64: 4, 8>, scalar_prefetch = 0 : i64, scratch_operands = 0 : i64, tpu.core_type = #tpu.core_type<tc>, window_params = [{transform_indices = @transform_0, window_bounds = array<i64: 1, 256, 64>}, {transform_indices = @transform_1, window_bounds = array<i64: 1, 2048, 64>}, {transform_indices = @transform_2, window_bounds = array<i64: 1, 1, 256>}]} {
    %get3A = arith.constant 0 : index
    %get3A_0 = arith.constant 0 : index
    %get3A_1 = arith.constant 0 : index
    %get3A_2 = vector.load %arg2[%get3A, %get3A_0, %get3A_1] : memref<1x256x64xf32, #tpu.memory_space<vmem>>, vector<1x256x64xf32>
    %get3A_3 = vector.shape_cast %get3A_2 : vector<1x256x64xf32> to vector<256x64xf32>
    %get3A_4 = arith.constant 0 : index
    %get3A_5 = arith.constant 0 : index
    %get3A_6 = arith.constant 0 : index
    %get3A_7 = vector.load %arg3[%get3A_4, %get3A_5, %get3A_6] : memref<1x2048x64xf32, #tpu.memory_space<vmem>>, vector<1x2048x64xf32>
    %get3A_8 = vector.shape_cast %get3A_7 : vector<1x2048x64xf32> to vector<2048x64xf32>
    %dot_general3A = arith.constant dense<0.000000e+00> : vector<2048x256xf32>
    %dot_general3A_9 = tpu.matmul %get3A_8, %get3A_3, %dot_general3A {dimension_numbers = #tpu.dot_dimension_numbers<[1], [1], [0], [0], [0, 0, 1, 0], [], []>, transpose_lhs_hint = false} : vector<2048x64xf32>, vector<256x64xf32>, vector<2048x256xf32> -> vector<2048x256xf32>
    %mul3A = arith.constant 1.250000e-01 : f32
    %mul3A_10 = vector.broadcast %mul3A : f32 to vector<2048x256xf32>
    %mul3A_11 = arith.mulf %dot_general3A_9, %mul3A_10 : vector<2048x256xf32>
    %reduce_max3A = arith.constant dense<0xFF800000> : vector<256xf32>
    %reduce_max3A_12 = vector.multi_reduction <maximumf>, %mul3A_11, %reduce_max3A [0] : vector<2048x256xf32> to vector<256xf32>
    %broadcast_in_dim3A = vector.shape_cast %reduce_max3A_12 : vector<256xf32> to vector<1x256xf32>
    %sub3A = vector.broadcast %broadcast_in_dim3A : vector<1x256xf32> to vector<2048x256xf32>
    %sub3A_13 = arith.subf %mul3A_11, %sub3A : vector<2048x256xf32>
    %exp3A = math.exp %sub3A_13 : vector<2048x256xf32>
    %reduce_sum3A = arith.constant dense<0.000000e+00> : vector<256xf32>
    %reduce_sum3A_14 = vector.multi_reduction <add>, %exp3A, %reduce_sum3A [0] : vector<2048x256xf32> to vector<256xf32>
    %broadcast_in_dim3A_15 = vector.shape_cast %reduce_sum3A_14 : vector<256xf32> to vector<1x256xf32>
    %div3A = vector.broadcast %broadcast_in_dim3A_15 : vector<1x256xf32> to vector<2048x256xf32>
    %div3A_16 = arith.divf %exp3A, %div3A : vector<2048x256xf32>
    %reduce_sum3A_17 = arith.constant dense<0.000000e+00> : vector<256xf32>
    %reduce_sum3A_18 = vector.multi_reduction <add>, %div3A_16, %reduce_sum3A_17 [0] : vector<2048x256xf32> to vector<256xf32>
    %div3A_19 = arith.constant 2.048000e+03 : f32
    %div3A_20 = vector.broadcast %div3A_19 : f32 to vector<256xf32>
    %div3A_21 = arith.divf %reduce_sum3A_18, %div3A_20 : vector<256xf32>
    %swap3A = arith.constant 0 : index
    %swap3A_22 = arith.constant 0 : index
    %swap3A_23 = arith.constant 0 : index
    %swap3A_24 = vector.load %arg4[%swap3A, %swap3A_22, %swap3A_23] : memref<1x1x256xf32, #tpu.memory_space<vmem>>, vector<1x1x256xf32>
    %swap3A_25 = vector.shape_cast %swap3A_24 : vector<1x1x256xf32> to vector<256xf32>
    %swap3A_26 = vector.shape_cast %div3A_21 : vector<256xf32> to vector<1x1x256xf32>
    tpu.vector_store %arg4[%swap3A, %swap3A_22, %swap3A_23], %swap3A_26 {strides = array<i32>} : memref<1x1x256xf32, #tpu.memory_space<vmem>>, vector<1x1x256xf32>,
    return
  }
  func.func @transform_0(%arg0: i32, %arg1: i32) -> (i32, i32, i32) {
    %c0_i32 = arith.constant 0 : i32
    %c0_i32_0 = arith.constant 0 : i32
    return %arg0, %arg1, %c0_i32 : i32, i32, i32
  }
  func.func @transform_1(%arg0: i32, %arg1: i32) -> (i32, i32, i32) {
    %c0_i32 = arith.constant 0 : i32
    %c0_i32_0 = arith.constant 0 : i32
    %c0_i32_1 = arith.constant 0 : i32
    return %arg0, %c0_i32, %c0_i32_0 : i32, i32, i32
  }
  func.func @transform_2(%arg0: i32, %arg1: i32) -> (i32, i32, i32) {
    %c0_i32 = arith.constant 0 : i32
    %c0_i32_0 = arith.constant 0 : i32
    return %arg0, %c0_i32, %arg1 : i32, i32, i32
  }
}

module attributes {stable_mosaic.version = 14 : i64} {
  func.func @_topk_kernel(%arg0: i32, %arg1: memref<1x16x128xf32, #tpu.memory_space<vmem>>, %arg2: memref<1x1x64xi32, #tpu.memory_space<vmem>>) attributes {dimension_semantics = [#tpu.dimension_semantics<parallel>], iteration_bounds = array<i64: 4>, scalar_prefetch = 0 : i64, scratch_operands = 0 : i64, tpu.core_type = #tpu.core_type<tc>, window_params = [{transform_indices = @transform_0, window_bounds = array<i64: 1, 16, 128>}, {transform_indices = @transform_1, window_bounds = array<i64: 1, 1, 64>}]} {
    %get3A = arith.constant 0 : index
    %get3A_0 = arith.constant 0 : index
    %get3A_1 = arith.constant 0 : index
    %get3A_2 = vector.load %arg1[%get3A, %get3A_0, %get3A_1] : memref<1x16x128xf32, #tpu.memory_space<vmem>>, vector<1x16x128xf32>
    %get3A_3 = vector.shape_cast %get3A_2 : vector<1x16x128xf32> to vector<16x128xf32>
    %iota3A = tpu.iota {dimensions = array<i32: 0>} : vector<16x128xi32>
    %mul3A = arith.constant 128 : i32
    %mul3A_4 = vector.broadcast %mul3A : i32 to vector<16x128xi32>
    %mul3A_5 = arith.muli %iota3A, %mul3A_4 : vector<16x128xi32>
    %iota3A_6 = tpu.iota {dimensions = array<i32: 1>} : vector<16x128xi32>
    %add3A = arith.addi %mul3A_5, %iota3A_6 : vector<16x128xi32>
    %iota3A_7 = tpu.iota {dimensions = array<i32: 1>} : vector<1x64xi32>
    %broadcast_in_dim3A = arith.constant 0 : i32
    %broadcast_in_dim3A_8 = vector.broadcast %broadcast_in_dim3A : i32 to vector<1x64xi32>
    %reduce_max3A = vector.shape_cast %get3A_3 : vector<16x128xf32> to vector<1x16x128xf32>
    %reduce_max3A_9 = arith.constant dense<0xFF800000> : vector<1xf32>
    %reduce_max3A_10 = vector.multi_reduction <maximumf>, %reduce_max3A, %reduce_max3A_9 [1, 2] : vector<1x16x128xf32> to vector<1xf32>
    %reduce_max3A_11 = vector.shape_cast %reduce_max3A_10 : vector<1xf32> to vector<1x1x1xf32>
    %reduce_max3A_12 = vector.extract %reduce_max3A_11[0, 0, 0] : f32 from vector<1x1x1xf32>
    %broadcast_in_dim3A_13 = vector.broadcast %reduce_max3A_12 : f32 to vector<1x1xf32>
    %eq3A = vector.broadcast %broadcast_in_dim3A_13 : vector<1x1xf32> to vector<16x128xf32>
    %eq3A_14 = arith.cmpf oeq, %get3A_3, %eq3A : vector<16x128xf32>
    %jit3A = arith.constant 2048 : i32
    %broadcast_in_dim3A_15 = vector.broadcast %jit3A : i32 to vector<16x128xi32>
    %select_n3A = arith.select %eq3A_14, %add3A, %broadcast_in_dim3A_15 : vector<16x128xi1>, vector<16x128xi32>
    %reduce_min3A = vector.shape_cast %select_n3A : vector<16x128xi32> to vector<1x16x128xi32>
    %reduce_min3A_16 = arith.constant dense<2147483647> : vector<1xi32>
    %reduce_min3A_17 = vector.multi_reduction <minsi>, %reduce_min3A, %reduce_min3A_16 [1, 2] : vector<1x16x128xi32> to vector<1xi32>
    %reduce_min3A_18 = vector.shape_cast %reduce_min3A_17 : vector<1xi32> to vector<1x1x1xi32>
    %reduce_min3A_19 = vector.extract %reduce_min3A_18[0, 0, 0] : i32 from vector<1x1x1xi32>
    %broadcast_in_dim3A_20 = vector.broadcast %reduce_min3A_19 : i32 to vector<1x1xi32>
    %eq3A_21 = arith.constant 0 : i32
    %eq3A_22 = vector.broadcast %eq3A_21 : i32 to vector<1x64xi32>
    %eq3A_23 = arith.cmpi eq, %iota3A_7, %eq3A_22 : vector<1x64xi32>
    %broadcast_in_dim3A_24 = vector.shape_cast %broadcast_in_dim3A_20 : vector<1x1xi32> to vector<1x1xi32>
    %broadcast_in_dim3A_25 = vector.broadcast %broadcast_in_dim3A_24 : vector<1x1xi32> to vector<1x64xi32>
    %select_n3A_26 = arith.select %eq3A_23, %broadcast_in_dim3A_25, %broadcast_in_dim3A_8 : vector<1x64xi1>, vector<1x64xi32>
    %eq3A_27 = vector.broadcast %broadcast_in_dim3A_20 : vector<1x1xi32> to vector<16x128xi32>
    %eq3A_28 = arith.cmpi eq, %add3A, %eq3A_27 : vector<16x128xi32>
    %jit3A_29 = arith.constant 0xFF800000 : f32
    %broadcast_in_dim3A_30 = vector.broadcast %jit3A_29 : f32 to vector<16x128xf32>
    %select_n3A_31 = arith.select %eq3A_28, %broadcast_in_dim3A_30, %get3A_3 : vector<16x128xi1>, vector<16x128xf32>
    %reduce_max3A_32 = vector.shape_cast %select_n3A_31 : vector<16x128xf32> to vector<1x16x128xf32>
    %reduce_max3A_33 = arith.constant dense<0xFF800000> : vector<1xf32>
    %reduce_max3A_34 = vector.multi_reduction <maximumf>, %reduce_max3A_32, %reduce_max3A_33 [1, 2] : vector<1x16x128xf32> to vector<1xf32>
    %reduce_max3A_35 = vector.shape_cast %reduce_max3A_34 : vector<1xf32> to vector<1x1x1xf32>
    %reduce_max3A_36 = vector.extract %reduce_max3A_35[0, 0, 0] : f32 from vector<1x1x1xf32>
    %broadcast_in_dim3A_37 = vector.broadcast %reduce_max3A_36 : f32 to vector<1x1xf32>
    %eq3A_38 = vector.broadcast %broadcast_in_dim3A_37 : vector<1x1xf32> to vector<16x128xf32>
    %eq3A_39 = arith.cmpf oeq, %select_n3A_31, %eq3A_38 : vector<16x128xf32>
    %jit3A_40 = arith.constant 2048 : i32
    %broadcast_in_dim3A_41 = vector.broadcast %jit3A_40 : i32 to vector<16x128xi32>
    %select_n3A_42 = arith.select %eq3A_39, %add3A, %broadcast_in_dim3A_41 : vector<16x128xi1>, vector<16x128xi32>
    %reduce_min3A_43 = vector.shape_cast %select_n3A_42 : vector<16x128xi32> to vector<1x16x128xi32>
    %reduce_min3A_44 = arith.constant dense<2147483647> : vector<1xi32>
    %reduce_min3A_45 = vector.multi_reduction <minsi>, %reduce_min3A_43, %reduce_min3A_44 [1, 2] : vector<1x16x128xi32> to vector<1xi32>
    %reduce_min3A_46 = vector.shape_cast %reduce_min3A_45 : vector<1xi32> to vector<1x1x1xi32>
    %reduce_min3A_47 = vector.extract %reduce_min3A_46[0, 0, 0] : i32 from vector<1x1x1xi32>
    %broadcast_in_dim3A_48 = vector.broadcast %reduce_min3A_47 : i32 to vector<1x1xi32>
    %eq3A_49 = arith.constant 1 : i32
    %eq3A_50 = vector.broadcast %eq3A_49 : i32 to vector<1x64xi32>
    %eq3A_51 = arith.cmpi eq, %iota3A_7, %eq3A_50 : vector<1x64xi32>
    %broadcast_in_dim3A_52 = vector.shape_cast %broadcast_in_dim3A_48 : vector<1x1xi32> to vector<1x1xi32>
    %broadcast_in_dim3A_53 = vector.broadcast %broadcast_in_dim3A_52 : vector<1x1xi32> to vector<1x64xi32>
    %select_n3A_54 = arith.select %eq3A_51, %broadcast_in_dim3A_53, %select_n3A_26 : vector<1x64xi1>, vector<1x64xi32>
    %eq3A_55 = vector.broadcast %broadcast_in_dim3A_48 : vector<1x1xi32> to vector<16x128xi32>
    %eq3A_56 = arith.cmpi eq, %add3A, %eq3A_55 : vector<16x128xi32>
    %jit3A_57 = arith.constant 0xFF800000 : f32
    %broadcast_in_dim3A_58 = vector.broadcast %jit3A_57 : f32 to vector<16x128xf32>
    %select_n3A_59 = arith.select %eq3A_56, %broadcast_in_dim3A_58, %select_n3A_31 : vector<16x128xi1>, vector<16x128xf32>
    %reduce_max3A_60 = vector.shape_cast %select_n3A_59 : vector<16x128xf32> to vector<1x16x128xf32>
    %reduce_max3A_61 = arith.constant dense<0xFF800000> : vector<1xf32>
    %reduce_max3A_62 = vector.multi_reduction <maximumf>, %reduce_max3A_60, %reduce_max3A_61 [1, 2] : vector<1x16x128xf32> to vector<1xf32>
    %reduce_max3A_63 = vector.shape_cast %reduce_max3A_62 : vector<1xf32> to vector<1x1x1xf32>
    %reduce_max3A_64 = vector.extract %reduce_max3A_63[0, 0, 0] : f32 from vector<1x1x1xf32>
    %broadcast_in_dim3A_65 = vector.broadcast %reduce_max3A_64 : f32 to vector<1x1xf32>
    %eq3A_66 = vector.broadcast %broadcast_in_dim3A_65 : vector<1x1xf32> to vector<16x128xf32>
    %eq3A_67 = arith.cmpf oeq, %select_n3A_59, %eq3A_66 : vector<16x128xf32>
    %jit3A_68 = arith.constant 2048 : i32
    %broadcast_in_dim3A_69 = vector.broadcast %jit3A_68 : i32 to vector<16x128xi32>
    %select_n3A_70 = arith.select %eq3A_67, %add3A, %broadcast_in_dim3A_69 : vector<16x128xi1>, vector<16x128xi32>
    %reduce_min3A_71 = vector.shape_cast %select_n3A_70 : vector<16x128xi32> to vector<1x16x128xi32>
    %reduce_min3A_72 = arith.constant dense<2147483647> : vector<1xi32>
    %reduce_min3A_73 = vector.multi_reduction <minsi>, %reduce_min3A_71, %reduce_min3A_72 [1, 2] : vector<1x16x128xi32> to vector<1xi32>
    %reduce_min3A_74 = vector.shape_cast %reduce_min3A_73 : vector<1xi32> to vector<1x1x1xi32>
    %reduce_min3A_75 = vector.extract %reduce_min3A_74[0, 0, 0] : i32 from vector<1x1x1xi32>
    %broadcast_in_dim3A_76 = vector.broadcast %reduce_min3A_75 : i32 to vector<1x1xi32>
    %eq3A_77 = arith.constant 2 : i32
    %eq3A_78 = vector.broadcast %eq3A_77 : i32 to vector<1x64xi32>
    %eq3A_79 = arith.cmpi eq, %iota3A_7, %eq3A_78 : vector<1x64xi32>
    %broadcast_in_dim3A_80 = vector.shape_cast %broadcast_in_dim3A_76 : vector<1x1xi32> to vector<1x1xi32>
    %broadcast_in_dim3A_81 = vector.broadcast %broadcast_in_dim3A_80 : vector<1x1xi32> to vector<1x64xi32>
    %select_n3A_82 = arith.select %eq3A_79, %broadcast_in_dim3A_81, %select_n3A_54 : vector<1x64xi1>, vector<1x64xi32>
    %eq3A_83 = vector.broadcast %broadcast_in_dim3A_76 : vector<1x1xi32> to vector<16x128xi32>
    %eq3A_84 = arith.cmpi eq, %add3A, %eq3A_83 : vector<16x128xi32>
    %jit3A_85 = arith.constant 0xFF800000 : f32
    %broadcast_in_dim3A_86 = vector.broadcast %jit3A_85 : f32 to vector<16x128xf32>
    %select_n3A_87 = arith.select %eq3A_84, %broadcast_in_dim3A_86, %select_n3A_59 : vector<16x128xi1>, vector<16x128xf32>
    %reduce_max3A_88 = vector.shape_cast %select_n3A_87 : vector<16x128xf32> to vector<1x16x128xf32>
    %reduce_max3A_89 = arith.constant dense<0xFF800000> : vector<1xf32>
    %reduce_max3A_90 = vector.multi_reduction <maximumf>, %reduce_max3A_88, %reduce_max3A_89 [1, 2] : vector<1x16x128xf32> to vector<1xf32>
    %reduce_max3A_91 = vector.shape_cast %reduce_max3A_90 : vector<1xf32> to vector<1x1x1xf32>
    %reduce_max3A_92 = vector.extract %reduce_max3A_91[0, 0, 0] : f32 from vector<1x1x1xf32>
    %broadcast_in_dim3A_93 = vector.broadcast %reduce_max3A_92 : f32 to vector<1x1xf32>
    %eq3A_94 = vector.broadcast %broadcast_in_dim3A_93 : vector<1x1xf32> to vector<16x128xf32>
    %eq3A_95 = arith.cmpf oeq, %select_n3A_87, %eq3A_94 : vector<16x128xf32>
    %jit3A_96 = arith.constant 2048 : i32
    %broadcast_in_dim3A_97 = vector.broadcast %jit3A_96 : i32 to vector<16x128xi32>
    %select_n3A_98 = arith.select %eq3A_95, %add3A, %broadcast_in_dim3A_97 : vector<16x128xi1>, vector<16x128xi32>
    %reduce_min3A_99 = vector.shape_cast %select_n3A_98 : vector<16x128xi32> to vector<1x16x128xi32>
    %reduce_min3A_100 = arith.constant dense<2147483647> : vector<1xi32>
    %reduce_min3A_101 = vector.multi_reduction <minsi>, %reduce_min3A_99, %reduce_min3A_100 [1, 2] : vector<1x16x128xi32> to vector<1xi32>
    %reduce_min3A_102 = vector.shape_cast %reduce_min3A_101 : vector<1xi32> to vector<1x1x1xi32>
    %reduce_min3A_103 = vector.extract %reduce_min3A_102[0, 0, 0] : i32 from vector<1x1x1xi32>
    %broadcast_in_dim3A_104 = vector.broadcast %reduce_min3A_103 : i32 to vector<1x1xi32>
    %eq3A_105 = arith.constant 3 : i32
    %eq3A_106 = vector.broadcast %eq3A_105 : i32 to vector<1x64xi32>
    %eq3A_107 = arith.cmpi eq, %iota3A_7, %eq3A_106 : vector<1x64xi32>
    %broadcast_in_dim3A_108 = vector.shape_cast %broadcast_in_dim3A_104 : vector<1x1xi32> to vector<1x1xi32>
    %broadcast_in_dim3A_109 = vector.broadcast %broadcast_in_dim3A_108 : vector<1x1xi32> to vector<1x64xi32>
    %select_n3A_110 = arith.select %eq3A_107, %broadcast_in_dim3A_109, %select_n3A_82 : vector<1x64xi1>, vector<1x64xi32>
    %eq3A_111 = vector.broadcast %broadcast_in_dim3A_104 : vector<1x1xi32> to vector<16x128xi32>
    %eq3A_112 = arith.cmpi eq, %add3A, %eq3A_111 : vector<16x128xi32>
    %jit3A_113 = arith.constant 0xFF800000 : f32
    %broadcast_in_dim3A_114 = vector.broadcast %jit3A_113 : f32 to vector<16x128xf32>
    %select_n3A_115 = arith.select %eq3A_112, %broadcast_in_dim3A_114, %select_n3A_87 : vector<16x128xi1>, vector<16x128xf32>
    %reduce_max3A_116 = vector.shape_cast %select_n3A_115 : vector<16x128xf32> to vector<1x16x128xf32>
    %reduce_max3A_117 = arith.constant dense<0xFF800000> : vector<1xf32>
    %reduce_max3A_118 = vector.multi_reduction <maximumf>, %reduce_max3A_116, %reduce_max3A_117 [1, 2] : vector<1x16x128xf32> to vector<1xf32>
    %reduce_max3A_119 = vector.shape_cast %reduce_max3A_118 : vector<1xf32> to vector<1x1x1xf32>
    %reduce_max3A_120 = vector.extract %reduce_max3A_119[0, 0, 0] : f32 from vector<1x1x1xf32>
    %broadcast_in_dim3A_121 = vector.broadcast %reduce_max3A_120 : f32 to vector<1x1xf32>
    %eq3A_122 = vector.broadcast %broadcast_in_dim3A_121 : vector<1x1xf32> to vector<16x128xf32>
    %eq3A_123 = arith.cmpf oeq, %select_n3A_115, %eq3A_122 : vector<16x128xf32>
    %jit3A_124 = arith.constant 2048 : i32
    %broadcast_in_dim3A_125 = vector.broadcast %jit3A_124 : i32 to vector<16x128xi32>
    %select_n3A_126 = arith.select %eq3A_123, %add3A, %broadcast_in_dim3A_125 : vector<16x128xi1>, vector<16x128xi32>
    %reduce_min3A_127 = vector.shape_cast %select_n3A_126 : vector<16x128xi32> to vector<1x16x128xi32>
    %reduce_min3A_128 = arith.constant dense<2147483647> : vector<1xi32>
    %reduce_min3A_129 = vector.multi_reduction <minsi>, %reduce_min3A_127, %reduce_min3A_128 [1, 2] : vector<1x16x128xi32> to vector<1xi32>
    %reduce_min3A_130 = vector.shape_cast %reduce_min3A_129 : vector<1xi32> to vector<1x1x1xi32>
    %reduce_min3A_131 = vector.extract %reduce_min3A_130[0, 0, 0] : i32 from vector<1x1x1xi32>
    %broadcast_in_dim3A_132 = vector.broadcast %reduce_min3A_131 : i32 to vector<1x1xi32>
    %eq3A_133 = arith.constant 4 : i32
    %eq3A_134 = vector.broadcast %eq3A_133 : i32 to vector<1x64xi32>
    %eq3A_135 = arith.cmpi eq, %iota3A_7, %eq3A_134 : vector<1x64xi32>
    %broadcast_in_dim3A_136 = vector.shape_cast %broadcast_in_dim3A_132 : vector<1x1xi32> to vector<1x1xi32>
    %broadcast_in_dim3A_137 = vector.broadcast %broadcast_in_dim3A_136 : vector<1x1xi32> to vector<1x64xi32>
    %select_n3A_138 = arith.select %eq3A_135, %broadcast_in_dim3A_137, %select_n3A_110 : vector<1x64xi1>, vector<1x64xi32>
    %eq3A_139 = vector.broadcast %broadcast_in_dim3A_132 : vector<1x1xi32> to vector<16x128xi32>
    %eq3A_140 = arith.cmpi eq, %add3A, %eq3A_139 : vector<16x128xi32>
    %jit3A_141 = arith.constant 0xFF800000 : f32
    %broadcast_in_dim3A_142 = vector.broadcast %jit3A_141 : f32 to vector<16x128xf32>
    %select_n3A_143 = arith.select %eq3A_140, %broadcast_in_dim3A_142, %select_n3A_115 : vector<16x128xi1>, vector<16x128xf32>
    %reduce_max3A_144 = vector.shape_cast %select_n3A_143 : vector<16x128xf32> to vector<1x16x128xf32>
    %reduce_max3A_145 = arith.constant dense<0xFF800000> : vector<1xf32>
    %reduce_max3A_146 = vector.multi_reduction <maximumf>, %reduce_max3A_144, %reduce_max3A_145 [1, 2] : vector<1x16x128xf32> to vector<1xf32>
    %reduce_max3A_147 = vector.shape_cast %reduce_max3A_146 : vector<1xf32> to vector<1x1x1xf32>
    %reduce_max3A_148 = vector.extract %reduce_max3A_147[0, 0, 0] : f32 from vector<1x1x1xf32>
    %broadcast_in_dim3A_149 = vector.broadcast %reduce_max3A_148 : f32 to vector<1x1xf32>
    %eq3A_150 = vector.broadcast %broadcast_in_dim3A_149 : vector<1x1xf32> to vector<16x128xf32>
    %eq3A_151 = arith.cmpf oeq, %select_n3A_143, %eq3A_150 : vector<16x128xf32>
    %jit3A_152 = arith.constant 2048 : i32
    %broadcast_in_dim3A_153 = vector.broadcast %jit3A_152 : i32 to vector<16x128xi32>
    %select_n3A_154 = arith.select %eq3A_151, %add3A, %broadcast_in_dim3A_153 : vector<16x128xi1>, vector<16x128xi32>
    %reduce_min3A_155 = vector.shape_cast %select_n3A_154 : vector<16x128xi32> to vector<1x16x128xi32>
    %reduce_min3A_156 = arith.constant dense<2147483647> : vector<1xi32>
    %reduce_min3A_157 = vector.multi_reduction <minsi>, %reduce_min3A_155, %reduce_min3A_156 [1, 2] : vector<1x16x128xi32> to vector<1xi32>
    %reduce_min3A_158 = vector.shape_cast %reduce_min3A_157 : vector<1xi32> to vector<1x1x1xi32>
    %reduce_min3A_159 = vector.extract %reduce_min3A_158[0, 0, 0] : i32 from vector<1x1x1xi32>
    %broadcast_in_dim3A_160 = vector.broadcast %reduce_min3A_159 : i32 to vector<1x1xi32>
    %eq3A_161 = arith.constant 5 : i32
    %eq3A_162 = vector.broadcast %eq3A_161 : i32 to vector<1x64xi32>
    %eq3A_163 = arith.cmpi eq, %iota3A_7, %eq3A_162 : vector<1x64xi32>
    %broadcast_in_dim3A_164 = vector.shape_cast %broadcast_in_dim3A_160 : vector<1x1xi32> to vector<1x1xi32>
    %broadcast_in_dim3A_165 = vector.broadcast %broadcast_in_dim3A_164 : vector<1x1xi32> to vector<1x64xi32>
    %select_n3A_166 = arith.select %eq3A_163, %broadcast_in_dim3A_165, %select_n3A_138 : vector<1x64xi1>, vector<1x64xi32>
    %eq3A_167 = vector.broadcast %broadcast_in_dim3A_160 : vector<1x1xi32> to vector<16x128xi32>
    %eq3A_168 = arith.cmpi eq, %add3A, %eq3A_167 : vector<16x128xi32>
    %jit3A_169 = arith.constant 0xFF800000 : f32
    %broadcast_in_dim3A_170 = vector.broadcast %jit3A_169 : f32 to vector<16x128xf32>
    %select_n3A_171 = arith.select %eq3A_168, %broadcast_in_dim3A_170, %select_n3A_143 : vector<16x128xi1>, vector<16x128xf32>
    %reduce_max3A_172 = vector.shape_cast %select_n3A_171 : vector<16x128xf32> to vector<1x16x128xf32>
    %reduce_max3A_173 = arith.constant dense<0xFF800000> : vector<1xf32>
    %reduce_max3A_174 = vector.multi_reduction <maximumf>, %reduce_max3A_172, %reduce_max3A_173 [1, 2] : vector<1x16x128xf32> to vector<1xf32>
    %reduce_max3A_175 = vector.shape_cast %reduce_max3A_174 : vector<1xf32> to vector<1x1x1xf32>
    %reduce_max3A_176 = vector.extract %reduce_max3A_175[0, 0, 0] : f32 from vector<1x1x1xf32>
    %broadcast_in_dim3A_177 = vector.broadcast %reduce_max3A_176 : f32 to vector<1x1xf32>
    %eq3A_178 = vector.broadcast %broadcast_in_dim3A_177 : vector<1x1xf32> to vector<16x128xf32>
    %eq3A_179 = arith.cmpf oeq, %select_n3A_171, %eq3A_178 : vector<16x128xf32>
    %jit3A_180 = arith.constant 2048 : i32
    %broadcast_in_dim3A_181 = vector.broadcast %jit3A_180 : i32 to vector<16x128xi32>
    %select_n3A_182 = arith.select %eq3A_179, %add3A, %broadcast_in_dim3A_181 : vector<16x128xi1>, vector<16x128xi32>
    %reduce_min3A_183 = vector.shape_cast %select_n3A_182 : vector<16x128xi32> to vector<1x16x128xi32>
    %reduce_min3A_184 = arith.constant dense<2147483647> : vector<1xi32>
    %reduce_min3A_185 = vector.multi_reduction <minsi>, %reduce_min3A_183, %reduce_min3A_184 [1, 2] : vector<1x16x128xi32> to vector<1xi32>
    %reduce_min3A_186 = vector.shape_cast %reduce_min3A_185 : vector<1xi32> to vector<1x1x1xi32>
    %reduce_min3A_187 = vector.extract %reduce_min3A_186[0, 0, 0] : i32 from vector<1x1x1xi32>
    %broadcast_in_dim3A_188 = vector.broadcast %reduce_min3A_187 : i32 to vector<1x1xi32>
    %eq3A_189 = arith.constant 6 : i32
    %eq3A_190 = vector.broadcast %eq3A_189 : i32 to vector<1x64xi32>
    %eq3A_191 = arith.cmpi eq, %iota3A_7, %eq3A_190 : vector<1x64xi32>
    %broadcast_in_dim3A_192 = vector.shape_cast %broadcast_in_dim3A_188 : vector<1x1xi32> to vector<1x1xi32>
    %broadcast_in_dim3A_193 = vector.broadcast %broadcast_in_dim3A_192 : vector<1x1xi32> to vector<1x64xi32>
    %select_n3A_194 = arith.select %eq3A_191, %broadcast_in_dim3A_193, %select_n3A_166 : vector<1x64xi1>, vector<1x64xi32>
    %eq3A_195 = vector.broadcast %broadcast_in_dim3A_188 : vector<1x1xi32> to vector<16x128xi32>
    %eq3A_196 = arith.cmpi eq, %add3A, %eq3A_195 : vector<16x128xi32>
    %jit3A_197 = arith.constant 0xFF800000 : f32
    %broadcast_in_dim3A_198 = vector.broadcast %jit3A_197 : f32 to vector<16x128xf32>
    %select_n3A_199 = arith.select %eq3A_196, %broadcast_in_dim3A_198, %select_n3A_171 : vector<16x128xi1>, vector<16x128xf32>
    %reduce_max3A_200 = vector.shape_cast %select_n3A_199 : vector<16x128xf32> to vector<1x16x128xf32>
    %reduce_max3A_201 = arith.constant dense<0xFF800000> : vector<1xf32>
    %reduce_max3A_202 = vector.multi_reduction <maximumf>, %reduce_max3A_200, %reduce_max3A_201 [1, 2] : vector<1x16x128xf32> to vector<1xf32>
    %reduce_max3A_203 = vector.shape_cast %reduce_max3A_202 : vector<1xf32> to vector<1x1x1xf32>
    %reduce_max3A_204 = vector.extract %reduce_max3A_203[0, 0, 0] : f32 from vector<1x1x1xf32>
    %broadcast_in_dim3A_205 = vector.broadcast %reduce_max3A_204 : f32 to vector<1x1xf32>
    %eq3A_206 = vector.broadcast %broadcast_in_dim3A_205 : vector<1x1xf32> to vector<16x128xf32>
    %eq3A_207 = arith.cmpf oeq, %select_n3A_199, %eq3A_206 : vector<16x128xf32>
    %jit3A_208 = arith.constant 2048 : i32
    %broadcast_in_dim3A_209 = vector.broadcast %jit3A_208 : i32 to vector<16x128xi32>
    %select_n3A_210 = arith.select %eq3A_207, %add3A, %broadcast_in_dim3A_209 : vector<16x128xi1>, vector<16x128xi32>
    %reduce_min3A_211 = vector.shape_cast %select_n3A_210 : vector<16x128xi32> to vector<1x16x128xi32>
    %reduce_min3A_212 = arith.constant dense<2147483647> : vector<1xi32>
    %reduce_min3A_213 = vector.multi_reduction <minsi>, %reduce_min3A_211, %reduce_min3A_212 [1, 2] : vector<1x16x128xi32> to vector<1xi32>
    %reduce_min3A_214 = vector.shape_cast %reduce_min3A_213 : vector<1xi32> to vector<1x1x1xi32>
    %reduce_min3A_215 = vector.extract %reduce_min3A_214[0, 0, 0] : i32 from vector<1x1x1xi32>
    %broadcast_in_dim3A_216 = vector.broadcast %reduce_min3A_215 : i32 to vector<1x1xi32>
    %eq3A_217 = arith.constant 7 : i32
    %eq3A_218 = vector.broadcast %eq3A_217 : i32 to vector<1x64xi32>
    %eq3A_219 = arith.cmpi eq, %iota3A_7, %eq3A_218 : vector<1x64xi32>
    %broadcast_in_dim3A_220 = vector.shape_cast %broadcast_in_dim3A_216 : vector<1x1xi32> to vector<1x1xi32>
    %broadcast_in_dim3A_221 = vector.broadcast %broadcast_in_dim3A_220 : vector<1x1xi32> to vector<1x64xi32>
    %select_n3A_222 = arith.select %eq3A_219, %broadcast_in_dim3A_221, %select_n3A_194 : vector<1x64xi1>, vector<1x64xi32>
    %eq3A_223 = vector.broadcast %broadcast_in_dim3A_216 : vector<1x1xi32> to vector<16x128xi32>
    %eq3A_224 = arith.cmpi eq, %add3A, %eq3A_223 : vector<16x128xi32>
    %jit3A_225 = arith.constant 0xFF800000 : f32
    %broadcast_in_dim3A_226 = vector.broadcast %jit3A_225 : f32 to vector<16x128xf32>
    %select_n3A_227 = arith.select %eq3A_224, %broadcast_in_dim3A_226, %select_n3A_199 : vector<16x128xi1>, vector<16x128xf32>
    %reduce_max3A_228 = vector.shape_cast %select_n3A_227 : vector<16x128xf32> to vector<1x16x128xf32>
    %reduce_max3A_229 = arith.constant dense<0xFF800000> : vector<1xf32>
    %reduce_max3A_230 = vector.multi_reduction <maximumf>, %reduce_max3A_228, %reduce_max3A_229 [1, 2] : vector<1x16x128xf32> to vector<1xf32>
    %reduce_max3A_231 = vector.shape_cast %reduce_max3A_230 : vector<1xf32> to vector<1x1x1xf32>
    %reduce_max3A_232 = vector.extract %reduce_max3A_231[0, 0, 0] : f32 from vector<1x1x1xf32>
    %broadcast_in_dim3A_233 = vector.broadcast %reduce_max3A_232 : f32 to vector<1x1xf32>
    %eq3A_234 = vector.broadcast %broadcast_in_dim3A_233 : vector<1x1xf32> to vector<16x128xf32>
    %eq3A_235 = arith.cmpf oeq, %select_n3A_227, %eq3A_234 : vector<16x128xf32>
    %jit3A_236 = arith.constant 2048 : i32
    %broadcast_in_dim3A_237 = vector.broadcast %jit3A_236 : i32 to vector<16x128xi32>
    %select_n3A_238 = arith.select %eq3A_235, %add3A, %broadcast_in_dim3A_237 : vector<16x128xi1>, vector<16x128xi32>
    %reduce_min3A_239 = vector.shape_cast %select_n3A_238 : vector<16x128xi32> to vector<1x16x128xi32>
    %reduce_min3A_240 = arith.constant dense<2147483647> : vector<1xi32>
    %reduce_min3A_241 = vector.multi_reduction <minsi>, %reduce_min3A_239, %reduce_min3A_240 [1, 2] : vector<1x16x128xi32> to vector<1xi32>
    %reduce_min3A_242 = vector.shape_cast %reduce_min3A_241 : vector<1xi32> to vector<1x1x1xi32>
    %reduce_min3A_243 = vector.extract %reduce_min3A_242[0, 0, 0] : i32 from vector<1x1x1xi32>
    %broadcast_in_dim3A_244 = vector.broadcast %reduce_min3A_243 : i32 to vector<1x1xi32>
    %eq3A_245 = arith.constant 8 : i32
    %eq3A_246 = vector.broadcast %eq3A_245 : i32 to vector<1x64xi32>
    %eq3A_247 = arith.cmpi eq, %iota3A_7, %eq3A_246 : vector<1x64xi32>
    %broadcast_in_dim3A_248 = vector.shape_cast %broadcast_in_dim3A_244 : vector<1x1xi32> to vector<1x1xi32>
    %broadcast_in_dim3A_249 = vector.broadcast %broadcast_in_dim3A_248 : vector<1x1xi32> to vector<1x64xi32>
    %select_n3A_250 = arith.select %eq3A_247, %broadcast_in_dim3A_249, %select_n3A_222 : vector<1x64xi1>, vector<1x64xi32>
    %eq3A_251 = vector.broadcast %broadcast_in_dim3A_244 : vector<1x1xi32> to vector<16x128xi32>
    %eq3A_252 = arith.cmpi eq, %add3A, %eq3A_251 : vector<16x128xi32>
    %jit3A_253 = arith.constant 0xFF800000 : f32
    %broadcast_in_dim3A_254 = vector.broadcast %jit3A_253 : f32 to vector<16x128xf32>
    %select_n3A_255 = arith.select %eq3A_252, %broadcast_in_dim3A_254, %select_n3A_227 : vector<16x128xi1>, vector<16x128xf32>
    %reduce_max3A_256 = vector.shape_cast %select_n3A_255 : vector<16x128xf32> to vector<1x16x128xf32>
    %reduce_max3A_257 = arith.constant dense<0xFF800000> : vector<1xf32>
    %reduce_max3A_258 = vector.multi_reduction <maximumf>, %reduce_max3A_256, %reduce_max3A_257 [1, 2] : vector<1x16x128xf32> to vector<1xf32>
    %reduce_max3A_259 = vector.shape_cast %reduce_max3A_258 : vector<1xf32> to vector<1x1x1xf32>
    %reduce_max3A_260 = vector.extract %reduce_max3A_259[0, 0, 0] : f32 from vector<1x1x1xf32>
    %broadcast_in_dim3A_261 = vector.broadcast %reduce_max3A_260 : f32 to vector<1x1xf32>
    %eq3A_262 = vector.broadcast %broadcast_in_dim3A_261 : vector<1x1xf32> to vector<16x128xf32>
    %eq3A_263 = arith.cmpf oeq, %select_n3A_255, %eq3A_262 : vector<16x128xf32>
    %jit3A_264 = arith.constant 2048 : i32
    %broadcast_in_dim3A_265 = vector.broadcast %jit3A_264 : i32 to vector<16x128xi32>
    %select_n3A_266 = arith.select %eq3A_263, %add3A, %broadcast_in_dim3A_265 : vector<16x128xi1>, vector<16x128xi32>
    %reduce_min3A_267 = vector.shape_cast %select_n3A_266 : vector<16x128xi32> to vector<1x16x128xi32>
    %reduce_min3A_268 = arith.constant dense<2147483647> : vector<1xi32>
    %reduce_min3A_269 = vector.multi_reduction <minsi>, %reduce_min3A_267, %reduce_min3A_268 [1, 2] : vector<1x16x128xi32> to vector<1xi32>
    %reduce_min3A_270 = vector.shape_cast %reduce_min3A_269 : vector<1xi32> to vector<1x1x1xi32>
    %reduce_min3A_271 = vector.extract %reduce_min3A_270[0, 0, 0] : i32 from vector<1x1x1xi32>
    %broadcast_in_dim3A_272 = vector.broadcast %reduce_min3A_271 : i32 to vector<1x1xi32>
    %eq3A_273 = arith.constant 9 : i32
    %eq3A_274 = vector.broadcast %eq3A_273 : i32 to vector<1x64xi32>
    %eq3A_275 = arith.cmpi eq, %iota3A_7, %eq3A_274 : vector<1x64xi32>
    %broadcast_in_dim3A_276 = vector.shape_cast %broadcast_in_dim3A_272 : vector<1x1xi32> to vector<1x1xi32>
    %broadcast_in_dim3A_277 = vector.broadcast %broadcast_in_dim3A_276 : vector<1x1xi32> to vector<1x64xi32>
    %select_n3A_278 = arith.select %eq3A_275, %broadcast_in_dim3A_277, %select_n3A_250 : vector<1x64xi1>, vector<1x64xi32>
    %eq3A_279 = vector.broadcast %broadcast_in_dim3A_272 : vector<1x1xi32> to vector<16x128xi32>
    %eq3A_280 = arith.cmpi eq, %add3A, %eq3A_279 : vector<16x128xi32>
    %jit3A_281 = arith.constant 0xFF800000 : f32
    %broadcast_in_dim3A_282 = vector.broadcast %jit3A_281 : f32 to vector<16x128xf32>
    %select_n3A_283 = arith.select %eq3A_280, %broadcast_in_dim3A_282, %select_n3A_255 : vector<16x128xi1>, vector<16x128xf32>
    %reduce_max3A_284 = vector.shape_cast %select_n3A_283 : vector<16x128xf32> to vector<1x16x128xf32>
    %reduce_max3A_285 = arith.constant dense<0xFF800000> : vector<1xf32>
    %reduce_max3A_286 = vector.multi_reduction <maximumf>, %reduce_max3A_284, %reduce_max3A_285 [1, 2] : vector<1x16x128xf32> to vector<1xf32>
    %reduce_max3A_287 = vector.shape_cast %reduce_max3A_286 : vector<1xf32> to vector<1x1x1xf32>
    %reduce_max3A_288 = vector.extract %reduce_max3A_287[0, 0, 0] : f32 from vector<1x1x1xf32>
    %broadcast_in_dim3A_289 = vector.broadcast %reduce_max3A_288 : f32 to vector<1x1xf32>
    %eq3A_290 = vector.broadcast %broadcast_in_dim3A_289 : vector<1x1xf32> to vector<16x128xf32>
    %eq3A_291 = arith.cmpf oeq, %select_n3A_283, %eq3A_290 : vector<16x128xf32>
    %jit3A_292 = arith.constant 2048 : i32
    %broadcast_in_dim3A_293 = vector.broadcast %jit3A_292 : i32 to vector<16x128xi32>
    %select_n3A_294 = arith.select %eq3A_291, %add3A, %broadcast_in_dim3A_293 : vector<16x128xi1>, vector<16x128xi32>
    %reduce_min3A_295 = vector.shape_cast %select_n3A_294 : vector<16x128xi32> to vector<1x16x128xi32>
    %reduce_min3A_296 = arith.constant dense<2147483647> : vector<1xi32>
    %reduce_min3A_297 = vector.multi_reduction <minsi>, %reduce_min3A_295, %reduce_min3A_296 [1, 2] : vector<1x16x128xi32> to vector<1xi32>
    %reduce_min3A_298 = vector.shape_cast %reduce_min3A_297 : vector<1xi32> to vector<1x1x1xi32>
    %reduce_min3A_299 = vector.extract %reduce_min3A_298[0, 0, 0] : i32 from vector<1x1x1xi32>
    %broadcast_in_dim3A_300 = vector.broadcast %reduce_min3A_299 : i32 to vector<1x1xi32>
    %eq3A_301 = arith.constant 10 : i32
    %eq3A_302 = vector.broadcast %eq3A_301 : i32 to vector<1x64xi32>
    %eq3A_303 = arith.cmpi eq, %iota3A_7, %eq3A_302 : vector<1x64xi32>
    %broadcast_in_dim3A_304 = vector.shape_cast %broadcast_in_dim3A_300 : vector<1x1xi32> to vector<1x1xi32>
    %broadcast_in_dim3A_305 = vector.broadcast %broadcast_in_dim3A_304 : vector<1x1xi32> to vector<1x64xi32>
    %select_n3A_306 = arith.select %eq3A_303, %broadcast_in_dim3A_305, %select_n3A_278 : vector<1x64xi1>, vector<1x64xi32>
    %eq3A_307 = vector.broadcast %broadcast_in_dim3A_300 : vector<1x1xi32> to vector<16x128xi32>
    %eq3A_308 = arith.cmpi eq, %add3A, %eq3A_307 : vector<16x128xi32>
    %jit3A_309 = arith.constant 0xFF800000 : f32
    %broadcast_in_dim3A_310 = vector.broadcast %jit3A_309 : f32 to vector<16x128xf32>
    %select_n3A_311 = arith.select %eq3A_308, %broadcast_in_dim3A_310, %select_n3A_283 : vector<16x128xi1>, vector<16x128xf32>
    %reduce_max3A_312 = vector.shape_cast %select_n3A_311 : vector<16x128xf32> to vector<1x16x128xf32>
    %reduce_max3A_313 = arith.constant dense<0xFF800000> : vector<1xf32>
    %reduce_max3A_314 = vector.multi_reduction <maximumf>, %reduce_max3A_312, %reduce_max3A_313 [1, 2] : vector<1x16x128xf32> to vector<1xf32>
    %reduce_max3A_315 = vector.shape_cast %reduce_max3A_314 : vector<1xf32> to vector<1x1x1xf32>
    %reduce_max3A_316 = vector.extract %reduce_max3A_315[0, 0, 0] : f32 from vector<1x1x1xf32>
    %broadcast_in_dim3A_317 = vector.broadcast %reduce_max3A_316 : f32 to vector<1x1xf32>
    %eq3A_318 = vector.broadcast %broadcast_in_dim3A_317 : vector<1x1xf32> to vector<16x128xf32>
    %eq3A_319 = arith.cmpf oeq, %select_n3A_311, %eq3A_318 : vector<16x128xf32>
    %jit3A_320 = arith.constant 2048 : i32
    %broadcast_in_dim3A_321 = vector.broadcast %jit3A_320 : i32 to vector<16x128xi32>
    %select_n3A_322 = arith.select %eq3A_319, %add3A, %broadcast_in_dim3A_321 : vector<16x128xi1>, vector<16x128xi32>
    %reduce_min3A_323 = vector.shape_cast %select_n3A_322 : vector<16x128xi32> to vector<1x16x128xi32>
    %reduce_min3A_324 = arith.constant dense<2147483647> : vector<1xi32>
    %reduce_min3A_325 = vector.multi_reduction <minsi>, %reduce_min3A_323, %reduce_min3A_324 [1, 2] : vector<1x16x128xi32> to vector<1xi32>
    %reduce_min3A_326 = vector.shape_cast %reduce_min3A_325 : vector<1xi32> to vector<1x1x1xi32>
    %reduce_min3A_327 = vector.extract %reduce_min3A_326[0, 0, 0] : i32 from vector<1x1x1xi32>
    %broadcast_in_dim3A_328 = vector.broadcast %reduce_min3A_327 : i32 to vector<1x1xi32>
    %eq3A_329 = arith.constant 11 : i32
    %eq3A_330 = vector.broadcast %eq3A_329 : i32 to vector<1x64xi32>
    %eq3A_331 = arith.cmpi eq, %iota3A_7, %eq3A_330 : vector<1x64xi32>
    %broadcast_in_dim3A_332 = vector.shape_cast %broadcast_in_dim3A_328 : vector<1x1xi32> to vector<1x1xi32>
    %broadcast_in_dim3A_333 = vector.broadcast %broadcast_in_dim3A_332 : vector<1x1xi32> to vector<1x64xi32>
    %select_n3A_334 = arith.select %eq3A_331, %broadcast_in_dim3A_333, %select_n3A_306 : vector<1x64xi1>, vector<1x64xi32>
    %eq3A_335 = vector.broadcast %broadcast_in_dim3A_328 : vector<1x1xi32> to vector<16x128xi32>
    %eq3A_336 = arith.cmpi eq, %add3A, %eq3A_335 : vector<16x128xi32>
    %jit3A_337 = arith.constant 0xFF800000 : f32
    %broadcast_in_dim3A_338 = vector.broadcast %jit3A_337 : f32 to vector<16x128xf32>
    %select_n3A_339 = arith.select %eq3A_336, %broadcast_in_dim3A_338, %select_n3A_311 : vector<16x128xi1>, vector<16x128xf32>
    %reduce_max3A_340 = vector.shape_cast %select_n3A_339 : vector<16x128xf32> to vector<1x16x128xf32>
    %reduce_max3A_341 = arith.constant dense<0xFF800000> : vector<1xf32>
    %reduce_max3A_342 = vector.multi_reduction <maximumf>, %reduce_max3A_340, %reduce_max3A_341 [1, 2] : vector<1x16x128xf32> to vector<1xf32>
    %reduce_max3A_343 = vector.shape_cast %reduce_max3A_342 : vector<1xf32> to vector<1x1x1xf32>
    %reduce_max3A_344 = vector.extract %reduce_max3A_343[0, 0, 0] : f32 from vector<1x1x1xf32>
    %broadcast_in_dim3A_345 = vector.broadcast %reduce_max3A_344 : f32 to vector<1x1xf32>
    %eq3A_346 = vector.broadcast %broadcast_in_dim3A_345 : vector<1x1xf32> to vector<16x128xf32>
    %eq3A_347 = arith.cmpf oeq, %select_n3A_339, %eq3A_346 : vector<16x128xf32>
    %jit3A_348 = arith.constant 2048 : i32
    %broadcast_in_dim3A_349 = vector.broadcast %jit3A_348 : i32 to vector<16x128xi32>
    %select_n3A_350 = arith.select %eq3A_347, %add3A, %broadcast_in_dim3A_349 : vector<16x128xi1>, vector<16x128xi32>
    %reduce_min3A_351 = vector.shape_cast %select_n3A_350 : vector<16x128xi32> to vector<1x16x128xi32>
    %reduce_min3A_352 = arith.constant dense<2147483647> : vector<1xi32>
    %reduce_min3A_353 = vector.multi_reduction <minsi>, %reduce_min3A_351, %reduce_min3A_352 [1, 2] : vector<1x16x128xi32> to vector<1xi32>
    %reduce_min3A_354 = vector.shape_cast %reduce_min3A_353 : vector<1xi32> to vector<1x1x1xi32>
    %reduce_min3A_355 = vector.extract %reduce_min3A_354[0, 0, 0] : i32 from vector<1x1x1xi32>
    %broadcast_in_dim3A_356 = vector.broadcast %reduce_min3A_355 : i32 to vector<1x1xi32>
    %eq3A_357 = arith.constant 12 : i32
    %eq3A_358 = vector.broadcast %eq3A_357 : i32 to vector<1x64xi32>
    %eq3A_359 = arith.cmpi eq, %iota3A_7, %eq3A_358 : vector<1x64xi32>
    %broadcast_in_dim3A_360 = vector.shape_cast %broadcast_in_dim3A_356 : vector<1x1xi32> to vector<1x1xi32>
    %broadcast_in_dim3A_361 = vector.broadcast %broadcast_in_dim3A_360 : vector<1x1xi32> to vector<1x64xi32>
    %select_n3A_362 = arith.select %eq3A_359, %broadcast_in_dim3A_361, %select_n3A_334 : vector<1x64xi1>, vector<1x64xi32>
    %eq3A_363 = vector.broadcast %broadcast_in_dim3A_356 : vector<1x1xi32> to vector<16x128xi32>
    %eq3A_364 = arith.cmpi eq, %add3A, %eq3A_363 : vector<16x128xi32>
    %jit3A_365 = arith.constant 0xFF800000 : f32
    %broadcast_in_dim3A_366 = vector.broadcast %jit3A_365 : f32 to vector<16x128xf32>
    %select_n3A_367 = arith.select %eq3A_364, %broadcast_in_dim3A_366, %select_n3A_339 : vector<16x128xi1>, vector<16x128xf32>
    %reduce_max3A_368 = vector.shape_cast %select_n3A_367 : vector<16x128xf32> to vector<1x16x128xf32>
    %reduce_max3A_369 = arith.constant dense<0xFF800000> : vector<1xf32>
    %reduce_max3A_370 = vector.multi_reduction <maximumf>, %reduce_max3A_368, %reduce_max3A_369 [1, 2] : vector<1x16x128xf32> to vector<1xf32>
    %reduce_max3A_371 = vector.shape_cast %reduce_max3A_370 : vector<1xf32> to vector<1x1x1xf32>
    %reduce_max3A_372 = vector.extract %reduce_max3A_371[0, 0, 0] : f32 from vector<1x1x1xf32>
    %broadcast_in_dim3A_373 = vector.broadcast %reduce_max3A_372 : f32 to vector<1x1xf32>
    %eq3A_374 = vector.broadcast %broadcast_in_dim3A_373 : vector<1x1xf32> to vector<16x128xf32>
    %eq3A_375 = arith.cmpf oeq, %select_n3A_367, %eq3A_374 : vector<16x128xf32>
    %jit3A_376 = arith.constant 2048 : i32
    %broadcast_in_dim3A_377 = vector.broadcast %jit3A_376 : i32 to vector<16x128xi32>
    %select_n3A_378 = arith.select %eq3A_375, %add3A, %broadcast_in_dim3A_377 : vector<16x128xi1>, vector<16x128xi32>
    %reduce_min3A_379 = vector.shape_cast %select_n3A_378 : vector<16x128xi32> to vector<1x16x128xi32>
    %reduce_min3A_380 = arith.constant dense<2147483647> : vector<1xi32>
    %reduce_min3A_381 = vector.multi_reduction <minsi>, %reduce_min3A_379, %reduce_min3A_380 [1, 2] : vector<1x16x128xi32> to vector<1xi32>
    %reduce_min3A_382 = vector.shape_cast %reduce_min3A_381 : vector<1xi32> to vector<1x1x1xi32>
    %reduce_min3A_383 = vector.extract %reduce_min3A_382[0, 0, 0] : i32 from vector<1x1x1xi32>
    %broadcast_in_dim3A_384 = vector.broadcast %reduce_min3A_383 : i32 to vector<1x1xi32>
    %eq3A_385 = arith.constant 13 : i32
    %eq3A_386 = vector.broadcast %eq3A_385 : i32 to vector<1x64xi32>
    %eq3A_387 = arith.cmpi eq, %iota3A_7, %eq3A_386 : vector<1x64xi32>
    %broadcast_in_dim3A_388 = vector.shape_cast %broadcast_in_dim3A_384 : vector<1x1xi32> to vector<1x1xi32>
    %broadcast_in_dim3A_389 = vector.broadcast %broadcast_in_dim3A_388 : vector<1x1xi32> to vector<1x64xi32>
    %select_n3A_390 = arith.select %eq3A_387, %broadcast_in_dim3A_389, %select_n3A_362 : vector<1x64xi1>, vector<1x64xi32>
    %eq3A_391 = vector.broadcast %broadcast_in_dim3A_384 : vector<1x1xi32> to vector<16x128xi32>
    %eq3A_392 = arith.cmpi eq, %add3A, %eq3A_391 : vector<16x128xi32>
    %jit3A_393 = arith.constant 0xFF800000 : f32
    %broadcast_in_dim3A_394 = vector.broadcast %jit3A_393 : f32 to vector<16x128xf32>
    %select_n3A_395 = arith.select %eq3A_392, %broadcast_in_dim3A_394, %select_n3A_367 : vector<16x128xi1>, vector<16x128xf32>
    %reduce_max3A_396 = vector.shape_cast %select_n3A_395 : vector<16x128xf32> to vector<1x16x128xf32>
    %reduce_max3A_397 = arith.constant dense<0xFF800000> : vector<1xf32>
    %reduce_max3A_398 = vector.multi_reduction <maximumf>, %reduce_max3A_396, %reduce_max3A_397 [1, 2] : vector<1x16x128xf32> to vector<1xf32>
    %reduce_max3A_399 = vector.shape_cast %reduce_max3A_398 : vector<1xf32> to vector<1x1x1xf32>
    %reduce_max3A_400 = vector.extract %reduce_max3A_399[0, 0, 0] : f32 from vector<1x1x1xf32>
    %broadcast_in_dim3A_401 = vector.broadcast %reduce_max3A_400 : f32 to vector<1x1xf32>
    %eq3A_402 = vector.broadcast %broadcast_in_dim3A_401 : vector<1x1xf32> to vector<16x128xf32>
    %eq3A_403 = arith.cmpf oeq, %select_n3A_395, %eq3A_402 : vector<16x128xf32>
    %jit3A_404 = arith.constant 2048 : i32
    %broadcast_in_dim3A_405 = vector.broadcast %jit3A_404 : i32 to vector<16x128xi32>
    %select_n3A_406 = arith.select %eq3A_403, %add3A, %broadcast_in_dim3A_405 : vector<16x128xi1>, vector<16x128xi32>
    %reduce_min3A_407 = vector.shape_cast %select_n3A_406 : vector<16x128xi32> to vector<1x16x128xi32>
    %reduce_min3A_408 = arith.constant dense<2147483647> : vector<1xi32>
    %reduce_min3A_409 = vector.multi_reduction <minsi>, %reduce_min3A_407, %reduce_min3A_408 [1, 2] : vector<1x16x128xi32> to vector<1xi32>
    %reduce_min3A_410 = vector.shape_cast %reduce_min3A_409 : vector<1xi32> to vector<1x1x1xi32>
    %reduce_min3A_411 = vector.extract %reduce_min3A_410[0, 0, 0] : i32 from vector<1x1x1xi32>
    %broadcast_in_dim3A_412 = vector.broadcast %reduce_min3A_411 : i32 to vector<1x1xi32>
    %eq3A_413 = arith.constant 14 : i32
    %eq3A_414 = vector.broadcast %eq3A_413 : i32 to vector<1x64xi32>
    %eq3A_415 = arith.cmpi eq, %iota3A_7, %eq3A_414 : vector<1x64xi32>
    %broadcast_in_dim3A_416 = vector.shape_cast %broadcast_in_dim3A_412 : vector<1x1xi32> to vector<1x1xi32>
    %broadcast_in_dim3A_417 = vector.broadcast %broadcast_in_dim3A_416 : vector<1x1xi32> to vector<1x64xi32>
    %select_n3A_418 = arith.select %eq3A_415, %broadcast_in_dim3A_417, %select_n3A_390 : vector<1x64xi1>, vector<1x64xi32>
    %eq3A_419 = vector.broadcast %broadcast_in_dim3A_412 : vector<1x1xi32> to vector<16x128xi32>
    %eq3A_420 = arith.cmpi eq, %add3A, %eq3A_419 : vector<16x128xi32>
    %jit3A_421 = arith.constant 0xFF800000 : f32
    %broadcast_in_dim3A_422 = vector.broadcast %jit3A_421 : f32 to vector<16x128xf32>
    %select_n3A_423 = arith.select %eq3A_420, %broadcast_in_dim3A_422, %select_n3A_395 : vector<16x128xi1>, vector<16x128xf32>
    %reduce_max3A_424 = vector.shape_cast %select_n3A_423 : vector<16x128xf32> to vector<1x16x128xf32>
    %reduce_max3A_425 = arith.constant dense<0xFF800000> : vector<1xf32>
    %reduce_max3A_426 = vector.multi_reduction <maximumf>, %reduce_max3A_424, %reduce_max3A_425 [1, 2] : vector<1x16x128xf32> to vector<1xf32>
    %reduce_max3A_427 = vector.shape_cast %reduce_max3A_426 : vector<1xf32> to vector<1x1x1xf32>
    %reduce_max3A_428 = vector.extract %reduce_max3A_427[0, 0, 0] : f32 from vector<1x1x1xf32>
    %broadcast_in_dim3A_429 = vector.broadcast %reduce_max3A_428 : f32 to vector<1x1xf32>
    %eq3A_430 = vector.broadcast %broadcast_in_dim3A_429 : vector<1x1xf32> to vector<16x128xf32>
    %eq3A_431 = arith.cmpf oeq, %select_n3A_423, %eq3A_430 : vector<16x128xf32>
    %jit3A_432 = arith.constant 2048 : i32
    %broadcast_in_dim3A_433 = vector.broadcast %jit3A_432 : i32 to vector<16x128xi32>
    %select_n3A_434 = arith.select %eq3A_431, %add3A, %broadcast_in_dim3A_433 : vector<16x128xi1>, vector<16x128xi32>
    %reduce_min3A_435 = vector.shape_cast %select_n3A_434 : vector<16x128xi32> to vector<1x16x128xi32>
    %reduce_min3A_436 = arith.constant dense<2147483647> : vector<1xi32>
    %reduce_min3A_437 = vector.multi_reduction <minsi>, %reduce_min3A_435, %reduce_min3A_436 [1, 2] : vector<1x16x128xi32> to vector<1xi32>
    %reduce_min3A_438 = vector.shape_cast %reduce_min3A_437 : vector<1xi32> to vector<1x1x1xi32>
    %reduce_min3A_439 = vector.extract %reduce_min3A_438[0, 0, 0] : i32 from vector<1x1x1xi32>
    %broadcast_in_dim3A_440 = vector.broadcast %reduce_min3A_439 : i32 to vector<1x1xi32>
    %eq3A_441 = arith.constant 15 : i32
    %eq3A_442 = vector.broadcast %eq3A_441 : i32 to vector<1x64xi32>
    %eq3A_443 = arith.cmpi eq, %iota3A_7, %eq3A_442 : vector<1x64xi32>
    %broadcast_in_dim3A_444 = vector.shape_cast %broadcast_in_dim3A_440 : vector<1x1xi32> to vector<1x1xi32>
    %broadcast_in_dim3A_445 = vector.broadcast %broadcast_in_dim3A_444 : vector<1x1xi32> to vector<1x64xi32>
    %select_n3A_446 = arith.select %eq3A_443, %broadcast_in_dim3A_445, %select_n3A_418 : vector<1x64xi1>, vector<1x64xi32>
    %eq3A_447 = vector.broadcast %broadcast_in_dim3A_440 : vector<1x1xi32> to vector<16x128xi32>
    %eq3A_448 = arith.cmpi eq, %add3A, %eq3A_447 : vector<16x128xi32>
    %jit3A_449 = arith.constant 0xFF800000 : f32
    %broadcast_in_dim3A_450 = vector.broadcast %jit3A_449 : f32 to vector<16x128xf32>
    %select_n3A_451 = arith.select %eq3A_448, %broadcast_in_dim3A_450, %select_n3A_423 : vector<16x128xi1>, vector<16x128xf32>
    %reduce_max3A_452 = vector.shape_cast %select_n3A_451 : vector<16x128xf32> to vector<1x16x128xf32>
    %reduce_max3A_453 = arith.constant dense<0xFF800000> : vector<1xf32>
    %reduce_max3A_454 = vector.multi_reduction <maximumf>, %reduce_max3A_452, %reduce_max3A_453 [1, 2] : vector<1x16x128xf32> to vector<1xf32>
    %reduce_max3A_455 = vector.shape_cast %reduce_max3A_454 : vector<1xf32> to vector<1x1x1xf32>
    %reduce_max3A_456 = vector.extract %reduce_max3A_455[0, 0, 0] : f32 from vector<1x1x1xf32>
    %broadcast_in_dim3A_457 = vector.broadcast %reduce_max3A_456 : f32 to vector<1x1xf32>
    %eq3A_458 = vector.broadcast %broadcast_in_dim3A_457 : vector<1x1xf32> to vector<16x128xf32>
    %eq3A_459 = arith.cmpf oeq, %select_n3A_451, %eq3A_458 : vector<16x128xf32>
    %jit3A_460 = arith.constant 2048 : i32
    %broadcast_in_dim3A_461 = vector.broadcast %jit3A_460 : i32 to vector<16x128xi32>
    %select_n3A_462 = arith.select %eq3A_459, %add3A, %broadcast_in_dim3A_461 : vector<16x128xi1>, vector<16x128xi32>
    %reduce_min3A_463 = vector.shape_cast %select_n3A_462 : vector<16x128xi32> to vector<1x16x128xi32>
    %reduce_min3A_464 = arith.constant dense<2147483647> : vector<1xi32>
    %reduce_min3A_465 = vector.multi_reduction <minsi>, %reduce_min3A_463, %reduce_min3A_464 [1, 2] : vector<1x16x128xi32> to vector<1xi32>
    %reduce_min3A_466 = vector.shape_cast %reduce_min3A_465 : vector<1xi32> to vector<1x1x1xi32>
    %reduce_min3A_467 = vector.extract %reduce_min3A_466[0, 0, 0] : i32 from vector<1x1x1xi32>
    %broadcast_in_dim3A_468 = vector.broadcast %reduce_min3A_467 : i32 to vector<1x1xi32>
    %eq3A_469 = arith.constant 16 : i32
    %eq3A_470 = vector.broadcast %eq3A_469 : i32 to vector<1x64xi32>
    %eq3A_471 = arith.cmpi eq, %iota3A_7, %eq3A_470 : vector<1x64xi32>
    %broadcast_in_dim3A_472 = vector.shape_cast %broadcast_in_dim3A_468 : vector<1x1xi32> to vector<1x1xi32>
    %broadcast_in_dim3A_473 = vector.broadcast %broadcast_in_dim3A_472 : vector<1x1xi32> to vector<1x64xi32>
    %select_n3A_474 = arith.select %eq3A_471, %broadcast_in_dim3A_473, %select_n3A_446 : vector<1x64xi1>, vector<1x64xi32>
    %eq3A_475 = vector.broadcast %broadcast_in_dim3A_468 : vector<1x1xi32> to vector<16x128xi32>
    %eq3A_476 = arith.cmpi eq, %add3A, %eq3A_475 : vector<16x128xi32>
    %jit3A_477 = arith.constant 0xFF800000 : f32
    %broadcast_in_dim3A_478 = vector.broadcast %jit3A_477 : f32 to vector<16x128xf32>
    %select_n3A_479 = arith.select %eq3A_476, %broadcast_in_dim3A_478, %select_n3A_451 : vector<16x128xi1>, vector<16x128xf32>
    %reduce_max3A_480 = vector.shape_cast %select_n3A_479 : vector<16x128xf32> to vector<1x16x128xf32>
    %reduce_max3A_481 = arith.constant dense<0xFF800000> : vector<1xf32>
    %reduce_max3A_482 = vector.multi_reduction <maximumf>, %reduce_max3A_480, %reduce_max3A_481 [1, 2] : vector<1x16x128xf32> to vector<1xf32>
    %reduce_max3A_483 = vector.shape_cast %reduce_max3A_482 : vector<1xf32> to vector<1x1x1xf32>
    %reduce_max3A_484 = vector.extract %reduce_max3A_483[0, 0, 0] : f32 from vector<1x1x1xf32>
    %broadcast_in_dim3A_485 = vector.broadcast %reduce_max3A_484 : f32 to vector<1x1xf32>
    %eq3A_486 = vector.broadcast %broadcast_in_dim3A_485 : vector<1x1xf32> to vector<16x128xf32>
    %eq3A_487 = arith.cmpf oeq, %select_n3A_479, %eq3A_486 : vector<16x128xf32>
    %jit3A_488 = arith.constant 2048 : i32
    %broadcast_in_dim3A_489 = vector.broadcast %jit3A_488 : i32 to vector<16x128xi32>
    %select_n3A_490 = arith.select %eq3A_487, %add3A, %broadcast_in_dim3A_489 : vector<16x128xi1>, vector<16x128xi32>
    %reduce_min3A_491 = vector.shape_cast %select_n3A_490 : vector<16x128xi32> to vector<1x16x128xi32>
    %reduce_min3A_492 = arith.constant dense<2147483647> : vector<1xi32>
    %reduce_min3A_493 = vector.multi_reduction <minsi>, %reduce_min3A_491, %reduce_min3A_492 [1, 2] : vector<1x16x128xi32> to vector<1xi32>
    %reduce_min3A_494 = vector.shape_cast %reduce_min3A_493 : vector<1xi32> to vector<1x1x1xi32>
    %reduce_min3A_495 = vector.extract %reduce_min3A_494[0, 0, 0] : i32 from vector<1x1x1xi32>
    %broadcast_in_dim3A_496 = vector.broadcast %reduce_min3A_495 : i32 to vector<1x1xi32>
    %eq3A_497 = arith.constant 17 : i32
    %eq3A_498 = vector.broadcast %eq3A_497 : i32 to vector<1x64xi32>
    %eq3A_499 = arith.cmpi eq, %iota3A_7, %eq3A_498 : vector<1x64xi32>
    %broadcast_in_dim3A_500 = vector.shape_cast %broadcast_in_dim3A_496 : vector<1x1xi32> to vector<1x1xi32>
    %broadcast_in_dim3A_501 = vector.broadcast %broadcast_in_dim3A_500 : vector<1x1xi32> to vector<1x64xi32>
    %select_n3A_502 = arith.select %eq3A_499, %broadcast_in_dim3A_501, %select_n3A_474 : vector<1x64xi1>, vector<1x64xi32>
    %eq3A_503 = vector.broadcast %broadcast_in_dim3A_496 : vector<1x1xi32> to vector<16x128xi32>
    %eq3A_504 = arith.cmpi eq, %add3A, %eq3A_503 : vector<16x128xi32>
    %jit3A_505 = arith.constant 0xFF800000 : f32
    %broadcast_in_dim3A_506 = vector.broadcast %jit3A_505 : f32 to vector<16x128xf32>
    %select_n3A_507 = arith.select %eq3A_504, %broadcast_in_dim3A_506, %select_n3A_479 : vector<16x128xi1>, vector<16x128xf32>
    %reduce_max3A_508 = vector.shape_cast %select_n3A_507 : vector<16x128xf32> to vector<1x16x128xf32>
    %reduce_max3A_509 = arith.constant dense<0xFF800000> : vector<1xf32>
    %reduce_max3A_510 = vector.multi_reduction <maximumf>, %reduce_max3A_508, %reduce_max3A_509 [1, 2] : vector<1x16x128xf32> to vector<1xf32>
    %reduce_max3A_511 = vector.shape_cast %reduce_max3A_510 : vector<1xf32> to vector<1x1x1xf32>
    %reduce_max3A_512 = vector.extract %reduce_max3A_511[0, 0, 0] : f32 from vector<1x1x1xf32>
    %broadcast_in_dim3A_513 = vector.broadcast %reduce_max3A_512 : f32 to vector<1x1xf32>
    %eq3A_514 = vector.broadcast %broadcast_in_dim3A_513 : vector<1x1xf32> to vector<16x128xf32>
    %eq3A_515 = arith.cmpf oeq, %select_n3A_507, %eq3A_514 : vector<16x128xf32>
    %jit3A_516 = arith.constant 2048 : i32
    %broadcast_in_dim3A_517 = vector.broadcast %jit3A_516 : i32 to vector<16x128xi32>
    %select_n3A_518 = arith.select %eq3A_515, %add3A, %broadcast_in_dim3A_517 : vector<16x128xi1>, vector<16x128xi32>
    %reduce_min3A_519 = vector.shape_cast %select_n3A_518 : vector<16x128xi32> to vector<1x16x128xi32>
    %reduce_min3A_520 = arith.constant dense<2147483647> : vector<1xi32>
    %reduce_min3A_521 = vector.multi_reduction <minsi>, %reduce_min3A_519, %reduce_min3A_520 [1, 2] : vector<1x16x128xi32> to vector<1xi32>
    %reduce_min3A_522 = vector.shape_cast %reduce_min3A_521 : vector<1xi32> to vector<1x1x1xi32>
    %reduce_min3A_523 = vector.extract %reduce_min3A_522[0, 0, 0] : i32 from vector<1x1x1xi32>
    %broadcast_in_dim3A_524 = vector.broadcast %reduce_min3A_523 : i32 to vector<1x1xi32>
    %eq3A_525 = arith.constant 18 : i32
    %eq3A_526 = vector.broadcast %eq3A_525 : i32 to vector<1x64xi32>
    %eq3A_527 = arith.cmpi eq, %iota3A_7, %eq3A_526 : vector<1x64xi32>
    %broadcast_in_dim3A_528 = vector.shape_cast %broadcast_in_dim3A_524 : vector<1x1xi32> to vector<1x1xi32>
    %broadcast_in_dim3A_529 = vector.broadcast %broadcast_in_dim3A_528 : vector<1x1xi32> to vector<1x64xi32>
    %select_n3A_530 = arith.select %eq3A_527, %broadcast_in_dim3A_529, %select_n3A_502 : vector<1x64xi1>, vector<1x64xi32>
    %eq3A_531 = vector.broadcast %broadcast_in_dim3A_524 : vector<1x1xi32> to vector<16x128xi32>
    %eq3A_532 = arith.cmpi eq, %add3A, %eq3A_531 : vector<16x128xi32>
    %jit3A_533 = arith.constant 0xFF800000 : f32
    %broadcast_in_dim3A_534 = vector.broadcast %jit3A_533 : f32 to vector<16x128xf32>
    %select_n3A_535 = arith.select %eq3A_532, %broadcast_in_dim3A_534, %select_n3A_507 : vector<16x128xi1>, vector<16x128xf32>
    %reduce_max3A_536 = vector.shape_cast %select_n3A_535 : vector<16x128xf32> to vector<1x16x128xf32>
    %reduce_max3A_537 = arith.constant dense<0xFF800000> : vector<1xf32>
    %reduce_max3A_538 = vector.multi_reduction <maximumf>, %reduce_max3A_536, %reduce_max3A_537 [1, 2] : vector<1x16x128xf32> to vector<1xf32>
    %reduce_max3A_539 = vector.shape_cast %reduce_max3A_538 : vector<1xf32> to vector<1x1x1xf32>
    %reduce_max3A_540 = vector.extract %reduce_max3A_539[0, 0, 0] : f32 from vector<1x1x1xf32>
    %broadcast_in_dim3A_541 = vector.broadcast %reduce_max3A_540 : f32 to vector<1x1xf32>
    %eq3A_542 = vector.broadcast %broadcast_in_dim3A_541 : vector<1x1xf32> to vector<16x128xf32>
    %eq3A_543 = arith.cmpf oeq, %select_n3A_535, %eq3A_542 : vector<16x128xf32>
    %jit3A_544 = arith.constant 2048 : i32
    %broadcast_in_dim3A_545 = vector.broadcast %jit3A_544 : i32 to vector<16x128xi32>
    %select_n3A_546 = arith.select %eq3A_543, %add3A, %broadcast_in_dim3A_545 : vector<16x128xi1>, vector<16x128xi32>
    %reduce_min3A_547 = vector.shape_cast %select_n3A_546 : vector<16x128xi32> to vector<1x16x128xi32>
    %reduce_min3A_548 = arith.constant dense<2147483647> : vector<1xi32>
    %reduce_min3A_549 = vector.multi_reduction <minsi>, %reduce_min3A_547, %reduce_min3A_548 [1, 2] : vector<1x16x128xi32> to vector<1xi32>
    %reduce_min3A_550 = vector.shape_cast %reduce_min3A_549 : vector<1xi32> to vector<1x1x1xi32>
    %reduce_min3A_551 = vector.extract %reduce_min3A_550[0, 0, 0] : i32 from vector<1x1x1xi32>
    %broadcast_in_dim3A_552 = vector.broadcast %reduce_min3A_551 : i32 to vector<1x1xi32>
    %eq3A_553 = arith.constant 19 : i32
    %eq3A_554 = vector.broadcast %eq3A_553 : i32 to vector<1x64xi32>
    %eq3A_555 = arith.cmpi eq, %iota3A_7, %eq3A_554 : vector<1x64xi32>
    %broadcast_in_dim3A_556 = vector.shape_cast %broadcast_in_dim3A_552 : vector<1x1xi32> to vector<1x1xi32>
    %broadcast_in_dim3A_557 = vector.broadcast %broadcast_in_dim3A_556 : vector<1x1xi32> to vector<1x64xi32>
    %select_n3A_558 = arith.select %eq3A_555, %broadcast_in_dim3A_557, %select_n3A_530 : vector<1x64xi1>, vector<1x64xi32>
    %eq3A_559 = vector.broadcast %broadcast_in_dim3A_552 : vector<1x1xi32> to vector<16x128xi32>
    %eq3A_560 = arith.cmpi eq, %add3A, %eq3A_559 : vector<16x128xi32>
    %jit3A_561 = arith.constant 0xFF800000 : f32
    %broadcast_in_dim3A_562 = vector.broadcast %jit3A_561 : f32 to vector<16x128xf32>
    %select_n3A_563 = arith.select %eq3A_560, %broadcast_in_dim3A_562, %select_n3A_535 : vector<16x128xi1>, vector<16x128xf32>
    %reduce_max3A_564 = vector.shape_cast %select_n3A_563 : vector<16x128xf32> to vector<1x16x128xf32>
    %reduce_max3A_565 = arith.constant dense<0xFF800000> : vector<1xf32>
    %reduce_max3A_566 = vector.multi_reduction <maximumf>, %reduce_max3A_564, %reduce_max3A_565 [1, 2] : vector<1x16x128xf32> to vector<1xf32>
    %reduce_max3A_567 = vector.shape_cast %reduce_max3A_566 : vector<1xf32> to vector<1x1x1xf32>
    %reduce_max3A_568 = vector.extract %reduce_max3A_567[0, 0, 0] : f32 from vector<1x1x1xf32>
    %broadcast_in_dim3A_569 = vector.broadcast %reduce_max3A_568 : f32 to vector<1x1xf32>
    %eq3A_570 = vector.broadcast %broadcast_in_dim3A_569 : vector<1x1xf32> to vector<16x128xf32>
    %eq3A_571 = arith.cmpf oeq, %select_n3A_563, %eq3A_570 : vector<16x128xf32>
    %jit3A_572 = arith.constant 2048 : i32
    %broadcast_in_dim3A_573 = vector.broadcast %jit3A_572 : i32 to vector<16x128xi32>
    %select_n3A_574 = arith.select %eq3A_571, %add3A, %broadcast_in_dim3A_573 : vector<16x128xi1>, vector<16x128xi32>
    %reduce_min3A_575 = vector.shape_cast %select_n3A_574 : vector<16x128xi32> to vector<1x16x128xi32>
    %reduce_min3A_576 = arith.constant dense<2147483647> : vector<1xi32>
    %reduce_min3A_577 = vector.multi_reduction <minsi>, %reduce_min3A_575, %reduce_min3A_576 [1, 2] : vector<1x16x128xi32> to vector<1xi32>
    %reduce_min3A_578 = vector.shape_cast %reduce_min3A_577 : vector<1xi32> to vector<1x1x1xi32>
    %reduce_min3A_579 = vector.extract %reduce_min3A_578[0, 0, 0] : i32 from vector<1x1x1xi32>
    %broadcast_in_dim3A_580 = vector.broadcast %reduce_min3A_579 : i32 to vector<1x1xi32>
    %eq3A_581 = arith.constant 20 : i32
    %eq3A_582 = vector.broadcast %eq3A_581 : i32 to vector<1x64xi32>
    %eq3A_583 = arith.cmpi eq, %iota3A_7, %eq3A_582 : vector<1x64xi32>
    %broadcast_in_dim3A_584 = vector.shape_cast %broadcast_in_dim3A_580 : vector<1x1xi32> to vector<1x1xi32>
    %broadcast_in_dim3A_585 = vector.broadcast %broadcast_in_dim3A_584 : vector<1x1xi32> to vector<1x64xi32>
    %select_n3A_586 = arith.select %eq3A_583, %broadcast_in_dim3A_585, %select_n3A_558 : vector<1x64xi1>, vector<1x64xi32>
    %eq3A_587 = vector.broadcast %broadcast_in_dim3A_580 : vector<1x1xi32> to vector<16x128xi32>
    %eq3A_588 = arith.cmpi eq, %add3A, %eq3A_587 : vector<16x128xi32>
    %jit3A_589 = arith.constant 0xFF800000 : f32
    %broadcast_in_dim3A_590 = vector.broadcast %jit3A_589 : f32 to vector<16x128xf32>
    %select_n3A_591 = arith.select %eq3A_588, %broadcast_in_dim3A_590, %select_n3A_563 : vector<16x128xi1>, vector<16x128xf32>
    %reduce_max3A_592 = vector.shape_cast %select_n3A_591 : vector<16x128xf32> to vector<1x16x128xf32>
    %reduce_max3A_593 = arith.constant dense<0xFF800000> : vector<1xf32>
    %reduce_max3A_594 = vector.multi_reduction <maximumf>, %reduce_max3A_592, %reduce_max3A_593 [1, 2] : vector<1x16x128xf32> to vector<1xf32>
    %reduce_max3A_595 = vector.shape_cast %reduce_max3A_594 : vector<1xf32> to vector<1x1x1xf32>
    %reduce_max3A_596 = vector.extract %reduce_max3A_595[0, 0, 0] : f32 from vector<1x1x1xf32>
    %broadcast_in_dim3A_597 = vector.broadcast %reduce_max3A_596 : f32 to vector<1x1xf32>
    %eq3A_598 = vector.broadcast %broadcast_in_dim3A_597 : vector<1x1xf32> to vector<16x128xf32>
    %eq3A_599 = arith.cmpf oeq, %select_n3A_591, %eq3A_598 : vector<16x128xf32>
    %jit3A_600 = arith.constant 2048 : i32
    %broadcast_in_dim3A_601 = vector.broadcast %jit3A_600 : i32 to vector<16x128xi32>
    %select_n3A_602 = arith.select %eq3A_599, %add3A, %broadcast_in_dim3A_601 : vector<16x128xi1>, vector<16x128xi32>
    %reduce_min3A_603 = vector.shape_cast %select_n3A_602 : vector<16x128xi32> to vector<1x16x128xi32>
    %reduce_min3A_604 = arith.constant dense<2147483647> : vector<1xi32>
    %reduce_min3A_605 = vector.multi_reduction <minsi>, %reduce_min3A_603, %reduce_min3A_604 [1, 2] : vector<1x16x128xi32> to vector<1xi32>
    %reduce_min3A_606 = vector.shape_cast %reduce_min3A_605 : vector<1xi32> to vector<1x1x1xi32>
    %reduce_min3A_607 = vector.extract %reduce_min3A_606[0, 0, 0] : i32 from vector<1x1x1xi32>
    %broadcast_in_dim3A_608 = vector.broadcast %reduce_min3A_607 : i32 to vector<1x1xi32>
    %eq3A_609 = arith.constant 21 : i32
    %eq3A_610 = vector.broadcast %eq3A_609 : i32 to vector<1x64xi32>
    %eq3A_611 = arith.cmpi eq, %iota3A_7, %eq3A_610 : vector<1x64xi32>
    %broadcast_in_dim3A_612 = vector.shape_cast %broadcast_in_dim3A_608 : vector<1x1xi32> to vector<1x1xi32>
    %broadcast_in_dim3A_613 = vector.broadcast %broadcast_in_dim3A_612 : vector<1x1xi32> to vector<1x64xi32>
    %select_n3A_614 = arith.select %eq3A_611, %broadcast_in_dim3A_613, %select_n3A_586 : vector<1x64xi1>, vector<1x64xi32>
    %eq3A_615 = vector.broadcast %broadcast_in_dim3A_608 : vector<1x1xi32> to vector<16x128xi32>
    %eq3A_616 = arith.cmpi eq, %add3A, %eq3A_615 : vector<16x128xi32>
    %jit3A_617 = arith.constant 0xFF800000 : f32
    %broadcast_in_dim3A_618 = vector.broadcast %jit3A_617 : f32 to vector<16x128xf32>
    %select_n3A_619 = arith.select %eq3A_616, %broadcast_in_dim3A_618, %select_n3A_591 : vector<16x128xi1>, vector<16x128xf32>
    %reduce_max3A_620 = vector.shape_cast %select_n3A_619 : vector<16x128xf32> to vector<1x16x128xf32>
    %reduce_max3A_621 = arith.constant dense<0xFF800000> : vector<1xf32>
    %reduce_max3A_622 = vector.multi_reduction <maximumf>, %reduce_max3A_620, %reduce_max3A_621 [1, 2] : vector<1x16x128xf32> to vector<1xf32>
    %reduce_max3A_623 = vector.shape_cast %reduce_max3A_622 : vector<1xf32> to vector<1x1x1xf32>
    %reduce_max3A_624 = vector.extract %reduce_max3A_623[0, 0, 0] : f32 from vector<1x1x1xf32>
    %broadcast_in_dim3A_625 = vector.broadcast %reduce_max3A_624 : f32 to vector<1x1xf32>
    %eq3A_626 = vector.broadcast %broadcast_in_dim3A_625 : vector<1x1xf32> to vector<16x128xf32>
    %eq3A_627 = arith.cmpf oeq, %select_n3A_619, %eq3A_626 : vector<16x128xf32>
    %jit3A_628 = arith.constant 2048 : i32
    %broadcast_in_dim3A_629 = vector.broadcast %jit3A_628 : i32 to vector<16x128xi32>
    %select_n3A_630 = arith.select %eq3A_627, %add3A, %broadcast_in_dim3A_629 : vector<16x128xi1>, vector<16x128xi32>
    %reduce_min3A_631 = vector.shape_cast %select_n3A_630 : vector<16x128xi32> to vector<1x16x128xi32>
    %reduce_min3A_632 = arith.constant dense<2147483647> : vector<1xi32>
    %reduce_min3A_633 = vector.multi_reduction <minsi>, %reduce_min3A_631, %reduce_min3A_632 [1, 2] : vector<1x16x128xi32> to vector<1xi32>
    %reduce_min3A_634 = vector.shape_cast %reduce_min3A_633 : vector<1xi32> to vector<1x1x1xi32>
    %reduce_min3A_635 = vector.extract %reduce_min3A_634[0, 0, 0] : i32 from vector<1x1x1xi32>
    %broadcast_in_dim3A_636 = vector.broadcast %reduce_min3A_635 : i32 to vector<1x1xi32>
    %eq3A_637 = arith.constant 22 : i32
    %eq3A_638 = vector.broadcast %eq3A_637 : i32 to vector<1x64xi32>
    %eq3A_639 = arith.cmpi eq, %iota3A_7, %eq3A_638 : vector<1x64xi32>
    %broadcast_in_dim3A_640 = vector.shape_cast %broadcast_in_dim3A_636 : vector<1x1xi32> to vector<1x1xi32>
    %broadcast_in_dim3A_641 = vector.broadcast %broadcast_in_dim3A_640 : vector<1x1xi32> to vector<1x64xi32>
    %select_n3A_642 = arith.select %eq3A_639, %broadcast_in_dim3A_641, %select_n3A_614 : vector<1x64xi1>, vector<1x64xi32>
    %eq3A_643 = vector.broadcast %broadcast_in_dim3A_636 : vector<1x1xi32> to vector<16x128xi32>
    %eq3A_644 = arith.cmpi eq, %add3A, %eq3A_643 : vector<16x128xi32>
    %jit3A_645 = arith.constant 0xFF800000 : f32
    %broadcast_in_dim3A_646 = vector.broadcast %jit3A_645 : f32 to vector<16x128xf32>
    %select_n3A_647 = arith.select %eq3A_644, %broadcast_in_dim3A_646, %select_n3A_619 : vector<16x128xi1>, vector<16x128xf32>
    %reduce_max3A_648 = vector.shape_cast %select_n3A_647 : vector<16x128xf32> to vector<1x16x128xf32>
    %reduce_max3A_649 = arith.constant dense<0xFF800000> : vector<1xf32>
    %reduce_max3A_650 = vector.multi_reduction <maximumf>, %reduce_max3A_648, %reduce_max3A_649 [1, 2] : vector<1x16x128xf32> to vector<1xf32>
    %reduce_max3A_651 = vector.shape_cast %reduce_max3A_650 : vector<1xf32> to vector<1x1x1xf32>
    %reduce_max3A_652 = vector.extract %reduce_max3A_651[0, 0, 0] : f32 from vector<1x1x1xf32>
    %broadcast_in_dim3A_653 = vector.broadcast %reduce_max3A_652 : f32 to vector<1x1xf32>
    %eq3A_654 = vector.broadcast %broadcast_in_dim3A_653 : vector<1x1xf32> to vector<16x128xf32>
    %eq3A_655 = arith.cmpf oeq, %select_n3A_647, %eq3A_654 : vector<16x128xf32>
    %jit3A_656 = arith.constant 2048 : i32
    %broadcast_in_dim3A_657 = vector.broadcast %jit3A_656 : i32 to vector<16x128xi32>
    %select_n3A_658 = arith.select %eq3A_655, %add3A, %broadcast_in_dim3A_657 : vector<16x128xi1>, vector<16x128xi32>
    %reduce_min3A_659 = vector.shape_cast %select_n3A_658 : vector<16x128xi32> to vector<1x16x128xi32>
    %reduce_min3A_660 = arith.constant dense<2147483647> : vector<1xi32>
    %reduce_min3A_661 = vector.multi_reduction <minsi>, %reduce_min3A_659, %reduce_min3A_660 [1, 2] : vector<1x16x128xi32> to vector<1xi32>
    %reduce_min3A_662 = vector.shape_cast %reduce_min3A_661 : vector<1xi32> to vector<1x1x1xi32>
    %reduce_min3A_663 = vector.extract %reduce_min3A_662[0, 0, 0] : i32 from vector<1x1x1xi32>
    %broadcast_in_dim3A_664 = vector.broadcast %reduce_min3A_663 : i32 to vector<1x1xi32>
    %eq3A_665 = arith.constant 23 : i32
    %eq3A_666 = vector.broadcast %eq3A_665 : i32 to vector<1x64xi32>
    %eq3A_667 = arith.cmpi eq, %iota3A_7, %eq3A_666 : vector<1x64xi32>
    %broadcast_in_dim3A_668 = vector.shape_cast %broadcast_in_dim3A_664 : vector<1x1xi32> to vector<1x1xi32>
    %broadcast_in_dim3A_669 = vector.broadcast %broadcast_in_dim3A_668 : vector<1x1xi32> to vector<1x64xi32>
    %select_n3A_670 = arith.select %eq3A_667, %broadcast_in_dim3A_669, %select_n3A_642 : vector<1x64xi1>, vector<1x64xi32>
    %eq3A_671 = vector.broadcast %broadcast_in_dim3A_664 : vector<1x1xi32> to vector<16x128xi32>
    %eq3A_672 = arith.cmpi eq, %add3A, %eq3A_671 : vector<16x128xi32>
    %jit3A_673 = arith.constant 0xFF800000 : f32
    %broadcast_in_dim3A_674 = vector.broadcast %jit3A_673 : f32 to vector<16x128xf32>
    %select_n3A_675 = arith.select %eq3A_672, %broadcast_in_dim3A_674, %select_n3A_647 : vector<16x128xi1>, vector<16x128xf32>
    %reduce_max3A_676 = vector.shape_cast %select_n3A_675 : vector<16x128xf32> to vector<1x16x128xf32>
    %reduce_max3A_677 = arith.constant dense<0xFF800000> : vector<1xf32>
    %reduce_max3A_678 = vector.multi_reduction <maximumf>, %reduce_max3A_676, %reduce_max3A_677 [1, 2] : vector<1x16x128xf32> to vector<1xf32>
    %reduce_max3A_679 = vector.shape_cast %reduce_max3A_678 : vector<1xf32> to vector<1x1x1xf32>
    %reduce_max3A_680 = vector.extract %reduce_max3A_679[0, 0, 0] : f32 from vector<1x1x1xf32>
    %broadcast_in_dim3A_681 = vector.broadcast %reduce_max3A_680 : f32 to vector<1x1xf32>
    %eq3A_682 = vector.broadcast %broadcast_in_dim3A_681 : vector<1x1xf32> to vector<16x128xf32>
    %eq3A_683 = arith.cmpf oeq, %select_n3A_675, %eq3A_682 : vector<16x128xf32>
    %jit3A_684 = arith.constant 2048 : i32
    %broadcast_in_dim3A_685 = vector.broadcast %jit3A_684 : i32 to vector<16x128xi32>
    %select_n3A_686 = arith.select %eq3A_683, %add3A, %broadcast_in_dim3A_685 : vector<16x128xi1>, vector<16x128xi32>
    %reduce_min3A_687 = vector.shape_cast %select_n3A_686 : vector<16x128xi32> to vector<1x16x128xi32>
    %reduce_min3A_688 = arith.constant dense<2147483647> : vector<1xi32>
    %reduce_min3A_689 = vector.multi_reduction <minsi>, %reduce_min3A_687, %reduce_min3A_688 [1, 2] : vector<1x16x128xi32> to vector<1xi32>
    %reduce_min3A_690 = vector.shape_cast %reduce_min3A_689 : vector<1xi32> to vector<1x1x1xi32>
    %reduce_min3A_691 = vector.extract %reduce_min3A_690[0, 0, 0] : i32 from vector<1x1x1xi32>
    %broadcast_in_dim3A_692 = vector.broadcast %reduce_min3A_691 : i32 to vector<1x1xi32>
    %eq3A_693 = arith.constant 24 : i32
    %eq3A_694 = vector.broadcast %eq3A_693 : i32 to vector<1x64xi32>
    %eq3A_695 = arith.cmpi eq, %iota3A_7, %eq3A_694 : vector<1x64xi32>
    %broadcast_in_dim3A_696 = vector.shape_cast %broadcast_in_dim3A_692 : vector<1x1xi32> to vector<1x1xi32>
    %broadcast_in_dim3A_697 = vector.broadcast %broadcast_in_dim3A_696 : vector<1x1xi32> to vector<1x64xi32>
    %select_n3A_698 = arith.select %eq3A_695, %broadcast_in_dim3A_697, %select_n3A_670 : vector<1x64xi1>, vector<1x64xi32>
    %eq3A_699 = vector.broadcast %broadcast_in_dim3A_692 : vector<1x1xi32> to vector<16x128xi32>
    %eq3A_700 = arith.cmpi eq, %add3A, %eq3A_699 : vector<16x128xi32>
    %jit3A_701 = arith.constant 0xFF800000 : f32
    %broadcast_in_dim3A_702 = vector.broadcast %jit3A_701 : f32 to vector<16x128xf32>
    %select_n3A_703 = arith.select %eq3A_700, %broadcast_in_dim3A_702, %select_n3A_675 : vector<16x128xi1>, vector<16x128xf32>
    %reduce_max3A_704 = vector.shape_cast %select_n3A_703 : vector<16x128xf32> to vector<1x16x128xf32>
    %reduce_max3A_705 = arith.constant dense<0xFF800000> : vector<1xf32>
    %reduce_max3A_706 = vector.multi_reduction <maximumf>, %reduce_max3A_704, %reduce_max3A_705 [1, 2] : vector<1x16x128xf32> to vector<1xf32>
    %reduce_max3A_707 = vector.shape_cast %reduce_max3A_706 : vector<1xf32> to vector<1x1x1xf32>
    %reduce_max3A_708 = vector.extract %reduce_max3A_707[0, 0, 0] : f32 from vector<1x1x1xf32>
    %broadcast_in_dim3A_709 = vector.broadcast %reduce_max3A_708 : f32 to vector<1x1xf32>
    %eq3A_710 = vector.broadcast %broadcast_in_dim3A_709 : vector<1x1xf32> to vector<16x128xf32>
    %eq3A_711 = arith.cmpf oeq, %select_n3A_703, %eq3A_710 : vector<16x128xf32>
    %jit3A_712 = arith.constant 2048 : i32
    %broadcast_in_dim3A_713 = vector.broadcast %jit3A_712 : i32 to vector<16x128xi32>
    %select_n3A_714 = arith.select %eq3A_711, %add3A, %broadcast_in_dim3A_713 : vector<16x128xi1>, vector<16x128xi32>
    %reduce_min3A_715 = vector.shape_cast %select_n3A_714 : vector<16x128xi32> to vector<1x16x128xi32>
    %reduce_min3A_716 = arith.constant dense<2147483647> : vector<1xi32>
    %reduce_min3A_717 = vector.multi_reduction <minsi>, %reduce_min3A_715, %reduce_min3A_716 [1, 2] : vector<1x16x128xi32> to vector<1xi32>
    %reduce_min3A_718 = vector.shape_cast %reduce_min3A_717 : vector<1xi32> to vector<1x1x1xi32>
    %reduce_min3A_719 = vector.extract %reduce_min3A_718[0, 0, 0] : i32 from vector<1x1x1xi32>
    %broadcast_in_dim3A_720 = vector.broadcast %reduce_min3A_719 : i32 to vector<1x1xi32>
    %eq3A_721 = arith.constant 25 : i32
    %eq3A_722 = vector.broadcast %eq3A_721 : i32 to vector<1x64xi32>
    %eq3A_723 = arith.cmpi eq, %iota3A_7, %eq3A_722 : vector<1x64xi32>
    %broadcast_in_dim3A_724 = vector.shape_cast %broadcast_in_dim3A_720 : vector<1x1xi32> to vector<1x1xi32>
    %broadcast_in_dim3A_725 = vector.broadcast %broadcast_in_dim3A_724 : vector<1x1xi32> to vector<1x64xi32>
    %select_n3A_726 = arith.select %eq3A_723, %broadcast_in_dim3A_725, %select_n3A_698 : vector<1x64xi1>, vector<1x64xi32>
    %eq3A_727 = vector.broadcast %broadcast_in_dim3A_720 : vector<1x1xi32> to vector<16x128xi32>
    %eq3A_728 = arith.cmpi eq, %add3A, %eq3A_727 : vector<16x128xi32>
    %jit3A_729 = arith.constant 0xFF800000 : f32
    %broadcast_in_dim3A_730 = vector.broadcast %jit3A_729 : f32 to vector<16x128xf32>
    %select_n3A_731 = arith.select %eq3A_728, %broadcast_in_dim3A_730, %select_n3A_703 : vector<16x128xi1>, vector<16x128xf32>
    %reduce_max3A_732 = vector.shape_cast %select_n3A_731 : vector<16x128xf32> to vector<1x16x128xf32>
    %reduce_max3A_733 = arith.constant dense<0xFF800000> : vector<1xf32>
    %reduce_max3A_734 = vector.multi_reduction <maximumf>, %reduce_max3A_732, %reduce_max3A_733 [1, 2] : vector<1x16x128xf32> to vector<1xf32>
    %reduce_max3A_735 = vector.shape_cast %reduce_max3A_734 : vector<1xf32> to vector<1x1x1xf32>
    %reduce_max3A_736 = vector.extract %reduce_max3A_735[0, 0, 0] : f32 from vector<1x1x1xf32>
    %broadcast_in_dim3A_737 = vector.broadcast %reduce_max3A_736 : f32 to vector<1x1xf32>
    %eq3A_738 = vector.broadcast %broadcast_in_dim3A_737 : vector<1x1xf32> to vector<16x128xf32>
    %eq3A_739 = arith.cmpf oeq, %select_n3A_731, %eq3A_738 : vector<16x128xf32>
    %jit3A_740 = arith.constant 2048 : i32
    %broadcast_in_dim3A_741 = vector.broadcast %jit3A_740 : i32 to vector<16x128xi32>
    %select_n3A_742 = arith.select %eq3A_739, %add3A, %broadcast_in_dim3A_741 : vector<16x128xi1>, vector<16x128xi32>
    %reduce_min3A_743 = vector.shape_cast %select_n3A_742 : vector<16x128xi32> to vector<1x16x128xi32>
    %reduce_min3A_744 = arith.constant dense<2147483647> : vector<1xi32>
    %reduce_min3A_745 = vector.multi_reduction <minsi>, %reduce_min3A_743, %reduce_min3A_744 [1, 2] : vector<1x16x128xi32> to vector<1xi32>
    %reduce_min3A_746 = vector.shape_cast %reduce_min3A_745 : vector<1xi32> to vector<1x1x1xi32>
    %reduce_min3A_747 = vector.extract %reduce_min3A_746[0, 0, 0] : i32 from vector<1x1x1xi32>
    %broadcast_in_dim3A_748 = vector.broadcast %reduce_min3A_747 : i32 to vector<1x1xi32>
    %eq3A_749 = arith.constant 26 : i32
    %eq3A_750 = vector.broadcast %eq3A_749 : i32 to vector<1x64xi32>
    %eq3A_751 = arith.cmpi eq, %iota3A_7, %eq3A_750 : vector<1x64xi32>
    %broadcast_in_dim3A_752 = vector.shape_cast %broadcast_in_dim3A_748 : vector<1x1xi32> to vector<1x1xi32>
    %broadcast_in_dim3A_753 = vector.broadcast %broadcast_in_dim3A_752 : vector<1x1xi32> to vector<1x64xi32>
    %select_n3A_754 = arith.select %eq3A_751, %broadcast_in_dim3A_753, %select_n3A_726 : vector<1x64xi1>, vector<1x64xi32>
    %eq3A_755 = vector.broadcast %broadcast_in_dim3A_748 : vector<1x1xi32> to vector<16x128xi32>
    %eq3A_756 = arith.cmpi eq, %add3A, %eq3A_755 : vector<16x128xi32>
    %jit3A_757 = arith.constant 0xFF800000 : f32
    %broadcast_in_dim3A_758 = vector.broadcast %jit3A_757 : f32 to vector<16x128xf32>
    %select_n3A_759 = arith.select %eq3A_756, %broadcast_in_dim3A_758, %select_n3A_731 : vector<16x128xi1>, vector<16x128xf32>
    %reduce_max3A_760 = vector.shape_cast %select_n3A_759 : vector<16x128xf32> to vector<1x16x128xf32>
    %reduce_max3A_761 = arith.constant dense<0xFF800000> : vector<1xf32>
    %reduce_max3A_762 = vector.multi_reduction <maximumf>, %reduce_max3A_760, %reduce_max3A_761 [1, 2] : vector<1x16x128xf32> to vector<1xf32>
    %reduce_max3A_763 = vector.shape_cast %reduce_max3A_762 : vector<1xf32> to vector<1x1x1xf32>
    %reduce_max3A_764 = vector.extract %reduce_max3A_763[0, 0, 0] : f32 from vector<1x1x1xf32>
    %broadcast_in_dim3A_765 = vector.broadcast %reduce_max3A_764 : f32 to vector<1x1xf32>
    %eq3A_766 = vector.broadcast %broadcast_in_dim3A_765 : vector<1x1xf32> to vector<16x128xf32>
    %eq3A_767 = arith.cmpf oeq, %select_n3A_759, %eq3A_766 : vector<16x128xf32>
    %jit3A_768 = arith.constant 2048 : i32
    %broadcast_in_dim3A_769 = vector.broadcast %jit3A_768 : i32 to vector<16x128xi32>
    %select_n3A_770 = arith.select %eq3A_767, %add3A, %broadcast_in_dim3A_769 : vector<16x128xi1>, vector<16x128xi32>
    %reduce_min3A_771 = vector.shape_cast %select_n3A_770 : vector<16x128xi32> to vector<1x16x128xi32>
    %reduce_min3A_772 = arith.constant dense<2147483647> : vector<1xi32>
    %reduce_min3A_773 = vector.multi_reduction <minsi>, %reduce_min3A_771, %reduce_min3A_772 [1, 2] : vector<1x16x128xi32> to vector<1xi32>
    %reduce_min3A_774 = vector.shape_cast %reduce_min3A_773 : vector<1xi32> to vector<1x1x1xi32>
    %reduce_min3A_775 = vector.extract %reduce_min3A_774[0, 0, 0] : i32 from vector<1x1x1xi32>
    %broadcast_in_dim3A_776 = vector.broadcast %reduce_min3A_775 : i32 to vector<1x1xi32>
    %eq3A_777 = arith.constant 27 : i32
    %eq3A_778 = vector.broadcast %eq3A_777 : i32 to vector<1x64xi32>
    %eq3A_779 = arith.cmpi eq, %iota3A_7, %eq3A_778 : vector<1x64xi32>
    %broadcast_in_dim3A_780 = vector.shape_cast %broadcast_in_dim3A_776 : vector<1x1xi32> to vector<1x1xi32>
    %broadcast_in_dim3A_781 = vector.broadcast %broadcast_in_dim3A_780 : vector<1x1xi32> to vector<1x64xi32>
    %select_n3A_782 = arith.select %eq3A_779, %broadcast_in_dim3A_781, %select_n3A_754 : vector<1x64xi1>, vector<1x64xi32>
    %eq3A_783 = vector.broadcast %broadcast_in_dim3A_776 : vector<1x1xi32> to vector<16x128xi32>
    %eq3A_784 = arith.cmpi eq, %add3A, %eq3A_783 : vector<16x128xi32>
    %jit3A_785 = arith.constant 0xFF800000 : f32
    %broadcast_in_dim3A_786 = vector.broadcast %jit3A_785 : f32 to vector<16x128xf32>
    %select_n3A_787 = arith.select %eq3A_784, %broadcast_in_dim3A_786, %select_n3A_759 : vector<16x128xi1>, vector<16x128xf32>
    %reduce_max3A_788 = vector.shape_cast %select_n3A_787 : vector<16x128xf32> to vector<1x16x128xf32>
    %reduce_max3A_789 = arith.constant dense<0xFF800000> : vector<1xf32>
    %reduce_max3A_790 = vector.multi_reduction <maximumf>, %reduce_max3A_788, %reduce_max3A_789 [1, 2] : vector<1x16x128xf32> to vector<1xf32>
    %reduce_max3A_791 = vector.shape_cast %reduce_max3A_790 : vector<1xf32> to vector<1x1x1xf32>
    %reduce_max3A_792 = vector.extract %reduce_max3A_791[0, 0, 0] : f32 from vector<1x1x1xf32>
    %broadcast_in_dim3A_793 = vector.broadcast %reduce_max3A_792 : f32 to vector<1x1xf32>
    %eq3A_794 = vector.broadcast %broadcast_in_dim3A_793 : vector<1x1xf32> to vector<16x128xf32>
    %eq3A_795 = arith.cmpf oeq, %select_n3A_787, %eq3A_794 : vector<16x128xf32>
    %jit3A_796 = arith.constant 2048 : i32
    %broadcast_in_dim3A_797 = vector.broadcast %jit3A_796 : i32 to vector<16x128xi32>
    %select_n3A_798 = arith.select %eq3A_795, %add3A, %broadcast_in_dim3A_797 : vector<16x128xi1>, vector<16x128xi32>
    %reduce_min3A_799 = vector.shape_cast %select_n3A_798 : vector<16x128xi32> to vector<1x16x128xi32>
    %reduce_min3A_800 = arith.constant dense<2147483647> : vector<1xi32>
    %reduce_min3A_801 = vector.multi_reduction <minsi>, %reduce_min3A_799, %reduce_min3A_800 [1, 2] : vector<1x16x128xi32> to vector<1xi32>
    %reduce_min3A_802 = vector.shape_cast %reduce_min3A_801 : vector<1xi32> to vector<1x1x1xi32>
    %reduce_min3A_803 = vector.extract %reduce_min3A_802[0, 0, 0] : i32 from vector<1x1x1xi32>
    %broadcast_in_dim3A_804 = vector.broadcast %reduce_min3A_803 : i32 to vector<1x1xi32>
    %eq3A_805 = arith.constant 28 : i32
    %eq3A_806 = vector.broadcast %eq3A_805 : i32 to vector<1x64xi32>
    %eq3A_807 = arith.cmpi eq, %iota3A_7, %eq3A_806 : vector<1x64xi32>
    %broadcast_in_dim3A_808 = vector.shape_cast %broadcast_in_dim3A_804 : vector<1x1xi32> to vector<1x1xi32>
    %broadcast_in_dim3A_809 = vector.broadcast %broadcast_in_dim3A_808 : vector<1x1xi32> to vector<1x64xi32>
    %select_n3A_810 = arith.select %eq3A_807, %broadcast_in_dim3A_809, %select_n3A_782 : vector<1x64xi1>, vector<1x64xi32>
    %eq3A_811 = vector.broadcast %broadcast_in_dim3A_804 : vector<1x1xi32> to vector<16x128xi32>
    %eq3A_812 = arith.cmpi eq, %add3A, %eq3A_811 : vector<16x128xi32>
    %jit3A_813 = arith.constant 0xFF800000 : f32
    %broadcast_in_dim3A_814 = vector.broadcast %jit3A_813 : f32 to vector<16x128xf32>
    %select_n3A_815 = arith.select %eq3A_812, %broadcast_in_dim3A_814, %select_n3A_787 : vector<16x128xi1>, vector<16x128xf32>
    %reduce_max3A_816 = vector.shape_cast %select_n3A_815 : vector<16x128xf32> to vector<1x16x128xf32>
    %reduce_max3A_817 = arith.constant dense<0xFF800000> : vector<1xf32>
    %reduce_max3A_818 = vector.multi_reduction <maximumf>, %reduce_max3A_816, %reduce_max3A_817 [1, 2] : vector<1x16x128xf32> to vector<1xf32>
    %reduce_max3A_819 = vector.shape_cast %reduce_max3A_818 : vector<1xf32> to vector<1x1x1xf32>
    %reduce_max3A_820 = vector.extract %reduce_max3A_819[0, 0, 0] : f32 from vector<1x1x1xf32>
    %broadcast_in_dim3A_821 = vector.broadcast %reduce_max3A_820 : f32 to vector<1x1xf32>
    %eq3A_822 = vector.broadcast %broadcast_in_dim3A_821 : vector<1x1xf32> to vector<16x128xf32>
    %eq3A_823 = arith.cmpf oeq, %select_n3A_815, %eq3A_822 : vector<16x128xf32>
    %jit3A_824 = arith.constant 2048 : i32
    %broadcast_in_dim3A_825 = vector.broadcast %jit3A_824 : i32 to vector<16x128xi32>
    %select_n3A_826 = arith.select %eq3A_823, %add3A, %broadcast_in_dim3A_825 : vector<16x128xi1>, vector<16x128xi32>
    %reduce_min3A_827 = vector.shape_cast %select_n3A_826 : vector<16x128xi32> to vector<1x16x128xi32>
    %reduce_min3A_828 = arith.constant dense<2147483647> : vector<1xi32>
    %reduce_min3A_829 = vector.multi_reduction <minsi>, %reduce_min3A_827, %reduce_min3A_828 [1, 2] : vector<1x16x128xi32> to vector<1xi32>
    %reduce_min3A_830 = vector.shape_cast %reduce_min3A_829 : vector<1xi32> to vector<1x1x1xi32>
    %reduce_min3A_831 = vector.extract %reduce_min3A_830[0, 0, 0] : i32 from vector<1x1x1xi32>
    %broadcast_in_dim3A_832 = vector.broadcast %reduce_min3A_831 : i32 to vector<1x1xi32>
    %eq3A_833 = arith.constant 29 : i32
    %eq3A_834 = vector.broadcast %eq3A_833 : i32 to vector<1x64xi32>
    %eq3A_835 = arith.cmpi eq, %iota3A_7, %eq3A_834 : vector<1x64xi32>
    %broadcast_in_dim3A_836 = vector.shape_cast %broadcast_in_dim3A_832 : vector<1x1xi32> to vector<1x1xi32>
    %broadcast_in_dim3A_837 = vector.broadcast %broadcast_in_dim3A_836 : vector<1x1xi32> to vector<1x64xi32>
    %select_n3A_838 = arith.select %eq3A_835, %broadcast_in_dim3A_837, %select_n3A_810 : vector<1x64xi1>, vector<1x64xi32>
    %eq3A_839 = vector.broadcast %broadcast_in_dim3A_832 : vector<1x1xi32> to vector<16x128xi32>
    %eq3A_840 = arith.cmpi eq, %add3A, %eq3A_839 : vector<16x128xi32>
    %jit3A_841 = arith.constant 0xFF800000 : f32
    %broadcast_in_dim3A_842 = vector.broadcast %jit3A_841 : f32 to vector<16x128xf32>
    %select_n3A_843 = arith.select %eq3A_840, %broadcast_in_dim3A_842, %select_n3A_815 : vector<16x128xi1>, vector<16x128xf32>
    %reduce_max3A_844 = vector.shape_cast %select_n3A_843 : vector<16x128xf32> to vector<1x16x128xf32>
    %reduce_max3A_845 = arith.constant dense<0xFF800000> : vector<1xf32>
    %reduce_max3A_846 = vector.multi_reduction <maximumf>, %reduce_max3A_844, %reduce_max3A_845 [1, 2] : vector<1x16x128xf32> to vector<1xf32>
    %reduce_max3A_847 = vector.shape_cast %reduce_max3A_846 : vector<1xf32> to vector<1x1x1xf32>
    %reduce_max3A_848 = vector.extract %reduce_max3A_847[0, 0, 0] : f32 from vector<1x1x1xf32>
    %broadcast_in_dim3A_849 = vector.broadcast %reduce_max3A_848 : f32 to vector<1x1xf32>
    %eq3A_850 = vector.broadcast %broadcast_in_dim3A_849 : vector<1x1xf32> to vector<16x128xf32>
    %eq3A_851 = arith.cmpf oeq, %select_n3A_843, %eq3A_850 : vector<16x128xf32>
    %jit3A_852 = arith.constant 2048 : i32
    %broadcast_in_dim3A_853 = vector.broadcast %jit3A_852 : i32 to vector<16x128xi32>
    %select_n3A_854 = arith.select %eq3A_851, %add3A, %broadcast_in_dim3A_853 : vector<16x128xi1>, vector<16x128xi32>
    %reduce_min3A_855 = vector.shape_cast %select_n3A_854 : vector<16x128xi32> to vector<1x16x128xi32>
    %reduce_min3A_856 = arith.constant dense<2147483647> : vector<1xi32>
    %reduce_min3A_857 = vector.multi_reduction <minsi>, %reduce_min3A_855, %reduce_min3A_856 [1, 2] : vector<1x16x128xi32> to vector<1xi32>
    %reduce_min3A_858 = vector.shape_cast %reduce_min3A_857 : vector<1xi32> to vector<1x1x1xi32>
    %reduce_min3A_859 = vector.extract %reduce_min3A_858[0, 0, 0] : i32 from vector<1x1x1xi32>
    %broadcast_in_dim3A_860 = vector.broadcast %reduce_min3A_859 : i32 to vector<1x1xi32>
    %eq3A_861 = arith.constant 30 : i32
    %eq3A_862 = vector.broadcast %eq3A_861 : i32 to vector<1x64xi32>
    %eq3A_863 = arith.cmpi eq, %iota3A_7, %eq3A_862 : vector<1x64xi32>
    %broadcast_in_dim3A_864 = vector.shape_cast %broadcast_in_dim3A_860 : vector<1x1xi32> to vector<1x1xi32>
    %broadcast_in_dim3A_865 = vector.broadcast %broadcast_in_dim3A_864 : vector<1x1xi32> to vector<1x64xi32>
    %select_n3A_866 = arith.select %eq3A_863, %broadcast_in_dim3A_865, %select_n3A_838 : vector<1x64xi1>, vector<1x64xi32>
    %eq3A_867 = vector.broadcast %broadcast_in_dim3A_860 : vector<1x1xi32> to vector<16x128xi32>
    %eq3A_868 = arith.cmpi eq, %add3A, %eq3A_867 : vector<16x128xi32>
    %jit3A_869 = arith.constant 0xFF800000 : f32
    %broadcast_in_dim3A_870 = vector.broadcast %jit3A_869 : f32 to vector<16x128xf32>
    %select_n3A_871 = arith.select %eq3A_868, %broadcast_in_dim3A_870, %select_n3A_843 : vector<16x128xi1>, vector<16x128xf32>
    %reduce_max3A_872 = vector.shape_cast %select_n3A_871 : vector<16x128xf32> to vector<1x16x128xf32>
    %reduce_max3A_873 = arith.constant dense<0xFF800000> : vector<1xf32>
    %reduce_max3A_874 = vector.multi_reduction <maximumf>, %reduce_max3A_872, %reduce_max3A_873 [1, 2] : vector<1x16x128xf32> to vector<1xf32>
    %reduce_max3A_875 = vector.shape_cast %reduce_max3A_874 : vector<1xf32> to vector<1x1x1xf32>
    %reduce_max3A_876 = vector.extract %reduce_max3A_875[0, 0, 0] : f32 from vector<1x1x1xf32>
    %broadcast_in_dim3A_877 = vector.broadcast %reduce_max3A_876 : f32 to vector<1x1xf32>
    %eq3A_878 = vector.broadcast %broadcast_in_dim3A_877 : vector<1x1xf32> to vector<16x128xf32>
    %eq3A_879 = arith.cmpf oeq, %select_n3A_871, %eq3A_878 : vector<16x128xf32>
    %jit3A_880 = arith.constant 2048 : i32
    %broadcast_in_dim3A_881 = vector.broadcast %jit3A_880 : i32 to vector<16x128xi32>
    %select_n3A_882 = arith.select %eq3A_879, %add3A, %broadcast_in_dim3A_881 : vector<16x128xi1>, vector<16x128xi32>
    %reduce_min3A_883 = vector.shape_cast %select_n3A_882 : vector<16x128xi32> to vector<1x16x128xi32>
    %reduce_min3A_884 = arith.constant dense<2147483647> : vector<1xi32>
    %reduce_min3A_885 = vector.multi_reduction <minsi>, %reduce_min3A_883, %reduce_min3A_884 [1, 2] : vector<1x16x128xi32> to vector<1xi32>
    %reduce_min3A_886 = vector.shape_cast %reduce_min3A_885 : vector<1xi32> to vector<1x1x1xi32>
    %reduce_min3A_887 = vector.extract %reduce_min3A_886[0, 0, 0] : i32 from vector<1x1x1xi32>
    %broadcast_in_dim3A_888 = vector.broadcast %reduce_min3A_887 : i32 to vector<1x1xi32>
    %eq3A_889 = arith.constant 31 : i32
    %eq3A_890 = vector.broadcast %eq3A_889 : i32 to vector<1x64xi32>
    %eq3A_891 = arith.cmpi eq, %iota3A_7, %eq3A_890 : vector<1x64xi32>
    %broadcast_in_dim3A_892 = vector.shape_cast %broadcast_in_dim3A_888 : vector<1x1xi32> to vector<1x1xi32>
    %broadcast_in_dim3A_893 = vector.broadcast %broadcast_in_dim3A_892 : vector<1x1xi32> to vector<1x64xi32>
    %select_n3A_894 = arith.select %eq3A_891, %broadcast_in_dim3A_893, %select_n3A_866 : vector<1x64xi1>, vector<1x64xi32>
    %eq3A_895 = vector.broadcast %broadcast_in_dim3A_888 : vector<1x1xi32> to vector<16x128xi32>
    %eq3A_896 = arith.cmpi eq, %add3A, %eq3A_895 : vector<16x128xi32>
    %jit3A_897 = arith.constant 0xFF800000 : f32
    %broadcast_in_dim3A_898 = vector.broadcast %jit3A_897 : f32 to vector<16x128xf32>
    %select_n3A_899 = arith.select %eq3A_896, %broadcast_in_dim3A_898, %select_n3A_871 : vector<16x128xi1>, vector<16x128xf32>
    %reduce_max3A_900 = vector.shape_cast %select_n3A_899 : vector<16x128xf32> to vector<1x16x128xf32>
    %reduce_max3A_901 = arith.constant dense<0xFF800000> : vector<1xf32>
    %reduce_max3A_902 = vector.multi_reduction <maximumf>, %reduce_max3A_900, %reduce_max3A_901 [1, 2] : vector<1x16x128xf32> to vector<1xf32>
    %reduce_max3A_903 = vector.shape_cast %reduce_max3A_902 : vector<1xf32> to vector<1x1x1xf32>
    %reduce_max3A_904 = vector.extract %reduce_max3A_903[0, 0, 0] : f32 from vector<1x1x1xf32>
    %broadcast_in_dim3A_905 = vector.broadcast %reduce_max3A_904 : f32 to vector<1x1xf32>
    %eq3A_906 = vector.broadcast %broadcast_in_dim3A_905 : vector<1x1xf32> to vector<16x128xf32>
    %eq3A_907 = arith.cmpf oeq, %select_n3A_899, %eq3A_906 : vector<16x128xf32>
    %jit3A_908 = arith.constant 2048 : i32
    %broadcast_in_dim3A_909 = vector.broadcast %jit3A_908 : i32 to vector<16x128xi32>
    %select_n3A_910 = arith.select %eq3A_907, %add3A, %broadcast_in_dim3A_909 : vector<16x128xi1>, vector<16x128xi32>
    %reduce_min3A_911 = vector.shape_cast %select_n3A_910 : vector<16x128xi32> to vector<1x16x128xi32>
    %reduce_min3A_912 = arith.constant dense<2147483647> : vector<1xi32>
    %reduce_min3A_913 = vector.multi_reduction <minsi>, %reduce_min3A_911, %reduce_min3A_912 [1, 2] : vector<1x16x128xi32> to vector<1xi32>
    %reduce_min3A_914 = vector.shape_cast %reduce_min3A_913 : vector<1xi32> to vector<1x1x1xi32>
    %reduce_min3A_915 = vector.extract %reduce_min3A_914[0, 0, 0] : i32 from vector<1x1x1xi32>
    %broadcast_in_dim3A_916 = vector.broadcast %reduce_min3A_915 : i32 to vector<1x1xi32>
    %eq3A_917 = arith.constant 32 : i32
    %eq3A_918 = vector.broadcast %eq3A_917 : i32 to vector<1x64xi32>
    %eq3A_919 = arith.cmpi eq, %iota3A_7, %eq3A_918 : vector<1x64xi32>
    %broadcast_in_dim3A_920 = vector.shape_cast %broadcast_in_dim3A_916 : vector<1x1xi32> to vector<1x1xi32>
    %broadcast_in_dim3A_921 = vector.broadcast %broadcast_in_dim3A_920 : vector<1x1xi32> to vector<1x64xi32>
    %select_n3A_922 = arith.select %eq3A_919, %broadcast_in_dim3A_921, %select_n3A_894 : vector<1x64xi1>, vector<1x64xi32>
    %eq3A_923 = vector.broadcast %broadcast_in_dim3A_916 : vector<1x1xi32> to vector<16x128xi32>
    %eq3A_924 = arith.cmpi eq, %add3A, %eq3A_923 : vector<16x128xi32>
    %jit3A_925 = arith.constant 0xFF800000 : f32
    %broadcast_in_dim3A_926 = vector.broadcast %jit3A_925 : f32 to vector<16x128xf32>
    %select_n3A_927 = arith.select %eq3A_924, %broadcast_in_dim3A_926, %select_n3A_899 : vector<16x128xi1>, vector<16x128xf32>
    %reduce_max3A_928 = vector.shape_cast %select_n3A_927 : vector<16x128xf32> to vector<1x16x128xf32>
    %reduce_max3A_929 = arith.constant dense<0xFF800000> : vector<1xf32>
    %reduce_max3A_930 = vector.multi_reduction <maximumf>, %reduce_max3A_928, %reduce_max3A_929 [1, 2] : vector<1x16x128xf32> to vector<1xf32>
    %reduce_max3A_931 = vector.shape_cast %reduce_max3A_930 : vector<1xf32> to vector<1x1x1xf32>
    %reduce_max3A_932 = vector.extract %reduce_max3A_931[0, 0, 0] : f32 from vector<1x1x1xf32>
    %broadcast_in_dim3A_933 = vector.broadcast %reduce_max3A_932 : f32 to vector<1x1xf32>
    %eq3A_934 = vector.broadcast %broadcast_in_dim3A_933 : vector<1x1xf32> to vector<16x128xf32>
    %eq3A_935 = arith.cmpf oeq, %select_n3A_927, %eq3A_934 : vector<16x128xf32>
    %jit3A_936 = arith.constant 2048 : i32
    %broadcast_in_dim3A_937 = vector.broadcast %jit3A_936 : i32 to vector<16x128xi32>
    %select_n3A_938 = arith.select %eq3A_935, %add3A, %broadcast_in_dim3A_937 : vector<16x128xi1>, vector<16x128xi32>
    %reduce_min3A_939 = vector.shape_cast %select_n3A_938 : vector<16x128xi32> to vector<1x16x128xi32>
    %reduce_min3A_940 = arith.constant dense<2147483647> : vector<1xi32>
    %reduce_min3A_941 = vector.multi_reduction <minsi>, %reduce_min3A_939, %reduce_min3A_940 [1, 2] : vector<1x16x128xi32> to vector<1xi32>
    %reduce_min3A_942 = vector.shape_cast %reduce_min3A_941 : vector<1xi32> to vector<1x1x1xi32>
    %reduce_min3A_943 = vector.extract %reduce_min3A_942[0, 0, 0] : i32 from vector<1x1x1xi32>
    %broadcast_in_dim3A_944 = vector.broadcast %reduce_min3A_943 : i32 to vector<1x1xi32>
    %eq3A_945 = arith.constant 33 : i32
    %eq3A_946 = vector.broadcast %eq3A_945 : i32 to vector<1x64xi32>
    %eq3A_947 = arith.cmpi eq, %iota3A_7, %eq3A_946 : vector<1x64xi32>
    %broadcast_in_dim3A_948 = vector.shape_cast %broadcast_in_dim3A_944 : vector<1x1xi32> to vector<1x1xi32>
    %broadcast_in_dim3A_949 = vector.broadcast %broadcast_in_dim3A_948 : vector<1x1xi32> to vector<1x64xi32>
    %select_n3A_950 = arith.select %eq3A_947, %broadcast_in_dim3A_949, %select_n3A_922 : vector<1x64xi1>, vector<1x64xi32>
    %eq3A_951 = vector.broadcast %broadcast_in_dim3A_944 : vector<1x1xi32> to vector<16x128xi32>
    %eq3A_952 = arith.cmpi eq, %add3A, %eq3A_951 : vector<16x128xi32>
    %jit3A_953 = arith.constant 0xFF800000 : f32
    %broadcast_in_dim3A_954 = vector.broadcast %jit3A_953 : f32 to vector<16x128xf32>
    %select_n3A_955 = arith.select %eq3A_952, %broadcast_in_dim3A_954, %select_n3A_927 : vector<16x128xi1>, vector<16x128xf32>
    %reduce_max3A_956 = vector.shape_cast %select_n3A_955 : vector<16x128xf32> to vector<1x16x128xf32>
    %reduce_max3A_957 = arith.constant dense<0xFF800000> : vector<1xf32>
    %reduce_max3A_958 = vector.multi_reduction <maximumf>, %reduce_max3A_956, %reduce_max3A_957 [1, 2] : vector<1x16x128xf32> to vector<1xf32>
    %reduce_max3A_959 = vector.shape_cast %reduce_max3A_958 : vector<1xf32> to vector<1x1x1xf32>
    %reduce_max3A_960 = vector.extract %reduce_max3A_959[0, 0, 0] : f32 from vector<1x1x1xf32>
    %broadcast_in_dim3A_961 = vector.broadcast %reduce_max3A_960 : f32 to vector<1x1xf32>
    %eq3A_962 = vector.broadcast %broadcast_in_dim3A_961 : vector<1x1xf32> to vector<16x128xf32>
    %eq3A_963 = arith.cmpf oeq, %select_n3A_955, %eq3A_962 : vector<16x128xf32>
    %jit3A_964 = arith.constant 2048 : i32
    %broadcast_in_dim3A_965 = vector.broadcast %jit3A_964 : i32 to vector<16x128xi32>
    %select_n3A_966 = arith.select %eq3A_963, %add3A, %broadcast_in_dim3A_965 : vector<16x128xi1>, vector<16x128xi32>
    %reduce_min3A_967 = vector.shape_cast %select_n3A_966 : vector<16x128xi32> to vector<1x16x128xi32>
    %reduce_min3A_968 = arith.constant dense<2147483647> : vector<1xi32>
    %reduce_min3A_969 = vector.multi_reduction <minsi>, %reduce_min3A_967, %reduce_min3A_968 [1, 2] : vector<1x16x128xi32> to vector<1xi32>
    %reduce_min3A_970 = vector.shape_cast %reduce_min3A_969 : vector<1xi32> to vector<1x1x1xi32>
    %reduce_min3A_971 = vector.extract %reduce_min3A_970[0, 0, 0] : i32 from vector<1x1x1xi32>
    %broadcast_in_dim3A_972 = vector.broadcast %reduce_min3A_971 : i32 to vector<1x1xi32>
    %eq3A_973 = arith.constant 34 : i32
    %eq3A_974 = vector.broadcast %eq3A_973 : i32 to vector<1x64xi32>
    %eq3A_975 = arith.cmpi eq, %iota3A_7, %eq3A_974 : vector<1x64xi32>
    %broadcast_in_dim3A_976 = vector.shape_cast %broadcast_in_dim3A_972 : vector<1x1xi32> to vector<1x1xi32>
    %broadcast_in_dim3A_977 = vector.broadcast %broadcast_in_dim3A_976 : vector<1x1xi32> to vector<1x64xi32>
    %select_n3A_978 = arith.select %eq3A_975, %broadcast_in_dim3A_977, %select_n3A_950 : vector<1x64xi1>, vector<1x64xi32>
    %eq3A_979 = vector.broadcast %broadcast_in_dim3A_972 : vector<1x1xi32> to vector<16x128xi32>
    %eq3A_980 = arith.cmpi eq, %add3A, %eq3A_979 : vector<16x128xi32>
    %jit3A_981 = arith.constant 0xFF800000 : f32
    %broadcast_in_dim3A_982 = vector.broadcast %jit3A_981 : f32 to vector<16x128xf32>
    %select_n3A_983 = arith.select %eq3A_980, %broadcast_in_dim3A_982, %select_n3A_955 : vector<16x128xi1>, vector<16x128xf32>
    %reduce_max3A_984 = vector.shape_cast %select_n3A_983 : vector<16x128xf32> to vector<1x16x128xf32>
    %reduce_max3A_985 = arith.constant dense<0xFF800000> : vector<1xf32>
    %reduce_max3A_986 = vector.multi_reduction <maximumf>, %reduce_max3A_984, %reduce_max3A_985 [1, 2] : vector<1x16x128xf32> to vector<1xf32>
    %reduce_max3A_987 = vector.shape_cast %reduce_max3A_986 : vector<1xf32> to vector<1x1x1xf32>
    %reduce_max3A_988 = vector.extract %reduce_max3A_987[0, 0, 0] : f32 from vector<1x1x1xf32>
    %broadcast_in_dim3A_989 = vector.broadcast %reduce_max3A_988 : f32 to vector<1x1xf32>
    %eq3A_990 = vector.broadcast %broadcast_in_dim3A_989 : vector<1x1xf32> to vector<16x128xf32>
    %eq3A_991 = arith.cmpf oeq, %select_n3A_983, %eq3A_990 : vector<16x128xf32>
    %jit3A_992 = arith.constant 2048 : i32
    %broadcast_in_dim3A_993 = vector.broadcast %jit3A_992 : i32 to vector<16x128xi32>
    %select_n3A_994 = arith.select %eq3A_991, %add3A, %broadcast_in_dim3A_993 : vector<16x128xi1>, vector<16x128xi32>
    %reduce_min3A_995 = vector.shape_cast %select_n3A_994 : vector<16x128xi32> to vector<1x16x128xi32>
    %reduce_min3A_996 = arith.constant dense<2147483647> : vector<1xi32>
    %reduce_min3A_997 = vector.multi_reduction <minsi>, %reduce_min3A_995, %reduce_min3A_996 [1, 2] : vector<1x16x128xi32> to vector<1xi32>
    %reduce_min3A_998 = vector.shape_cast %reduce_min3A_997 : vector<1xi32> to vector<1x1x1xi32>
    %reduce_min3A_999 = vector.extract %reduce_min3A_998[0, 0, 0] : i32 from vector<1x1x1xi32>
    %broadcast_in_dim3A_1000 = vector.broadcast %reduce_min3A_999 : i32 to vector<1x1xi32>
    %eq3A_1001 = arith.constant 35 : i32
    %eq3A_1002 = vector.broadcast %eq3A_1001 : i32 to vector<1x64xi32>
    %eq3A_1003 = arith.cmpi eq, %iota3A_7, %eq3A_1002 : vector<1x64xi32>
    %broadcast_in_dim3A_1004 = vector.shape_cast %broadcast_in_dim3A_1000 : vector<1x1xi32> to vector<1x1xi32>
    %broadcast_in_dim3A_1005 = vector.broadcast %broadcast_in_dim3A_1004 : vector<1x1xi32> to vector<1x64xi32>
    %select_n3A_1006 = arith.select %eq3A_1003, %broadcast_in_dim3A_1005, %select_n3A_978 : vector<1x64xi1>, vector<1x64xi32>
    %eq3A_1007 = vector.broadcast %broadcast_in_dim3A_1000 : vector<1x1xi32> to vector<16x128xi32>
    %eq3A_1008 = arith.cmpi eq, %add3A, %eq3A_1007 : vector<16x128xi32>
    %jit3A_1009 = arith.constant 0xFF800000 : f32
    %broadcast_in_dim3A_1010 = vector.broadcast %jit3A_1009 : f32 to vector<16x128xf32>
    %select_n3A_1011 = arith.select %eq3A_1008, %broadcast_in_dim3A_1010, %select_n3A_983 : vector<16x128xi1>, vector<16x128xf32>
    %reduce_max3A_1012 = vector.shape_cast %select_n3A_1011 : vector<16x128xf32> to vector<1x16x128xf32>
    %reduce_max3A_1013 = arith.constant dense<0xFF800000> : vector<1xf32>
    %reduce_max3A_1014 = vector.multi_reduction <maximumf>, %reduce_max3A_1012, %reduce_max3A_1013 [1, 2] : vector<1x16x128xf32> to vector<1xf32>
    %reduce_max3A_1015 = vector.shape_cast %reduce_max3A_1014 : vector<1xf32> to vector<1x1x1xf32>
    %reduce_max3A_1016 = vector.extract %reduce_max3A_1015[0, 0, 0] : f32 from vector<1x1x1xf32>
    %broadcast_in_dim3A_1017 = vector.broadcast %reduce_max3A_1016 : f32 to vector<1x1xf32>
    %eq3A_1018 = vector.broadcast %broadcast_in_dim3A_1017 : vector<1x1xf32> to vector<16x128xf32>
    %eq3A_1019 = arith.cmpf oeq, %select_n3A_1011, %eq3A_1018 : vector<16x128xf32>
    %jit3A_1020 = arith.constant 2048 : i32
    %broadcast_in_dim3A_1021 = vector.broadcast %jit3A_1020 : i32 to vector<16x128xi32>
    %select_n3A_1022 = arith.select %eq3A_1019, %add3A, %broadcast_in_dim3A_1021 : vector<16x128xi1>, vector<16x128xi32>
    %reduce_min3A_1023 = vector.shape_cast %select_n3A_1022 : vector<16x128xi32> to vector<1x16x128xi32>
    %reduce_min3A_1024 = arith.constant dense<2147483647> : vector<1xi32>
    %reduce_min3A_1025 = vector.multi_reduction <minsi>, %reduce_min3A_1023, %reduce_min3A_1024 [1, 2] : vector<1x16x128xi32> to vector<1xi32>
    %reduce_min3A_1026 = vector.shape_cast %reduce_min3A_1025 : vector<1xi32> to vector<1x1x1xi32>
    %reduce_min3A_1027 = vector.extract %reduce_min3A_1026[0, 0, 0] : i32 from vector<1x1x1xi32>
    %broadcast_in_dim3A_1028 = vector.broadcast %reduce_min3A_1027 : i32 to vector<1x1xi32>
    %eq3A_1029 = arith.constant 36 : i32
    %eq3A_1030 = vector.broadcast %eq3A_1029 : i32 to vector<1x64xi32>
    %eq3A_1031 = arith.cmpi eq, %iota3A_7, %eq3A_1030 : vector<1x64xi32>
    %broadcast_in_dim3A_1032 = vector.shape_cast %broadcast_in_dim3A_1028 : vector<1x1xi32> to vector<1x1xi32>
    %broadcast_in_dim3A_1033 = vector.broadcast %broadcast_in_dim3A_1032 : vector<1x1xi32> to vector<1x64xi32>
    %select_n3A_1034 = arith.select %eq3A_1031, %broadcast_in_dim3A_1033, %select_n3A_1006 : vector<1x64xi1>, vector<1x64xi32>
    %eq3A_1035 = vector.broadcast %broadcast_in_dim3A_1028 : vector<1x1xi32> to vector<16x128xi32>
    %eq3A_1036 = arith.cmpi eq, %add3A, %eq3A_1035 : vector<16x128xi32>
    %jit3A_1037 = arith.constant 0xFF800000 : f32
    %broadcast_in_dim3A_1038 = vector.broadcast %jit3A_1037 : f32 to vector<16x128xf32>
    %select_n3A_1039 = arith.select %eq3A_1036, %broadcast_in_dim3A_1038, %select_n3A_1011 : vector<16x128xi1>, vector<16x128xf32>
    %reduce_max3A_1040 = vector.shape_cast %select_n3A_1039 : vector<16x128xf32> to vector<1x16x128xf32>
    %reduce_max3A_1041 = arith.constant dense<0xFF800000> : vector<1xf32>
    %reduce_max3A_1042 = vector.multi_reduction <maximumf>, %reduce_max3A_1040, %reduce_max3A_1041 [1, 2] : vector<1x16x128xf32> to vector<1xf32>
    %reduce_max3A_1043 = vector.shape_cast %reduce_max3A_1042 : vector<1xf32> to vector<1x1x1xf32>
    %reduce_max3A_1044 = vector.extract %reduce_max3A_1043[0, 0, 0] : f32 from vector<1x1x1xf32>
    %broadcast_in_dim3A_1045 = vector.broadcast %reduce_max3A_1044 : f32 to vector<1x1xf32>
    %eq3A_1046 = vector.broadcast %broadcast_in_dim3A_1045 : vector<1x1xf32> to vector<16x128xf32>
    %eq3A_1047 = arith.cmpf oeq, %select_n3A_1039, %eq3A_1046 : vector<16x128xf32>
    %jit3A_1048 = arith.constant 2048 : i32
    %broadcast_in_dim3A_1049 = vector.broadcast %jit3A_1048 : i32 to vector<16x128xi32>
    %select_n3A_1050 = arith.select %eq3A_1047, %add3A, %broadcast_in_dim3A_1049 : vector<16x128xi1>, vector<16x128xi32>
    %reduce_min3A_1051 = vector.shape_cast %select_n3A_1050 : vector<16x128xi32> to vector<1x16x128xi32>
    %reduce_min3A_1052 = arith.constant dense<2147483647> : vector<1xi32>
    %reduce_min3A_1053 = vector.multi_reduction <minsi>, %reduce_min3A_1051, %reduce_min3A_1052 [1, 2] : vector<1x16x128xi32> to vector<1xi32>
    %reduce_min3A_1054 = vector.shape_cast %reduce_min3A_1053 : vector<1xi32> to vector<1x1x1xi32>
    %reduce_min3A_1055 = vector.extract %reduce_min3A_1054[0, 0, 0] : i32 from vector<1x1x1xi32>
    %broadcast_in_dim3A_1056 = vector.broadcast %reduce_min3A_1055 : i32 to vector<1x1xi32>
    %eq3A_1057 = arith.constant 37 : i32
    %eq3A_1058 = vector.broadcast %eq3A_1057 : i32 to vector<1x64xi32>
    %eq3A_1059 = arith.cmpi eq, %iota3A_7, %eq3A_1058 : vector<1x64xi32>
    %broadcast_in_dim3A_1060 = vector.shape_cast %broadcast_in_dim3A_1056 : vector<1x1xi32> to vector<1x1xi32>
    %broadcast_in_dim3A_1061 = vector.broadcast %broadcast_in_dim3A_1060 : vector<1x1xi32> to vector<1x64xi32>
    %select_n3A_1062 = arith.select %eq3A_1059, %broadcast_in_dim3A_1061, %select_n3A_1034 : vector<1x64xi1>, vector<1x64xi32>
    %eq3A_1063 = vector.broadcast %broadcast_in_dim3A_1056 : vector<1x1xi32> to vector<16x128xi32>
    %eq3A_1064 = arith.cmpi eq, %add3A, %eq3A_1063 : vector<16x128xi32>
    %jit3A_1065 = arith.constant 0xFF800000 : f32
    %broadcast_in_dim3A_1066 = vector.broadcast %jit3A_1065 : f32 to vector<16x128xf32>
    %select_n3A_1067 = arith.select %eq3A_1064, %broadcast_in_dim3A_1066, %select_n3A_1039 : vector<16x128xi1>, vector<16x128xf32>
    %reduce_max3A_1068 = vector.shape_cast %select_n3A_1067 : vector<16x128xf32> to vector<1x16x128xf32>
    %reduce_max3A_1069 = arith.constant dense<0xFF800000> : vector<1xf32>
    %reduce_max3A_1070 = vector.multi_reduction <maximumf>, %reduce_max3A_1068, %reduce_max3A_1069 [1, 2] : vector<1x16x128xf32> to vector<1xf32>
    %reduce_max3A_1071 = vector.shape_cast %reduce_max3A_1070 : vector<1xf32> to vector<1x1x1xf32>
    %reduce_max3A_1072 = vector.extract %reduce_max3A_1071[0, 0, 0] : f32 from vector<1x1x1xf32>
    %broadcast_in_dim3A_1073 = vector.broadcast %reduce_max3A_1072 : f32 to vector<1x1xf32>
    %eq3A_1074 = vector.broadcast %broadcast_in_dim3A_1073 : vector<1x1xf32> to vector<16x128xf32>
    %eq3A_1075 = arith.cmpf oeq, %select_n3A_1067, %eq3A_1074 : vector<16x128xf32>
    %jit3A_1076 = arith.constant 2048 : i32
    %broadcast_in_dim3A_1077 = vector.broadcast %jit3A_1076 : i32 to vector<16x128xi32>
    %select_n3A_1078 = arith.select %eq3A_1075, %add3A, %broadcast_in_dim3A_1077 : vector<16x128xi1>, vector<16x128xi32>
    %reduce_min3A_1079 = vector.shape_cast %select_n3A_1078 : vector<16x128xi32> to vector<1x16x128xi32>
    %reduce_min3A_1080 = arith.constant dense<2147483647> : vector<1xi32>
    %reduce_min3A_1081 = vector.multi_reduction <minsi>, %reduce_min3A_1079, %reduce_min3A_1080 [1, 2] : vector<1x16x128xi32> to vector<1xi32>
    %reduce_min3A_1082 = vector.shape_cast %reduce_min3A_1081 : vector<1xi32> to vector<1x1x1xi32>
    %reduce_min3A_1083 = vector.extract %reduce_min3A_1082[0, 0, 0] : i32 from vector<1x1x1xi32>
    %broadcast_in_dim3A_1084 = vector.broadcast %reduce_min3A_1083 : i32 to vector<1x1xi32>
    %eq3A_1085 = arith.constant 38 : i32
    %eq3A_1086 = vector.broadcast %eq3A_1085 : i32 to vector<1x64xi32>
    %eq3A_1087 = arith.cmpi eq, %iota3A_7, %eq3A_1086 : vector<1x64xi32>
    %broadcast_in_dim3A_1088 = vector.shape_cast %broadcast_in_dim3A_1084 : vector<1x1xi32> to vector<1x1xi32>
    %broadcast_in_dim3A_1089 = vector.broadcast %broadcast_in_dim3A_1088 : vector<1x1xi32> to vector<1x64xi32>
    %select_n3A_1090 = arith.select %eq3A_1087, %broadcast_in_dim3A_1089, %select_n3A_1062 : vector<1x64xi1>, vector<1x64xi32>
    %eq3A_1091 = vector.broadcast %broadcast_in_dim3A_1084 : vector<1x1xi32> to vector<16x128xi32>
    %eq3A_1092 = arith.cmpi eq, %add3A, %eq3A_1091 : vector<16x128xi32>
    %jit3A_1093 = arith.constant 0xFF800000 : f32
    %broadcast_in_dim3A_1094 = vector.broadcast %jit3A_1093 : f32 to vector<16x128xf32>
    %select_n3A_1095 = arith.select %eq3A_1092, %broadcast_in_dim3A_1094, %select_n3A_1067 : vector<16x128xi1>, vector<16x128xf32>
    %reduce_max3A_1096 = vector.shape_cast %select_n3A_1095 : vector<16x128xf32> to vector<1x16x128xf32>
    %reduce_max3A_1097 = arith.constant dense<0xFF800000> : vector<1xf32>
    %reduce_max3A_1098 = vector.multi_reduction <maximumf>, %reduce_max3A_1096, %reduce_max3A_1097 [1, 2] : vector<1x16x128xf32> to vector<1xf32>
    %reduce_max3A_1099 = vector.shape_cast %reduce_max3A_1098 : vector<1xf32> to vector<1x1x1xf32>
    %reduce_max3A_1100 = vector.extract %reduce_max3A_1099[0, 0, 0] : f32 from vector<1x1x1xf32>
    %broadcast_in_dim3A_1101 = vector.broadcast %reduce_max3A_1100 : f32 to vector<1x1xf32>
    %eq3A_1102 = vector.broadcast %broadcast_in_dim3A_1101 : vector<1x1xf32> to vector<16x128xf32>
    %eq3A_1103 = arith.cmpf oeq, %select_n3A_1095, %eq3A_1102 : vector<16x128xf32>
    %jit3A_1104 = arith.constant 2048 : i32
    %broadcast_in_dim3A_1105 = vector.broadcast %jit3A_1104 : i32 to vector<16x128xi32>
    %select_n3A_1106 = arith.select %eq3A_1103, %add3A, %broadcast_in_dim3A_1105 : vector<16x128xi1>, vector<16x128xi32>
    %reduce_min3A_1107 = vector.shape_cast %select_n3A_1106 : vector<16x128xi32> to vector<1x16x128xi32>
    %reduce_min3A_1108 = arith.constant dense<2147483647> : vector<1xi32>
    %reduce_min3A_1109 = vector.multi_reduction <minsi>, %reduce_min3A_1107, %reduce_min3A_1108 [1, 2] : vector<1x16x128xi32> to vector<1xi32>
    %reduce_min3A_1110 = vector.shape_cast %reduce_min3A_1109 : vector<1xi32> to vector<1x1x1xi32>
    %reduce_min3A_1111 = vector.extract %reduce_min3A_1110[0, 0, 0] : i32 from vector<1x1x1xi32>
    %broadcast_in_dim3A_1112 = vector.broadcast %reduce_min3A_1111 : i32 to vector<1x1xi32>
    %eq3A_1113 = arith.constant 39 : i32
    %eq3A_1114 = vector.broadcast %eq3A_1113 : i32 to vector<1x64xi32>
    %eq3A_1115 = arith.cmpi eq, %iota3A_7, %eq3A_1114 : vector<1x64xi32>
    %broadcast_in_dim3A_1116 = vector.shape_cast %broadcast_in_dim3A_1112 : vector<1x1xi32> to vector<1x1xi32>
    %broadcast_in_dim3A_1117 = vector.broadcast %broadcast_in_dim3A_1116 : vector<1x1xi32> to vector<1x64xi32>
    %select_n3A_1118 = arith.select %eq3A_1115, %broadcast_in_dim3A_1117, %select_n3A_1090 : vector<1x64xi1>, vector<1x64xi32>
    %eq3A_1119 = vector.broadcast %broadcast_in_dim3A_1112 : vector<1x1xi32> to vector<16x128xi32>
    %eq3A_1120 = arith.cmpi eq, %add3A, %eq3A_1119 : vector<16x128xi32>
    %jit3A_1121 = arith.constant 0xFF800000 : f32
    %broadcast_in_dim3A_1122 = vector.broadcast %jit3A_1121 : f32 to vector<16x128xf32>
    %select_n3A_1123 = arith.select %eq3A_1120, %broadcast_in_dim3A_1122, %select_n3A_1095 : vector<16x128xi1>, vector<16x128xf32>
    %reduce_max3A_1124 = vector.shape_cast %select_n3A_1123 : vector<16x128xf32> to vector<1x16x128xf32>
    %reduce_max3A_1125 = arith.constant dense<0xFF800000> : vector<1xf32>
    %reduce_max3A_1126 = vector.multi_reduction <maximumf>, %reduce_max3A_1124, %reduce_max3A_1125 [1, 2] : vector<1x16x128xf32> to vector<1xf32>
    %reduce_max3A_1127 = vector.shape_cast %reduce_max3A_1126 : vector<1xf32> to vector<1x1x1xf32>
    %reduce_max3A_1128 = vector.extract %reduce_max3A_1127[0, 0, 0] : f32 from vector<1x1x1xf32>
    %broadcast_in_dim3A_1129 = vector.broadcast %reduce_max3A_1128 : f32 to vector<1x1xf32>
    %eq3A_1130 = vector.broadcast %broadcast_in_dim3A_1129 : vector<1x1xf32> to vector<16x128xf32>
    %eq3A_1131 = arith.cmpf oeq, %select_n3A_1123, %eq3A_1130 : vector<16x128xf32>
    %jit3A_1132 = arith.constant 2048 : i32
    %broadcast_in_dim3A_1133 = vector.broadcast %jit3A_1132 : i32 to vector<16x128xi32>
    %select_n3A_1134 = arith.select %eq3A_1131, %add3A, %broadcast_in_dim3A_1133 : vector<16x128xi1>, vector<16x128xi32>
    %reduce_min3A_1135 = vector.shape_cast %select_n3A_1134 : vector<16x128xi32> to vector<1x16x128xi32>
    %reduce_min3A_1136 = arith.constant dense<2147483647> : vector<1xi32>
    %reduce_min3A_1137 = vector.multi_reduction <minsi>, %reduce_min3A_1135, %reduce_min3A_1136 [1, 2] : vector<1x16x128xi32> to vector<1xi32>
    %reduce_min3A_1138 = vector.shape_cast %reduce_min3A_1137 : vector<1xi32> to vector<1x1x1xi32>
    %reduce_min3A_1139 = vector.extract %reduce_min3A_1138[0, 0, 0] : i32 from vector<1x1x1xi32>
    %broadcast_in_dim3A_1140 = vector.broadcast %reduce_min3A_1139 : i32 to vector<1x1xi32>
    %eq3A_1141 = arith.constant 40 : i32
    %eq3A_1142 = vector.broadcast %eq3A_1141 : i32 to vector<1x64xi32>
    %eq3A_1143 = arith.cmpi eq, %iota3A_7, %eq3A_1142 : vector<1x64xi32>
    %broadcast_in_dim3A_1144 = vector.shape_cast %broadcast_in_dim3A_1140 : vector<1x1xi32> to vector<1x1xi32>
    %broadcast_in_dim3A_1145 = vector.broadcast %broadcast_in_dim3A_1144 : vector<1x1xi32> to vector<1x64xi32>
    %select_n3A_1146 = arith.select %eq3A_1143, %broadcast_in_dim3A_1145, %select_n3A_1118 : vector<1x64xi1>, vector<1x64xi32>
    %eq3A_1147 = vector.broadcast %broadcast_in_dim3A_1140 : vector<1x1xi32> to vector<16x128xi32>
    %eq3A_1148 = arith.cmpi eq, %add3A, %eq3A_1147 : vector<16x128xi32>
    %jit3A_1149 = arith.constant 0xFF800000 : f32
    %broadcast_in_dim3A_1150 = vector.broadcast %jit3A_1149 : f32 to vector<16x128xf32>
    %select_n3A_1151 = arith.select %eq3A_1148, %broadcast_in_dim3A_1150, %select_n3A_1123 : vector<16x128xi1>, vector<16x128xf32>
    %reduce_max3A_1152 = vector.shape_cast %select_n3A_1151 : vector<16x128xf32> to vector<1x16x128xf32>
    %reduce_max3A_1153 = arith.constant dense<0xFF800000> : vector<1xf32>
    %reduce_max3A_1154 = vector.multi_reduction <maximumf>, %reduce_max3A_1152, %reduce_max3A_1153 [1, 2] : vector<1x16x128xf32> to vector<1xf32>
    %reduce_max3A_1155 = vector.shape_cast %reduce_max3A_1154 : vector<1xf32> to vector<1x1x1xf32>
    %reduce_max3A_1156 = vector.extract %reduce_max3A_1155[0, 0, 0] : f32 from vector<1x1x1xf32>
    %broadcast_in_dim3A_1157 = vector.broadcast %reduce_max3A_1156 : f32 to vector<1x1xf32>
    %eq3A_1158 = vector.broadcast %broadcast_in_dim3A_1157 : vector<1x1xf32> to vector<16x128xf32>
    %eq3A_1159 = arith.cmpf oeq, %select_n3A_1151, %eq3A_1158 : vector<16x128xf32>
    %jit3A_1160 = arith.constant 2048 : i32
    %broadcast_in_dim3A_1161 = vector.broadcast %jit3A_1160 : i32 to vector<16x128xi32>
    %select_n3A_1162 = arith.select %eq3A_1159, %add3A, %broadcast_in_dim3A_1161 : vector<16x128xi1>, vector<16x128xi32>
    %reduce_min3A_1163 = vector.shape_cast %select_n3A_1162 : vector<16x128xi32> to vector<1x16x128xi32>
    %reduce_min3A_1164 = arith.constant dense<2147483647> : vector<1xi32>
    %reduce_min3A_1165 = vector.multi_reduction <minsi>, %reduce_min3A_1163, %reduce_min3A_1164 [1, 2] : vector<1x16x128xi32> to vector<1xi32>
    %reduce_min3A_1166 = vector.shape_cast %reduce_min3A_1165 : vector<1xi32> to vector<1x1x1xi32>
    %reduce_min3A_1167 = vector.extract %reduce_min3A_1166[0, 0, 0] : i32 from vector<1x1x1xi32>
    %broadcast_in_dim3A_1168 = vector.broadcast %reduce_min3A_1167 : i32 to vector<1x1xi32>
    %eq3A_1169 = arith.constant 41 : i32
    %eq3A_1170 = vector.broadcast %eq3A_1169 : i32 to vector<1x64xi32>
    %eq3A_1171 = arith.cmpi eq, %iota3A_7, %eq3A_1170 : vector<1x64xi32>
    %broadcast_in_dim3A_1172 = vector.shape_cast %broadcast_in_dim3A_1168 : vector<1x1xi32> to vector<1x1xi32>
    %broadcast_in_dim3A_1173 = vector.broadcast %broadcast_in_dim3A_1172 : vector<1x1xi32> to vector<1x64xi32>
    %select_n3A_1174 = arith.select %eq3A_1171, %broadcast_in_dim3A_1173, %select_n3A_1146 : vector<1x64xi1>, vector<1x64xi32>
    %eq3A_1175 = vector.broadcast %broadcast_in_dim3A_1168 : vector<1x1xi32> to vector<16x128xi32>
    %eq3A_1176 = arith.cmpi eq, %add3A, %eq3A_1175 : vector<16x128xi32>
    %jit3A_1177 = arith.constant 0xFF800000 : f32
    %broadcast_in_dim3A_1178 = vector.broadcast %jit3A_1177 : f32 to vector<16x128xf32>
    %select_n3A_1179 = arith.select %eq3A_1176, %broadcast_in_dim3A_1178, %select_n3A_1151 : vector<16x128xi1>, vector<16x128xf32>
    %reduce_max3A_1180 = vector.shape_cast %select_n3A_1179 : vector<16x128xf32> to vector<1x16x128xf32>
    %reduce_max3A_1181 = arith.constant dense<0xFF800000> : vector<1xf32>
    %reduce_max3A_1182 = vector.multi_reduction <maximumf>, %reduce_max3A_1180, %reduce_max3A_1181 [1, 2] : vector<1x16x128xf32> to vector<1xf32>
    %reduce_max3A_1183 = vector.shape_cast %reduce_max3A_1182 : vector<1xf32> to vector<1x1x1xf32>
    %reduce_max3A_1184 = vector.extract %reduce_max3A_1183[0, 0, 0] : f32 from vector<1x1x1xf32>
    %broadcast_in_dim3A_1185 = vector.broadcast %reduce_max3A_1184 : f32 to vector<1x1xf32>
    %eq3A_1186 = vector.broadcast %broadcast_in_dim3A_1185 : vector<1x1xf32> to vector<16x128xf32>
    %eq3A_1187 = arith.cmpf oeq, %select_n3A_1179, %eq3A_1186 : vector<16x128xf32>
    %jit3A_1188 = arith.constant 2048 : i32
    %broadcast_in_dim3A_1189 = vector.broadcast %jit3A_1188 : i32 to vector<16x128xi32>
    %select_n3A_1190 = arith.select %eq3A_1187, %add3A, %broadcast_in_dim3A_1189 : vector<16x128xi1>, vector<16x128xi32>
    %reduce_min3A_1191 = vector.shape_cast %select_n3A_1190 : vector<16x128xi32> to vector<1x16x128xi32>
    %reduce_min3A_1192 = arith.constant dense<2147483647> : vector<1xi32>
    %reduce_min3A_1193 = vector.multi_reduction <minsi>, %reduce_min3A_1191, %reduce_min3A_1192 [1, 2] : vector<1x16x128xi32> to vector<1xi32>
    %reduce_min3A_1194 = vector.shape_cast %reduce_min3A_1193 : vector<1xi32> to vector<1x1x1xi32>
    %reduce_min3A_1195 = vector.extract %reduce_min3A_1194[0, 0, 0] : i32 from vector<1x1x1xi32>
    %broadcast_in_dim3A_1196 = vector.broadcast %reduce_min3A_1195 : i32 to vector<1x1xi32>
    %eq3A_1197 = arith.constant 42 : i32
    %eq3A_1198 = vector.broadcast %eq3A_1197 : i32 to vector<1x64xi32>
    %eq3A_1199 = arith.cmpi eq, %iota3A_7, %eq3A_1198 : vector<1x64xi32>
    %broadcast_in_dim3A_1200 = vector.shape_cast %broadcast_in_dim3A_1196 : vector<1x1xi32> to vector<1x1xi32>
    %broadcast_in_dim3A_1201 = vector.broadcast %broadcast_in_dim3A_1200 : vector<1x1xi32> to vector<1x64xi32>
    %select_n3A_1202 = arith.select %eq3A_1199, %broadcast_in_dim3A_1201, %select_n3A_1174 : vector<1x64xi1>, vector<1x64xi32>
    %eq3A_1203 = vector.broadcast %broadcast_in_dim3A_1196 : vector<1x1xi32> to vector<16x128xi32>
    %eq3A_1204 = arith.cmpi eq, %add3A, %eq3A_1203 : vector<16x128xi32>
    %jit3A_1205 = arith.constant 0xFF800000 : f32
    %broadcast_in_dim3A_1206 = vector.broadcast %jit3A_1205 : f32 to vector<16x128xf32>
    %select_n3A_1207 = arith.select %eq3A_1204, %broadcast_in_dim3A_1206, %select_n3A_1179 : vector<16x128xi1>, vector<16x128xf32>
    %reduce_max3A_1208 = vector.shape_cast %select_n3A_1207 : vector<16x128xf32> to vector<1x16x128xf32>
    %reduce_max3A_1209 = arith.constant dense<0xFF800000> : vector<1xf32>
    %reduce_max3A_1210 = vector.multi_reduction <maximumf>, %reduce_max3A_1208, %reduce_max3A_1209 [1, 2] : vector<1x16x128xf32> to vector<1xf32>
    %reduce_max3A_1211 = vector.shape_cast %reduce_max3A_1210 : vector<1xf32> to vector<1x1x1xf32>
    %reduce_max3A_1212 = vector.extract %reduce_max3A_1211[0, 0, 0] : f32 from vector<1x1x1xf32>
    %broadcast_in_dim3A_1213 = vector.broadcast %reduce_max3A_1212 : f32 to vector<1x1xf32>
    %eq3A_1214 = vector.broadcast %broadcast_in_dim3A_1213 : vector<1x1xf32> to vector<16x128xf32>
    %eq3A_1215 = arith.cmpf oeq, %select_n3A_1207, %eq3A_1214 : vector<16x128xf32>
    %jit3A_1216 = arith.constant 2048 : i32
    %broadcast_in_dim3A_1217 = vector.broadcast %jit3A_1216 : i32 to vector<16x128xi32>
    %select_n3A_1218 = arith.select %eq3A_1215, %add3A, %broadcast_in_dim3A_1217 : vector<16x128xi1>, vector<16x128xi32>
    %reduce_min3A_1219 = vector.shape_cast %select_n3A_1218 : vector<16x128xi32> to vector<1x16x128xi32>
    %reduce_min3A_1220 = arith.constant dense<2147483647> : vector<1xi32>
    %reduce_min3A_1221 = vector.multi_reduction <minsi>, %reduce_min3A_1219, %reduce_min3A_1220 [1, 2] : vector<1x16x128xi32> to vector<1xi32>
    %reduce_min3A_1222 = vector.shape_cast %reduce_min3A_1221 : vector<1xi32> to vector<1x1x1xi32>
    %reduce_min3A_1223 = vector.extract %reduce_min3A_1222[0, 0, 0] : i32 from vector<1x1x1xi32>
    %broadcast_in_dim3A_1224 = vector.broadcast %reduce_min3A_1223 : i32 to vector<1x1xi32>
    %eq3A_1225 = arith.constant 43 : i32
    %eq3A_1226 = vector.broadcast %eq3A_1225 : i32 to vector<1x64xi32>
    %eq3A_1227 = arith.cmpi eq, %iota3A_7, %eq3A_1226 : vector<1x64xi32>
    %broadcast_in_dim3A_1228 = vector.shape_cast %broadcast_in_dim3A_1224 : vector<1x1xi32> to vector<1x1xi32>
    %broadcast_in_dim3A_1229 = vector.broadcast %broadcast_in_dim3A_1228 : vector<1x1xi32> to vector<1x64xi32>
    %select_n3A_1230 = arith.select %eq3A_1227, %broadcast_in_dim3A_1229, %select_n3A_1202 : vector<1x64xi1>, vector<1x64xi32>
    %eq3A_1231 = vector.broadcast %broadcast_in_dim3A_1224 : vector<1x1xi32> to vector<16x128xi32>
    %eq3A_1232 = arith.cmpi eq, %add3A, %eq3A_1231 : vector<16x128xi32>
    %jit3A_1233 = arith.constant 0xFF800000 : f32
    %broadcast_in_dim3A_1234 = vector.broadcast %jit3A_1233 : f32 to vector<16x128xf32>
    %select_n3A_1235 = arith.select %eq3A_1232, %broadcast_in_dim3A_1234, %select_n3A_1207 : vector<16x128xi1>, vector<16x128xf32>
    %reduce_max3A_1236 = vector.shape_cast %select_n3A_1235 : vector<16x128xf32> to vector<1x16x128xf32>
    %reduce_max3A_1237 = arith.constant dense<0xFF800000> : vector<1xf32>
    %reduce_max3A_1238 = vector.multi_reduction <maximumf>, %reduce_max3A_1236, %reduce_max3A_1237 [1, 2] : vector<1x16x128xf32> to vector<1xf32>
    %reduce_max3A_1239 = vector.shape_cast %reduce_max3A_1238 : vector<1xf32> to vector<1x1x1xf32>
    %reduce_max3A_1240 = vector.extract %reduce_max3A_1239[0, 0, 0] : f32 from vector<1x1x1xf32>
    %broadcast_in_dim3A_1241 = vector.broadcast %reduce_max3A_1240 : f32 to vector<1x1xf32>
    %eq3A_1242 = vector.broadcast %broadcast_in_dim3A_1241 : vector<1x1xf32> to vector<16x128xf32>
    %eq3A_1243 = arith.cmpf oeq, %select_n3A_1235, %eq3A_1242 : vector<16x128xf32>
    %jit3A_1244 = arith.constant 2048 : i32
    %broadcast_in_dim3A_1245 = vector.broadcast %jit3A_1244 : i32 to vector<16x128xi32>
    %select_n3A_1246 = arith.select %eq3A_1243, %add3A, %broadcast_in_dim3A_1245 : vector<16x128xi1>, vector<16x128xi32>
    %reduce_min3A_1247 = vector.shape_cast %select_n3A_1246 : vector<16x128xi32> to vector<1x16x128xi32>
    %reduce_min3A_1248 = arith.constant dense<2147483647> : vector<1xi32>
    %reduce_min3A_1249 = vector.multi_reduction <minsi>, %reduce_min3A_1247, %reduce_min3A_1248 [1, 2] : vector<1x16x128xi32> to vector<1xi32>
    %reduce_min3A_1250 = vector.shape_cast %reduce_min3A_1249 : vector<1xi32> to vector<1x1x1xi32>
    %reduce_min3A_1251 = vector.extract %reduce_min3A_1250[0, 0, 0] : i32 from vector<1x1x1xi32>
    %broadcast_in_dim3A_1252 = vector.broadcast %reduce_min3A_1251 : i32 to vector<1x1xi32>
    %eq3A_1253 = arith.constant 44 : i32
    %eq3A_1254 = vector.broadcast %eq3A_1253 : i32 to vector<1x64xi32>
    %eq3A_1255 = arith.cmpi eq, %iota3A_7, %eq3A_1254 : vector<1x64xi32>
    %broadcast_in_dim3A_1256 = vector.shape_cast %broadcast_in_dim3A_1252 : vector<1x1xi32> to vector<1x1xi32>
    %broadcast_in_dim3A_1257 = vector.broadcast %broadcast_in_dim3A_1256 : vector<1x1xi32> to vector<1x64xi32>
    %select_n3A_1258 = arith.select %eq3A_1255, %broadcast_in_dim3A_1257, %select_n3A_1230 : vector<1x64xi1>, vector<1x64xi32>
    %eq3A_1259 = vector.broadcast %broadcast_in_dim3A_1252 : vector<1x1xi32> to vector<16x128xi32>
    %eq3A_1260 = arith.cmpi eq, %add3A, %eq3A_1259 : vector<16x128xi32>
    %jit3A_1261 = arith.constant 0xFF800000 : f32
    %broadcast_in_dim3A_1262 = vector.broadcast %jit3A_1261 : f32 to vector<16x128xf32>
    %select_n3A_1263 = arith.select %eq3A_1260, %broadcast_in_dim3A_1262, %select_n3A_1235 : vector<16x128xi1>, vector<16x128xf32>
    %reduce_max3A_1264 = vector.shape_cast %select_n3A_1263 : vector<16x128xf32> to vector<1x16x128xf32>
    %reduce_max3A_1265 = arith.constant dense<0xFF800000> : vector<1xf32>
    %reduce_max3A_1266 = vector.multi_reduction <maximumf>, %reduce_max3A_1264, %reduce_max3A_1265 [1, 2] : vector<1x16x128xf32> to vector<1xf32>
    %reduce_max3A_1267 = vector.shape_cast %reduce_max3A_1266 : vector<1xf32> to vector<1x1x1xf32>
    %reduce_max3A_1268 = vector.extract %reduce_max3A_1267[0, 0, 0] : f32 from vector<1x1x1xf32>
    %broadcast_in_dim3A_1269 = vector.broadcast %reduce_max3A_1268 : f32 to vector<1x1xf32>
    %eq3A_1270 = vector.broadcast %broadcast_in_dim3A_1269 : vector<1x1xf32> to vector<16x128xf32>
    %eq3A_1271 = arith.cmpf oeq, %select_n3A_1263, %eq3A_1270 : vector<16x128xf32>
    %jit3A_1272 = arith.constant 2048 : i32
    %broadcast_in_dim3A_1273 = vector.broadcast %jit3A_1272 : i32 to vector<16x128xi32>
    %select_n3A_1274 = arith.select %eq3A_1271, %add3A, %broadcast_in_dim3A_1273 : vector<16x128xi1>, vector<16x128xi32>
    %reduce_min3A_1275 = vector.shape_cast %select_n3A_1274 : vector<16x128xi32> to vector<1x16x128xi32>
    %reduce_min3A_1276 = arith.constant dense<2147483647> : vector<1xi32>
    %reduce_min3A_1277 = vector.multi_reduction <minsi>, %reduce_min3A_1275, %reduce_min3A_1276 [1, 2] : vector<1x16x128xi32> to vector<1xi32>
    %reduce_min3A_1278 = vector.shape_cast %reduce_min3A_1277 : vector<1xi32> to vector<1x1x1xi32>
    %reduce_min3A_1279 = vector.extract %reduce_min3A_1278[0, 0, 0] : i32 from vector<1x1x1xi32>
    %broadcast_in_dim3A_1280 = vector.broadcast %reduce_min3A_1279 : i32 to vector<1x1xi32>
    %eq3A_1281 = arith.constant 45 : i32
    %eq3A_1282 = vector.broadcast %eq3A_1281 : i32 to vector<1x64xi32>
    %eq3A_1283 = arith.cmpi eq, %iota3A_7, %eq3A_1282 : vector<1x64xi32>
    %broadcast_in_dim3A_1284 = vector.shape_cast %broadcast_in_dim3A_1280 : vector<1x1xi32> to vector<1x1xi32>
    %broadcast_in_dim3A_1285 = vector.broadcast %broadcast_in_dim3A_1284 : vector<1x1xi32> to vector<1x64xi32>
    %select_n3A_1286 = arith.select %eq3A_1283, %broadcast_in_dim3A_1285, %select_n3A_1258 : vector<1x64xi1>, vector<1x64xi32>
    %eq3A_1287 = vector.broadcast %broadcast_in_dim3A_1280 : vector<1x1xi32> to vector<16x128xi32>
    %eq3A_1288 = arith.cmpi eq, %add3A, %eq3A_1287 : vector<16x128xi32>
    %jit3A_1289 = arith.constant 0xFF800000 : f32
    %broadcast_in_dim3A_1290 = vector.broadcast %jit3A_1289 : f32 to vector<16x128xf32>
    %select_n3A_1291 = arith.select %eq3A_1288, %broadcast_in_dim3A_1290, %select_n3A_1263 : vector<16x128xi1>, vector<16x128xf32>
    %reduce_max3A_1292 = vector.shape_cast %select_n3A_1291 : vector<16x128xf32> to vector<1x16x128xf32>
    %reduce_max3A_1293 = arith.constant dense<0xFF800000> : vector<1xf32>
    %reduce_max3A_1294 = vector.multi_reduction <maximumf>, %reduce_max3A_1292, %reduce_max3A_1293 [1, 2] : vector<1x16x128xf32> to vector<1xf32>
    %reduce_max3A_1295 = vector.shape_cast %reduce_max3A_1294 : vector<1xf32> to vector<1x1x1xf32>
    %reduce_max3A_1296 = vector.extract %reduce_max3A_1295[0, 0, 0] : f32 from vector<1x1x1xf32>
    %broadcast_in_dim3A_1297 = vector.broadcast %reduce_max3A_1296 : f32 to vector<1x1xf32>
    %eq3A_1298 = vector.broadcast %broadcast_in_dim3A_1297 : vector<1x1xf32> to vector<16x128xf32>
    %eq3A_1299 = arith.cmpf oeq, %select_n3A_1291, %eq3A_1298 : vector<16x128xf32>
    %jit3A_1300 = arith.constant 2048 : i32
    %broadcast_in_dim3A_1301 = vector.broadcast %jit3A_1300 : i32 to vector<16x128xi32>
    %select_n3A_1302 = arith.select %eq3A_1299, %add3A, %broadcast_in_dim3A_1301 : vector<16x128xi1>, vector<16x128xi32>
    %reduce_min3A_1303 = vector.shape_cast %select_n3A_1302 : vector<16x128xi32> to vector<1x16x128xi32>
    %reduce_min3A_1304 = arith.constant dense<2147483647> : vector<1xi32>
    %reduce_min3A_1305 = vector.multi_reduction <minsi>, %reduce_min3A_1303, %reduce_min3A_1304 [1, 2] : vector<1x16x128xi32> to vector<1xi32>
    %reduce_min3A_1306 = vector.shape_cast %reduce_min3A_1305 : vector<1xi32> to vector<1x1x1xi32>
    %reduce_min3A_1307 = vector.extract %reduce_min3A_1306[0, 0, 0] : i32 from vector<1x1x1xi32>
    %broadcast_in_dim3A_1308 = vector.broadcast %reduce_min3A_1307 : i32 to vector<1x1xi32>
    %eq3A_1309 = arith.constant 46 : i32
    %eq3A_1310 = vector.broadcast %eq3A_1309 : i32 to vector<1x64xi32>
    %eq3A_1311 = arith.cmpi eq, %iota3A_7, %eq3A_1310 : vector<1x64xi32>
    %broadcast_in_dim3A_1312 = vector.shape_cast %broadcast_in_dim3A_1308 : vector<1x1xi32> to vector<1x1xi32>
    %broadcast_in_dim3A_1313 = vector.broadcast %broadcast_in_dim3A_1312 : vector<1x1xi32> to vector<1x64xi32>
    %select_n3A_1314 = arith.select %eq3A_1311, %broadcast_in_dim3A_1313, %select_n3A_1286 : vector<1x64xi1>, vector<1x64xi32>
    %eq3A_1315 = vector.broadcast %broadcast_in_dim3A_1308 : vector<1x1xi32> to vector<16x128xi32>
    %eq3A_1316 = arith.cmpi eq, %add3A, %eq3A_1315 : vector<16x128xi32>
    %jit3A_1317 = arith.constant 0xFF800000 : f32
    %broadcast_in_dim3A_1318 = vector.broadcast %jit3A_1317 : f32 to vector<16x128xf32>
    %select_n3A_1319 = arith.select %eq3A_1316, %broadcast_in_dim3A_1318, %select_n3A_1291 : vector<16x128xi1>, vector<16x128xf32>
    %reduce_max3A_1320 = vector.shape_cast %select_n3A_1319 : vector<16x128xf32> to vector<1x16x128xf32>
    %reduce_max3A_1321 = arith.constant dense<0xFF800000> : vector<1xf32>
    %reduce_max3A_1322 = vector.multi_reduction <maximumf>, %reduce_max3A_1320, %reduce_max3A_1321 [1, 2] : vector<1x16x128xf32> to vector<1xf32>
    %reduce_max3A_1323 = vector.shape_cast %reduce_max3A_1322 : vector<1xf32> to vector<1x1x1xf32>
    %reduce_max3A_1324 = vector.extract %reduce_max3A_1323[0, 0, 0] : f32 from vector<1x1x1xf32>
    %broadcast_in_dim3A_1325 = vector.broadcast %reduce_max3A_1324 : f32 to vector<1x1xf32>
    %eq3A_1326 = vector.broadcast %broadcast_in_dim3A_1325 : vector<1x1xf32> to vector<16x128xf32>
    %eq3A_1327 = arith.cmpf oeq, %select_n3A_1319, %eq3A_1326 : vector<16x128xf32>
    %jit3A_1328 = arith.constant 2048 : i32
    %broadcast_in_dim3A_1329 = vector.broadcast %jit3A_1328 : i32 to vector<16x128xi32>
    %select_n3A_1330 = arith.select %eq3A_1327, %add3A, %broadcast_in_dim3A_1329 : vector<16x128xi1>, vector<16x128xi32>
    %reduce_min3A_1331 = vector.shape_cast %select_n3A_1330 : vector<16x128xi32> to vector<1x16x128xi32>
    %reduce_min3A_1332 = arith.constant dense<2147483647> : vector<1xi32>
    %reduce_min3A_1333 = vector.multi_reduction <minsi>, %reduce_min3A_1331, %reduce_min3A_1332 [1, 2] : vector<1x16x128xi32> to vector<1xi32>
    %reduce_min3A_1334 = vector.shape_cast %reduce_min3A_1333 : vector<1xi32> to vector<1x1x1xi32>
    %reduce_min3A_1335 = vector.extract %reduce_min3A_1334[0, 0, 0] : i32 from vector<1x1x1xi32>
    %broadcast_in_dim3A_1336 = vector.broadcast %reduce_min3A_1335 : i32 to vector<1x1xi32>
    %eq3A_1337 = arith.constant 47 : i32
    %eq3A_1338 = vector.broadcast %eq3A_1337 : i32 to vector<1x64xi32>
    %eq3A_1339 = arith.cmpi eq, %iota3A_7, %eq3A_1338 : vector<1x64xi32>
    %broadcast_in_dim3A_1340 = vector.shape_cast %broadcast_in_dim3A_1336 : vector<1x1xi32> to vector<1x1xi32>
    %broadcast_in_dim3A_1341 = vector.broadcast %broadcast_in_dim3A_1340 : vector<1x1xi32> to vector<1x64xi32>
    %select_n3A_1342 = arith.select %eq3A_1339, %broadcast_in_dim3A_1341, %select_n3A_1314 : vector<1x64xi1>, vector<1x64xi32>
    %eq3A_1343 = vector.broadcast %broadcast_in_dim3A_1336 : vector<1x1xi32> to vector<16x128xi32>
    %eq3A_1344 = arith.cmpi eq, %add3A, %eq3A_1343 : vector<16x128xi32>
    %jit3A_1345 = arith.constant 0xFF800000 : f32
    %broadcast_in_dim3A_1346 = vector.broadcast %jit3A_1345 : f32 to vector<16x128xf32>
    %select_n3A_1347 = arith.select %eq3A_1344, %broadcast_in_dim3A_1346, %select_n3A_1319 : vector<16x128xi1>, vector<16x128xf32>
    %reduce_max3A_1348 = vector.shape_cast %select_n3A_1347 : vector<16x128xf32> to vector<1x16x128xf32>
    %reduce_max3A_1349 = arith.constant dense<0xFF800000> : vector<1xf32>
    %reduce_max3A_1350 = vector.multi_reduction <maximumf>, %reduce_max3A_1348, %reduce_max3A_1349 [1, 2] : vector<1x16x128xf32> to vector<1xf32>
    %reduce_max3A_1351 = vector.shape_cast %reduce_max3A_1350 : vector<1xf32> to vector<1x1x1xf32>
    %reduce_max3A_1352 = vector.extract %reduce_max3A_1351[0, 0, 0] : f32 from vector<1x1x1xf32>
    %broadcast_in_dim3A_1353 = vector.broadcast %reduce_max3A_1352 : f32 to vector<1x1xf32>
    %eq3A_1354 = vector.broadcast %broadcast_in_dim3A_1353 : vector<1x1xf32> to vector<16x128xf32>
    %eq3A_1355 = arith.cmpf oeq, %select_n3A_1347, %eq3A_1354 : vector<16x128xf32>
    %jit3A_1356 = arith.constant 2048 : i32
    %broadcast_in_dim3A_1357 = vector.broadcast %jit3A_1356 : i32 to vector<16x128xi32>
    %select_n3A_1358 = arith.select %eq3A_1355, %add3A, %broadcast_in_dim3A_1357 : vector<16x128xi1>, vector<16x128xi32>
    %reduce_min3A_1359 = vector.shape_cast %select_n3A_1358 : vector<16x128xi32> to vector<1x16x128xi32>
    %reduce_min3A_1360 = arith.constant dense<2147483647> : vector<1xi32>
    %reduce_min3A_1361 = vector.multi_reduction <minsi>, %reduce_min3A_1359, %reduce_min3A_1360 [1, 2] : vector<1x16x128xi32> to vector<1xi32>
    %reduce_min3A_1362 = vector.shape_cast %reduce_min3A_1361 : vector<1xi32> to vector<1x1x1xi32>
    %reduce_min3A_1363 = vector.extract %reduce_min3A_1362[0, 0, 0] : i32 from vector<1x1x1xi32>
    %broadcast_in_dim3A_1364 = vector.broadcast %reduce_min3A_1363 : i32 to vector<1x1xi32>
    %eq3A_1365 = arith.constant 48 : i32
    %eq3A_1366 = vector.broadcast %eq3A_1365 : i32 to vector<1x64xi32>
    %eq3A_1367 = arith.cmpi eq, %iota3A_7, %eq3A_1366 : vector<1x64xi32>
    %broadcast_in_dim3A_1368 = vector.shape_cast %broadcast_in_dim3A_1364 : vector<1x1xi32> to vector<1x1xi32>
    %broadcast_in_dim3A_1369 = vector.broadcast %broadcast_in_dim3A_1368 : vector<1x1xi32> to vector<1x64xi32>
    %select_n3A_1370 = arith.select %eq3A_1367, %broadcast_in_dim3A_1369, %select_n3A_1342 : vector<1x64xi1>, vector<1x64xi32>
    %eq3A_1371 = vector.broadcast %broadcast_in_dim3A_1364 : vector<1x1xi32> to vector<16x128xi32>
    %eq3A_1372 = arith.cmpi eq, %add3A, %eq3A_1371 : vector<16x128xi32>
    %jit3A_1373 = arith.constant 0xFF800000 : f32
    %broadcast_in_dim3A_1374 = vector.broadcast %jit3A_1373 : f32 to vector<16x128xf32>
    %select_n3A_1375 = arith.select %eq3A_1372, %broadcast_in_dim3A_1374, %select_n3A_1347 : vector<16x128xi1>, vector<16x128xf32>
    %reduce_max3A_1376 = vector.shape_cast %select_n3A_1375 : vector<16x128xf32> to vector<1x16x128xf32>
    %reduce_max3A_1377 = arith.constant dense<0xFF800000> : vector<1xf32>
    %reduce_max3A_1378 = vector.multi_reduction <maximumf>, %reduce_max3A_1376, %reduce_max3A_1377 [1, 2] : vector<1x16x128xf32> to vector<1xf32>
    %reduce_max3A_1379 = vector.shape_cast %reduce_max3A_1378 : vector<1xf32> to vector<1x1x1xf32>
    %reduce_max3A_1380 = vector.extract %reduce_max3A_1379[0, 0, 0] : f32 from vector<1x1x1xf32>
    %broadcast_in_dim3A_1381 = vector.broadcast %reduce_max3A_1380 : f32 to vector<1x1xf32>
    %eq3A_1382 = vector.broadcast %broadcast_in_dim3A_1381 : vector<1x1xf32> to vector<16x128xf32>
    %eq3A_1383 = arith.cmpf oeq, %select_n3A_1375, %eq3A_1382 : vector<16x128xf32>
    %jit3A_1384 = arith.constant 2048 : i32
    %broadcast_in_dim3A_1385 = vector.broadcast %jit3A_1384 : i32 to vector<16x128xi32>
    %select_n3A_1386 = arith.select %eq3A_1383, %add3A, %broadcast_in_dim3A_1385 : vector<16x128xi1>, vector<16x128xi32>
    %reduce_min3A_1387 = vector.shape_cast %select_n3A_1386 : vector<16x128xi32> to vector<1x16x128xi32>
    %reduce_min3A_1388 = arith.constant dense<2147483647> : vector<1xi32>
    %reduce_min3A_1389 = vector.multi_reduction <minsi>, %reduce_min3A_1387, %reduce_min3A_1388 [1, 2] : vector<1x16x128xi32> to vector<1xi32>
    %reduce_min3A_1390 = vector.shape_cast %reduce_min3A_1389 : vector<1xi32> to vector<1x1x1xi32>
    %reduce_min3A_1391 = vector.extract %reduce_min3A_1390[0, 0, 0] : i32 from vector<1x1x1xi32>
    %broadcast_in_dim3A_1392 = vector.broadcast %reduce_min3A_1391 : i32 to vector<1x1xi32>
    %eq3A_1393 = arith.constant 49 : i32
    %eq3A_1394 = vector.broadcast %eq3A_1393 : i32 to vector<1x64xi32>
    %eq3A_1395 = arith.cmpi eq, %iota3A_7, %eq3A_1394 : vector<1x64xi32>
    %broadcast_in_dim3A_1396 = vector.shape_cast %broadcast_in_dim3A_1392 : vector<1x1xi32> to vector<1x1xi32>
    %broadcast_in_dim3A_1397 = vector.broadcast %broadcast_in_dim3A_1396 : vector<1x1xi32> to vector<1x64xi32>
    %select_n3A_1398 = arith.select %eq3A_1395, %broadcast_in_dim3A_1397, %select_n3A_1370 : vector<1x64xi1>, vector<1x64xi32>
    %eq3A_1399 = vector.broadcast %broadcast_in_dim3A_1392 : vector<1x1xi32> to vector<16x128xi32>
    %eq3A_1400 = arith.cmpi eq, %add3A, %eq3A_1399 : vector<16x128xi32>
    %jit3A_1401 = arith.constant 0xFF800000 : f32
    %broadcast_in_dim3A_1402 = vector.broadcast %jit3A_1401 : f32 to vector<16x128xf32>
    %select_n3A_1403 = arith.select %eq3A_1400, %broadcast_in_dim3A_1402, %select_n3A_1375 : vector<16x128xi1>, vector<16x128xf32>
    %reduce_max3A_1404 = vector.shape_cast %select_n3A_1403 : vector<16x128xf32> to vector<1x16x128xf32>
    %reduce_max3A_1405 = arith.constant dense<0xFF800000> : vector<1xf32>
    %reduce_max3A_1406 = vector.multi_reduction <maximumf>, %reduce_max3A_1404, %reduce_max3A_1405 [1, 2] : vector<1x16x128xf32> to vector<1xf32>
    %reduce_max3A_1407 = vector.shape_cast %reduce_max3A_1406 : vector<1xf32> to vector<1x1x1xf32>
    %reduce_max3A_1408 = vector.extract %reduce_max3A_1407[0, 0, 0] : f32 from vector<1x1x1xf32>
    %broadcast_in_dim3A_1409 = vector.broadcast %reduce_max3A_1408 : f32 to vector<1x1xf32>
    %eq3A_1410 = vector.broadcast %broadcast_in_dim3A_1409 : vector<1x1xf32> to vector<16x128xf32>
    %eq3A_1411 = arith.cmpf oeq, %select_n3A_1403, %eq3A_1410 : vector<16x128xf32>
    %jit3A_1412 = arith.constant 2048 : i32
    %broadcast_in_dim3A_1413 = vector.broadcast %jit3A_1412 : i32 to vector<16x128xi32>
    %select_n3A_1414 = arith.select %eq3A_1411, %add3A, %broadcast_in_dim3A_1413 : vector<16x128xi1>, vector<16x128xi32>
    %reduce_min3A_1415 = vector.shape_cast %select_n3A_1414 : vector<16x128xi32> to vector<1x16x128xi32>
    %reduce_min3A_1416 = arith.constant dense<2147483647> : vector<1xi32>
    %reduce_min3A_1417 = vector.multi_reduction <minsi>, %reduce_min3A_1415, %reduce_min3A_1416 [1, 2] : vector<1x16x128xi32> to vector<1xi32>
    %reduce_min3A_1418 = vector.shape_cast %reduce_min3A_1417 : vector<1xi32> to vector<1x1x1xi32>
    %reduce_min3A_1419 = vector.extract %reduce_min3A_1418[0, 0, 0] : i32 from vector<1x1x1xi32>
    %broadcast_in_dim3A_1420 = vector.broadcast %reduce_min3A_1419 : i32 to vector<1x1xi32>
    %eq3A_1421 = arith.constant 50 : i32
    %eq3A_1422 = vector.broadcast %eq3A_1421 : i32 to vector<1x64xi32>
    %eq3A_1423 = arith.cmpi eq, %iota3A_7, %eq3A_1422 : vector<1x64xi32>
    %broadcast_in_dim3A_1424 = vector.shape_cast %broadcast_in_dim3A_1420 : vector<1x1xi32> to vector<1x1xi32>
    %broadcast_in_dim3A_1425 = vector.broadcast %broadcast_in_dim3A_1424 : vector<1x1xi32> to vector<1x64xi32>
    %select_n3A_1426 = arith.select %eq3A_1423, %broadcast_in_dim3A_1425, %select_n3A_1398 : vector<1x64xi1>, vector<1x64xi32>
    %eq3A_1427 = vector.broadcast %broadcast_in_dim3A_1420 : vector<1x1xi32> to vector<16x128xi32>
    %eq3A_1428 = arith.cmpi eq, %add3A, %eq3A_1427 : vector<16x128xi32>
    %jit3A_1429 = arith.constant 0xFF800000 : f32
    %broadcast_in_dim3A_1430 = vector.broadcast %jit3A_1429 : f32 to vector<16x128xf32>
    %select_n3A_1431 = arith.select %eq3A_1428, %broadcast_in_dim3A_1430, %select_n3A_1403 : vector<16x128xi1>, vector<16x128xf32>
    %reduce_max3A_1432 = vector.shape_cast %select_n3A_1431 : vector<16x128xf32> to vector<1x16x128xf32>
    %reduce_max3A_1433 = arith.constant dense<0xFF800000> : vector<1xf32>
    %reduce_max3A_1434 = vector.multi_reduction <maximumf>, %reduce_max3A_1432, %reduce_max3A_1433 [1, 2] : vector<1x16x128xf32> to vector<1xf32>
    %reduce_max3A_1435 = vector.shape_cast %reduce_max3A_1434 : vector<1xf32> to vector<1x1x1xf32>
    %reduce_max3A_1436 = vector.extract %reduce_max3A_1435[0, 0, 0] : f32 from vector<1x1x1xf32>
    %broadcast_in_dim3A_1437 = vector.broadcast %reduce_max3A_1436 : f32 to vector<1x1xf32>
    %eq3A_1438 = vector.broadcast %broadcast_in_dim3A_1437 : vector<1x1xf32> to vector<16x128xf32>
    %eq3A_1439 = arith.cmpf oeq, %select_n3A_1431, %eq3A_1438 : vector<16x128xf32>
    %jit3A_1440 = arith.constant 2048 : i32
    %broadcast_in_dim3A_1441 = vector.broadcast %jit3A_1440 : i32 to vector<16x128xi32>
    %select_n3A_1442 = arith.select %eq3A_1439, %add3A, %broadcast_in_dim3A_1441 : vector<16x128xi1>, vector<16x128xi32>
    %reduce_min3A_1443 = vector.shape_cast %select_n3A_1442 : vector<16x128xi32> to vector<1x16x128xi32>
    %reduce_min3A_1444 = arith.constant dense<2147483647> : vector<1xi32>
    %reduce_min3A_1445 = vector.multi_reduction <minsi>, %reduce_min3A_1443, %reduce_min3A_1444 [1, 2] : vector<1x16x128xi32> to vector<1xi32>
    %reduce_min3A_1446 = vector.shape_cast %reduce_min3A_1445 : vector<1xi32> to vector<1x1x1xi32>
    %reduce_min3A_1447 = vector.extract %reduce_min3A_1446[0, 0, 0] : i32 from vector<1x1x1xi32>
    %broadcast_in_dim3A_1448 = vector.broadcast %reduce_min3A_1447 : i32 to vector<1x1xi32>
    %eq3A_1449 = arith.constant 51 : i32
    %eq3A_1450 = vector.broadcast %eq3A_1449 : i32 to vector<1x64xi32>
    %eq3A_1451 = arith.cmpi eq, %iota3A_7, %eq3A_1450 : vector<1x64xi32>
    %broadcast_in_dim3A_1452 = vector.shape_cast %broadcast_in_dim3A_1448 : vector<1x1xi32> to vector<1x1xi32>
    %broadcast_in_dim3A_1453 = vector.broadcast %broadcast_in_dim3A_1452 : vector<1x1xi32> to vector<1x64xi32>
    %select_n3A_1454 = arith.select %eq3A_1451, %broadcast_in_dim3A_1453, %select_n3A_1426 : vector<1x64xi1>, vector<1x64xi32>
    %eq3A_1455 = vector.broadcast %broadcast_in_dim3A_1448 : vector<1x1xi32> to vector<16x128xi32>
    %eq3A_1456 = arith.cmpi eq, %add3A, %eq3A_1455 : vector<16x128xi32>
    %jit3A_1457 = arith.constant 0xFF800000 : f32
    %broadcast_in_dim3A_1458 = vector.broadcast %jit3A_1457 : f32 to vector<16x128xf32>
    %select_n3A_1459 = arith.select %eq3A_1456, %broadcast_in_dim3A_1458, %select_n3A_1431 : vector<16x128xi1>, vector<16x128xf32>
    %reduce_max3A_1460 = vector.shape_cast %select_n3A_1459 : vector<16x128xf32> to vector<1x16x128xf32>
    %reduce_max3A_1461 = arith.constant dense<0xFF800000> : vector<1xf32>
    %reduce_max3A_1462 = vector.multi_reduction <maximumf>, %reduce_max3A_1460, %reduce_max3A_1461 [1, 2] : vector<1x16x128xf32> to vector<1xf32>
    %reduce_max3A_1463 = vector.shape_cast %reduce_max3A_1462 : vector<1xf32> to vector<1x1x1xf32>
    %reduce_max3A_1464 = vector.extract %reduce_max3A_1463[0, 0, 0] : f32 from vector<1x1x1xf32>
    %broadcast_in_dim3A_1465 = vector.broadcast %reduce_max3A_1464 : f32 to vector<1x1xf32>
    %eq3A_1466 = vector.broadcast %broadcast_in_dim3A_1465 : vector<1x1xf32> to vector<16x128xf32>
    %eq3A_1467 = arith.cmpf oeq, %select_n3A_1459, %eq3A_1466 : vector<16x128xf32>
    %jit3A_1468 = arith.constant 2048 : i32
    %broadcast_in_dim3A_1469 = vector.broadcast %jit3A_1468 : i32 to vector<16x128xi32>
    %select_n3A_1470 = arith.select %eq3A_1467, %add3A, %broadcast_in_dim3A_1469 : vector<16x128xi1>, vector<16x128xi32>
    %reduce_min3A_1471 = vector.shape_cast %select_n3A_1470 : vector<16x128xi32> to vector<1x16x128xi32>
    %reduce_min3A_1472 = arith.constant dense<2147483647> : vector<1xi32>
    %reduce_min3A_1473 = vector.multi_reduction <minsi>, %reduce_min3A_1471, %reduce_min3A_1472 [1, 2] : vector<1x16x128xi32> to vector<1xi32>
    %reduce_min3A_1474 = vector.shape_cast %reduce_min3A_1473 : vector<1xi32> to vector<1x1x1xi32>
    %reduce_min3A_1475 = vector.extract %reduce_min3A_1474[0, 0, 0] : i32 from vector<1x1x1xi32>
    %broadcast_in_dim3A_1476 = vector.broadcast %reduce_min3A_1475 : i32 to vector<1x1xi32>
    %eq3A_1477 = arith.constant 52 : i32
    %eq3A_1478 = vector.broadcast %eq3A_1477 : i32 to vector<1x64xi32>
    %eq3A_1479 = arith.cmpi eq, %iota3A_7, %eq3A_1478 : vector<1x64xi32>
    %broadcast_in_dim3A_1480 = vector.shape_cast %broadcast_in_dim3A_1476 : vector<1x1xi32> to vector<1x1xi32>
    %broadcast_in_dim3A_1481 = vector.broadcast %broadcast_in_dim3A_1480 : vector<1x1xi32> to vector<1x64xi32>
    %select_n3A_1482 = arith.select %eq3A_1479, %broadcast_in_dim3A_1481, %select_n3A_1454 : vector<1x64xi1>, vector<1x64xi32>
    %eq3A_1483 = vector.broadcast %broadcast_in_dim3A_1476 : vector<1x1xi32> to vector<16x128xi32>
    %eq3A_1484 = arith.cmpi eq, %add3A, %eq3A_1483 : vector<16x128xi32>
    %jit3A_1485 = arith.constant 0xFF800000 : f32
    %broadcast_in_dim3A_1486 = vector.broadcast %jit3A_1485 : f32 to vector<16x128xf32>
    %select_n3A_1487 = arith.select %eq3A_1484, %broadcast_in_dim3A_1486, %select_n3A_1459 : vector<16x128xi1>, vector<16x128xf32>
    %reduce_max3A_1488 = vector.shape_cast %select_n3A_1487 : vector<16x128xf32> to vector<1x16x128xf32>
    %reduce_max3A_1489 = arith.constant dense<0xFF800000> : vector<1xf32>
    %reduce_max3A_1490 = vector.multi_reduction <maximumf>, %reduce_max3A_1488, %reduce_max3A_1489 [1, 2] : vector<1x16x128xf32> to vector<1xf32>
    %reduce_max3A_1491 = vector.shape_cast %reduce_max3A_1490 : vector<1xf32> to vector<1x1x1xf32>
    %reduce_max3A_1492 = vector.extract %reduce_max3A_1491[0, 0, 0] : f32 from vector<1x1x1xf32>
    %broadcast_in_dim3A_1493 = vector.broadcast %reduce_max3A_1492 : f32 to vector<1x1xf32>
    %eq3A_1494 = vector.broadcast %broadcast_in_dim3A_1493 : vector<1x1xf32> to vector<16x128xf32>
    %eq3A_1495 = arith.cmpf oeq, %select_n3A_1487, %eq3A_1494 : vector<16x128xf32>
    %jit3A_1496 = arith.constant 2048 : i32
    %broadcast_in_dim3A_1497 = vector.broadcast %jit3A_1496 : i32 to vector<16x128xi32>
    %select_n3A_1498 = arith.select %eq3A_1495, %add3A, %broadcast_in_dim3A_1497 : vector<16x128xi1>, vector<16x128xi32>
    %reduce_min3A_1499 = vector.shape_cast %select_n3A_1498 : vector<16x128xi32> to vector<1x16x128xi32>
    %reduce_min3A_1500 = arith.constant dense<2147483647> : vector<1xi32>
    %reduce_min3A_1501 = vector.multi_reduction <minsi>, %reduce_min3A_1499, %reduce_min3A_1500 [1, 2] : vector<1x16x128xi32> to vector<1xi32>
    %reduce_min3A_1502 = vector.shape_cast %reduce_min3A_1501 : vector<1xi32> to vector<1x1x1xi32>
    %reduce_min3A_1503 = vector.extract %reduce_min3A_1502[0, 0, 0] : i32 from vector<1x1x1xi32>
    %broadcast_in_dim3A_1504 = vector.broadcast %reduce_min3A_1503 : i32 to vector<1x1xi32>
    %eq3A_1505 = arith.constant 53 : i32
    %eq3A_1506 = vector.broadcast %eq3A_1505 : i32 to vector<1x64xi32>
    %eq3A_1507 = arith.cmpi eq, %iota3A_7, %eq3A_1506 : vector<1x64xi32>
    %broadcast_in_dim3A_1508 = vector.shape_cast %broadcast_in_dim3A_1504 : vector<1x1xi32> to vector<1x1xi32>
    %broadcast_in_dim3A_1509 = vector.broadcast %broadcast_in_dim3A_1508 : vector<1x1xi32> to vector<1x64xi32>
    %select_n3A_1510 = arith.select %eq3A_1507, %broadcast_in_dim3A_1509, %select_n3A_1482 : vector<1x64xi1>, vector<1x64xi32>
    %eq3A_1511 = vector.broadcast %broadcast_in_dim3A_1504 : vector<1x1xi32> to vector<16x128xi32>
    %eq3A_1512 = arith.cmpi eq, %add3A, %eq3A_1511 : vector<16x128xi32>
    %jit3A_1513 = arith.constant 0xFF800000 : f32
    %broadcast_in_dim3A_1514 = vector.broadcast %jit3A_1513 : f32 to vector<16x128xf32>
    %select_n3A_1515 = arith.select %eq3A_1512, %broadcast_in_dim3A_1514, %select_n3A_1487 : vector<16x128xi1>, vector<16x128xf32>
    %reduce_max3A_1516 = vector.shape_cast %select_n3A_1515 : vector<16x128xf32> to vector<1x16x128xf32>
    %reduce_max3A_1517 = arith.constant dense<0xFF800000> : vector<1xf32>
    %reduce_max3A_1518 = vector.multi_reduction <maximumf>, %reduce_max3A_1516, %reduce_max3A_1517 [1, 2] : vector<1x16x128xf32> to vector<1xf32>
    %reduce_max3A_1519 = vector.shape_cast %reduce_max3A_1518 : vector<1xf32> to vector<1x1x1xf32>
    %reduce_max3A_1520 = vector.extract %reduce_max3A_1519[0, 0, 0] : f32 from vector<1x1x1xf32>
    %broadcast_in_dim3A_1521 = vector.broadcast %reduce_max3A_1520 : f32 to vector<1x1xf32>
    %eq3A_1522 = vector.broadcast %broadcast_in_dim3A_1521 : vector<1x1xf32> to vector<16x128xf32>
    %eq3A_1523 = arith.cmpf oeq, %select_n3A_1515, %eq3A_1522 : vector<16x128xf32>
    %jit3A_1524 = arith.constant 2048 : i32
    %broadcast_in_dim3A_1525 = vector.broadcast %jit3A_1524 : i32 to vector<16x128xi32>
    %select_n3A_1526 = arith.select %eq3A_1523, %add3A, %broadcast_in_dim3A_1525 : vector<16x128xi1>, vector<16x128xi32>
    %reduce_min3A_1527 = vector.shape_cast %select_n3A_1526 : vector<16x128xi32> to vector<1x16x128xi32>
    %reduce_min3A_1528 = arith.constant dense<2147483647> : vector<1xi32>
    %reduce_min3A_1529 = vector.multi_reduction <minsi>, %reduce_min3A_1527, %reduce_min3A_1528 [1, 2] : vector<1x16x128xi32> to vector<1xi32>
    %reduce_min3A_1530 = vector.shape_cast %reduce_min3A_1529 : vector<1xi32> to vector<1x1x1xi32>
    %reduce_min3A_1531 = vector.extract %reduce_min3A_1530[0, 0, 0] : i32 from vector<1x1x1xi32>
    %broadcast_in_dim3A_1532 = vector.broadcast %reduce_min3A_1531 : i32 to vector<1x1xi32>
    %eq3A_1533 = arith.constant 54 : i32
    %eq3A_1534 = vector.broadcast %eq3A_1533 : i32 to vector<1x64xi32>
    %eq3A_1535 = arith.cmpi eq, %iota3A_7, %eq3A_1534 : vector<1x64xi32>
    %broadcast_in_dim3A_1536 = vector.shape_cast %broadcast_in_dim3A_1532 : vector<1x1xi32> to vector<1x1xi32>
    %broadcast_in_dim3A_1537 = vector.broadcast %broadcast_in_dim3A_1536 : vector<1x1xi32> to vector<1x64xi32>
    %select_n3A_1538 = arith.select %eq3A_1535, %broadcast_in_dim3A_1537, %select_n3A_1510 : vector<1x64xi1>, vector<1x64xi32>
    %eq3A_1539 = vector.broadcast %broadcast_in_dim3A_1532 : vector<1x1xi32> to vector<16x128xi32>
    %eq3A_1540 = arith.cmpi eq, %add3A, %eq3A_1539 : vector<16x128xi32>
    %jit3A_1541 = arith.constant 0xFF800000 : f32
    %broadcast_in_dim3A_1542 = vector.broadcast %jit3A_1541 : f32 to vector<16x128xf32>
    %select_n3A_1543 = arith.select %eq3A_1540, %broadcast_in_dim3A_1542, %select_n3A_1515 : vector<16x128xi1>, vector<16x128xf32>
    %reduce_max3A_1544 = vector.shape_cast %select_n3A_1543 : vector<16x128xf32> to vector<1x16x128xf32>
    %reduce_max3A_1545 = arith.constant dense<0xFF800000> : vector<1xf32>
    %reduce_max3A_1546 = vector.multi_reduction <maximumf>, %reduce_max3A_1544, %reduce_max3A_1545 [1, 2] : vector<1x16x128xf32> to vector<1xf32>
    %reduce_max3A_1547 = vector.shape_cast %reduce_max3A_1546 : vector<1xf32> to vector<1x1x1xf32>
    %reduce_max3A_1548 = vector.extract %reduce_max3A_1547[0, 0, 0] : f32 from vector<1x1x1xf32>
    %broadcast_in_dim3A_1549 = vector.broadcast %reduce_max3A_1548 : f32 to vector<1x1xf32>
    %eq3A_1550 = vector.broadcast %broadcast_in_dim3A_1549 : vector<1x1xf32> to vector<16x128xf32>
    %eq3A_1551 = arith.cmpf oeq, %select_n3A_1543, %eq3A_1550 : vector<16x128xf32>
    %jit3A_1552 = arith.constant 2048 : i32
    %broadcast_in_dim3A_1553 = vector.broadcast %jit3A_1552 : i32 to vector<16x128xi32>
    %select_n3A_1554 = arith.select %eq3A_1551, %add3A, %broadcast_in_dim3A_1553 : vector<16x128xi1>, vector<16x128xi32>
    %reduce_min3A_1555 = vector.shape_cast %select_n3A_1554 : vector<16x128xi32> to vector<1x16x128xi32>
    %reduce_min3A_1556 = arith.constant dense<2147483647> : vector<1xi32>
    %reduce_min3A_1557 = vector.multi_reduction <minsi>, %reduce_min3A_1555, %reduce_min3A_1556 [1, 2] : vector<1x16x128xi32> to vector<1xi32>
    %reduce_min3A_1558 = vector.shape_cast %reduce_min3A_1557 : vector<1xi32> to vector<1x1x1xi32>
    %reduce_min3A_1559 = vector.extract %reduce_min3A_1558[0, 0, 0] : i32 from vector<1x1x1xi32>
    %broadcast_in_dim3A_1560 = vector.broadcast %reduce_min3A_1559 : i32 to vector<1x1xi32>
    %eq3A_1561 = arith.constant 55 : i32
    %eq3A_1562 = vector.broadcast %eq3A_1561 : i32 to vector<1x64xi32>
    %eq3A_1563 = arith.cmpi eq, %iota3A_7, %eq3A_1562 : vector<1x64xi32>
    %broadcast_in_dim3A_1564 = vector.shape_cast %broadcast_in_dim3A_1560 : vector<1x1xi32> to vector<1x1xi32>
    %broadcast_in_dim3A_1565 = vector.broadcast %broadcast_in_dim3A_1564 : vector<1x1xi32> to vector<1x64xi32>
    %select_n3A_1566 = arith.select %eq3A_1563, %broadcast_in_dim3A_1565, %select_n3A_1538 : vector<1x64xi1>, vector<1x64xi32>
    %eq3A_1567 = vector.broadcast %broadcast_in_dim3A_1560 : vector<1x1xi32> to vector<16x128xi32>
    %eq3A_1568 = arith.cmpi eq, %add3A, %eq3A_1567 : vector<16x128xi32>
    %jit3A_1569 = arith.constant 0xFF800000 : f32
    %broadcast_in_dim3A_1570 = vector.broadcast %jit3A_1569 : f32 to vector<16x128xf32>
    %select_n3A_1571 = arith.select %eq3A_1568, %broadcast_in_dim3A_1570, %select_n3A_1543 : vector<16x128xi1>, vector<16x128xf32>
    %reduce_max3A_1572 = vector.shape_cast %select_n3A_1571 : vector<16x128xf32> to vector<1x16x128xf32>
    %reduce_max3A_1573 = arith.constant dense<0xFF800000> : vector<1xf32>
    %reduce_max3A_1574 = vector.multi_reduction <maximumf>, %reduce_max3A_1572, %reduce_max3A_1573 [1, 2] : vector<1x16x128xf32> to vector<1xf32>
    %reduce_max3A_1575 = vector.shape_cast %reduce_max3A_1574 : vector<1xf32> to vector<1x1x1xf32>
    %reduce_max3A_1576 = vector.extract %reduce_max3A_1575[0, 0, 0] : f32 from vector<1x1x1xf32>
    %broadcast_in_dim3A_1577 = vector.broadcast %reduce_max3A_1576 : f32 to vector<1x1xf32>
    %eq3A_1578 = vector.broadcast %broadcast_in_dim3A_1577 : vector<1x1xf32> to vector<16x128xf32>
    %eq3A_1579 = arith.cmpf oeq, %select_n3A_1571, %eq3A_1578 : vector<16x128xf32>
    %jit3A_1580 = arith.constant 2048 : i32
    %broadcast_in_dim3A_1581 = vector.broadcast %jit3A_1580 : i32 to vector<16x128xi32>
    %select_n3A_1582 = arith.select %eq3A_1579, %add3A, %broadcast_in_dim3A_1581 : vector<16x128xi1>, vector<16x128xi32>
    %reduce_min3A_1583 = vector.shape_cast %select_n3A_1582 : vector<16x128xi32> to vector<1x16x128xi32>
    %reduce_min3A_1584 = arith.constant dense<2147483647> : vector<1xi32>
    %reduce_min3A_1585 = vector.multi_reduction <minsi>, %reduce_min3A_1583, %reduce_min3A_1584 [1, 2] : vector<1x16x128xi32> to vector<1xi32>
    %reduce_min3A_1586 = vector.shape_cast %reduce_min3A_1585 : vector<1xi32> to vector<1x1x1xi32>
    %reduce_min3A_1587 = vector.extract %reduce_min3A_1586[0, 0, 0] : i32 from vector<1x1x1xi32>
    %broadcast_in_dim3A_1588 = vector.broadcast %reduce_min3A_1587 : i32 to vector<1x1xi32>
    %eq3A_1589 = arith.constant 56 : i32
    %eq3A_1590 = vector.broadcast %eq3A_1589 : i32 to vector<1x64xi32>
    %eq3A_1591 = arith.cmpi eq, %iota3A_7, %eq3A_1590 : vector<1x64xi32>
    %broadcast_in_dim3A_1592 = vector.shape_cast %broadcast_in_dim3A_1588 : vector<1x1xi32> to vector<1x1xi32>
    %broadcast_in_dim3A_1593 = vector.broadcast %broadcast_in_dim3A_1592 : vector<1x1xi32> to vector<1x64xi32>
    %select_n3A_1594 = arith.select %eq3A_1591, %broadcast_in_dim3A_1593, %select_n3A_1566 : vector<1x64xi1>, vector<1x64xi32>
    %eq3A_1595 = vector.broadcast %broadcast_in_dim3A_1588 : vector<1x1xi32> to vector<16x128xi32>
    %eq3A_1596 = arith.cmpi eq, %add3A, %eq3A_1595 : vector<16x128xi32>
    %jit3A_1597 = arith.constant 0xFF800000 : f32
    %broadcast_in_dim3A_1598 = vector.broadcast %jit3A_1597 : f32 to vector<16x128xf32>
    %select_n3A_1599 = arith.select %eq3A_1596, %broadcast_in_dim3A_1598, %select_n3A_1571 : vector<16x128xi1>, vector<16x128xf32>
    %reduce_max3A_1600 = vector.shape_cast %select_n3A_1599 : vector<16x128xf32> to vector<1x16x128xf32>
    %reduce_max3A_1601 = arith.constant dense<0xFF800000> : vector<1xf32>
    %reduce_max3A_1602 = vector.multi_reduction <maximumf>, %reduce_max3A_1600, %reduce_max3A_1601 [1, 2] : vector<1x16x128xf32> to vector<1xf32>
    %reduce_max3A_1603 = vector.shape_cast %reduce_max3A_1602 : vector<1xf32> to vector<1x1x1xf32>
    %reduce_max3A_1604 = vector.extract %reduce_max3A_1603[0, 0, 0] : f32 from vector<1x1x1xf32>
    %broadcast_in_dim3A_1605 = vector.broadcast %reduce_max3A_1604 : f32 to vector<1x1xf32>
    %eq3A_1606 = vector.broadcast %broadcast_in_dim3A_1605 : vector<1x1xf32> to vector<16x128xf32>
    %eq3A_1607 = arith.cmpf oeq, %select_n3A_1599, %eq3A_1606 : vector<16x128xf32>
    %jit3A_1608 = arith.constant 2048 : i32
    %broadcast_in_dim3A_1609 = vector.broadcast %jit3A_1608 : i32 to vector<16x128xi32>
    %select_n3A_1610 = arith.select %eq3A_1607, %add3A, %broadcast_in_dim3A_1609 : vector<16x128xi1>, vector<16x128xi32>
    %reduce_min3A_1611 = vector.shape_cast %select_n3A_1610 : vector<16x128xi32> to vector<1x16x128xi32>
    %reduce_min3A_1612 = arith.constant dense<2147483647> : vector<1xi32>
    %reduce_min3A_1613 = vector.multi_reduction <minsi>, %reduce_min3A_1611, %reduce_min3A_1612 [1, 2] : vector<1x16x128xi32> to vector<1xi32>
    %reduce_min3A_1614 = vector.shape_cast %reduce_min3A_1613 : vector<1xi32> to vector<1x1x1xi32>
    %reduce_min3A_1615 = vector.extract %reduce_min3A_1614[0, 0, 0] : i32 from vector<1x1x1xi32>
    %broadcast_in_dim3A_1616 = vector.broadcast %reduce_min3A_1615 : i32 to vector<1x1xi32>
    %eq3A_1617 = arith.constant 57 : i32
    %eq3A_1618 = vector.broadcast %eq3A_1617 : i32 to vector<1x64xi32>
    %eq3A_1619 = arith.cmpi eq, %iota3A_7, %eq3A_1618 : vector<1x64xi32>
    %broadcast_in_dim3A_1620 = vector.shape_cast %broadcast_in_dim3A_1616 : vector<1x1xi32> to vector<1x1xi32>
    %broadcast_in_dim3A_1621 = vector.broadcast %broadcast_in_dim3A_1620 : vector<1x1xi32> to vector<1x64xi32>
    %select_n3A_1622 = arith.select %eq3A_1619, %broadcast_in_dim3A_1621, %select_n3A_1594 : vector<1x64xi1>, vector<1x64xi32>
    %eq3A_1623 = vector.broadcast %broadcast_in_dim3A_1616 : vector<1x1xi32> to vector<16x128xi32>
    %eq3A_1624 = arith.cmpi eq, %add3A, %eq3A_1623 : vector<16x128xi32>
    %jit3A_1625 = arith.constant 0xFF800000 : f32
    %broadcast_in_dim3A_1626 = vector.broadcast %jit3A_1625 : f32 to vector<16x128xf32>
    %select_n3A_1627 = arith.select %eq3A_1624, %broadcast_in_dim3A_1626, %select_n3A_1599 : vector<16x128xi1>, vector<16x128xf32>
    %reduce_max3A_1628 = vector.shape_cast %select_n3A_1627 : vector<16x128xf32> to vector<1x16x128xf32>
    %reduce_max3A_1629 = arith.constant dense<0xFF800000> : vector<1xf32>
    %reduce_max3A_1630 = vector.multi_reduction <maximumf>, %reduce_max3A_1628, %reduce_max3A_1629 [1, 2] : vector<1x16x128xf32> to vector<1xf32>
    %reduce_max3A_1631 = vector.shape_cast %reduce_max3A_1630 : vector<1xf32> to vector<1x1x1xf32>
    %reduce_max3A_1632 = vector.extract %reduce_max3A_1631[0, 0, 0] : f32 from vector<1x1x1xf32>
    %broadcast_in_dim3A_1633 = vector.broadcast %reduce_max3A_1632 : f32 to vector<1x1xf32>
    %eq3A_1634 = vector.broadcast %broadcast_in_dim3A_1633 : vector<1x1xf32> to vector<16x128xf32>
    %eq3A_1635 = arith.cmpf oeq, %select_n3A_1627, %eq3A_1634 : vector<16x128xf32>
    %jit3A_1636 = arith.constant 2048 : i32
    %broadcast_in_dim3A_1637 = vector.broadcast %jit3A_1636 : i32 to vector<16x128xi32>
    %select_n3A_1638 = arith.select %eq3A_1635, %add3A, %broadcast_in_dim3A_1637 : vector<16x128xi1>, vector<16x128xi32>
    %reduce_min3A_1639 = vector.shape_cast %select_n3A_1638 : vector<16x128xi32> to vector<1x16x128xi32>
    %reduce_min3A_1640 = arith.constant dense<2147483647> : vector<1xi32>
    %reduce_min3A_1641 = vector.multi_reduction <minsi>, %reduce_min3A_1639, %reduce_min3A_1640 [1, 2] : vector<1x16x128xi32> to vector<1xi32>
    %reduce_min3A_1642 = vector.shape_cast %reduce_min3A_1641 : vector<1xi32> to vector<1x1x1xi32>
    %reduce_min3A_1643 = vector.extract %reduce_min3A_1642[0, 0, 0] : i32 from vector<1x1x1xi32>
    %broadcast_in_dim3A_1644 = vector.broadcast %reduce_min3A_1643 : i32 to vector<1x1xi32>
    %eq3A_1645 = arith.constant 58 : i32
    %eq3A_1646 = vector.broadcast %eq3A_1645 : i32 to vector<1x64xi32>
    %eq3A_1647 = arith.cmpi eq, %iota3A_7, %eq3A_1646 : vector<1x64xi32>
    %broadcast_in_dim3A_1648 = vector.shape_cast %broadcast_in_dim3A_1644 : vector<1x1xi32> to vector<1x1xi32>
    %broadcast_in_dim3A_1649 = vector.broadcast %broadcast_in_dim3A_1648 : vector<1x1xi32> to vector<1x64xi32>
    %select_n3A_1650 = arith.select %eq3A_1647, %broadcast_in_dim3A_1649, %select_n3A_1622 : vector<1x64xi1>, vector<1x64xi32>
    %eq3A_1651 = vector.broadcast %broadcast_in_dim3A_1644 : vector<1x1xi32> to vector<16x128xi32>
    %eq3A_1652 = arith.cmpi eq, %add3A, %eq3A_1651 : vector<16x128xi32>
    %jit3A_1653 = arith.constant 0xFF800000 : f32
    %broadcast_in_dim3A_1654 = vector.broadcast %jit3A_1653 : f32 to vector<16x128xf32>
    %select_n3A_1655 = arith.select %eq3A_1652, %broadcast_in_dim3A_1654, %select_n3A_1627 : vector<16x128xi1>, vector<16x128xf32>
    %reduce_max3A_1656 = vector.shape_cast %select_n3A_1655 : vector<16x128xf32> to vector<1x16x128xf32>
    %reduce_max3A_1657 = arith.constant dense<0xFF800000> : vector<1xf32>
    %reduce_max3A_1658 = vector.multi_reduction <maximumf>, %reduce_max3A_1656, %reduce_max3A_1657 [1, 2] : vector<1x16x128xf32> to vector<1xf32>
    %reduce_max3A_1659 = vector.shape_cast %reduce_max3A_1658 : vector<1xf32> to vector<1x1x1xf32>
    %reduce_max3A_1660 = vector.extract %reduce_max3A_1659[0, 0, 0] : f32 from vector<1x1x1xf32>
    %broadcast_in_dim3A_1661 = vector.broadcast %reduce_max3A_1660 : f32 to vector<1x1xf32>
    %eq3A_1662 = vector.broadcast %broadcast_in_dim3A_1661 : vector<1x1xf32> to vector<16x128xf32>
    %eq3A_1663 = arith.cmpf oeq, %select_n3A_1655, %eq3A_1662 : vector<16x128xf32>
    %jit3A_1664 = arith.constant 2048 : i32
    %broadcast_in_dim3A_1665 = vector.broadcast %jit3A_1664 : i32 to vector<16x128xi32>
    %select_n3A_1666 = arith.select %eq3A_1663, %add3A, %broadcast_in_dim3A_1665 : vector<16x128xi1>, vector<16x128xi32>
    %reduce_min3A_1667 = vector.shape_cast %select_n3A_1666 : vector<16x128xi32> to vector<1x16x128xi32>
    %reduce_min3A_1668 = arith.constant dense<2147483647> : vector<1xi32>
    %reduce_min3A_1669 = vector.multi_reduction <minsi>, %reduce_min3A_1667, %reduce_min3A_1668 [1, 2] : vector<1x16x128xi32> to vector<1xi32>
    %reduce_min3A_1670 = vector.shape_cast %reduce_min3A_1669 : vector<1xi32> to vector<1x1x1xi32>
    %reduce_min3A_1671 = vector.extract %reduce_min3A_1670[0, 0, 0] : i32 from vector<1x1x1xi32>
    %broadcast_in_dim3A_1672 = vector.broadcast %reduce_min3A_1671 : i32 to vector<1x1xi32>
    %eq3A_1673 = arith.constant 59 : i32
    %eq3A_1674 = vector.broadcast %eq3A_1673 : i32 to vector<1x64xi32>
    %eq3A_1675 = arith.cmpi eq, %iota3A_7, %eq3A_1674 : vector<1x64xi32>
    %broadcast_in_dim3A_1676 = vector.shape_cast %broadcast_in_dim3A_1672 : vector<1x1xi32> to vector<1x1xi32>
    %broadcast_in_dim3A_1677 = vector.broadcast %broadcast_in_dim3A_1676 : vector<1x1xi32> to vector<1x64xi32>
    %select_n3A_1678 = arith.select %eq3A_1675, %broadcast_in_dim3A_1677, %select_n3A_1650 : vector<1x64xi1>, vector<1x64xi32>
    %eq3A_1679 = vector.broadcast %broadcast_in_dim3A_1672 : vector<1x1xi32> to vector<16x128xi32>
    %eq3A_1680 = arith.cmpi eq, %add3A, %eq3A_1679 : vector<16x128xi32>
    %jit3A_1681 = arith.constant 0xFF800000 : f32
    %broadcast_in_dim3A_1682 = vector.broadcast %jit3A_1681 : f32 to vector<16x128xf32>
    %select_n3A_1683 = arith.select %eq3A_1680, %broadcast_in_dim3A_1682, %select_n3A_1655 : vector<16x128xi1>, vector<16x128xf32>
    %reduce_max3A_1684 = vector.shape_cast %select_n3A_1683 : vector<16x128xf32> to vector<1x16x128xf32>
    %reduce_max3A_1685 = arith.constant dense<0xFF800000> : vector<1xf32>
    %reduce_max3A_1686 = vector.multi_reduction <maximumf>, %reduce_max3A_1684, %reduce_max3A_1685 [1, 2] : vector<1x16x128xf32> to vector<1xf32>
    %reduce_max3A_1687 = vector.shape_cast %reduce_max3A_1686 : vector<1xf32> to vector<1x1x1xf32>
    %reduce_max3A_1688 = vector.extract %reduce_max3A_1687[0, 0, 0] : f32 from vector<1x1x1xf32>
    %broadcast_in_dim3A_1689 = vector.broadcast %reduce_max3A_1688 : f32 to vector<1x1xf32>
    %eq3A_1690 = vector.broadcast %broadcast_in_dim3A_1689 : vector<1x1xf32> to vector<16x128xf32>
    %eq3A_1691 = arith.cmpf oeq, %select_n3A_1683, %eq3A_1690 : vector<16x128xf32>
    %jit3A_1692 = arith.constant 2048 : i32
    %broadcast_in_dim3A_1693 = vector.broadcast %jit3A_1692 : i32 to vector<16x128xi32>
    %select_n3A_1694 = arith.select %eq3A_1691, %add3A, %broadcast_in_dim3A_1693 : vector<16x128xi1>, vector<16x128xi32>
    %reduce_min3A_1695 = vector.shape_cast %select_n3A_1694 : vector<16x128xi32> to vector<1x16x128xi32>
    %reduce_min3A_1696 = arith.constant dense<2147483647> : vector<1xi32>
    %reduce_min3A_1697 = vector.multi_reduction <minsi>, %reduce_min3A_1695, %reduce_min3A_1696 [1, 2] : vector<1x16x128xi32> to vector<1xi32>
    %reduce_min3A_1698 = vector.shape_cast %reduce_min3A_1697 : vector<1xi32> to vector<1x1x1xi32>
    %reduce_min3A_1699 = vector.extract %reduce_min3A_1698[0, 0, 0] : i32 from vector<1x1x1xi32>
    %broadcast_in_dim3A_1700 = vector.broadcast %reduce_min3A_1699 : i32 to vector<1x1xi32>
    %eq3A_1701 = arith.constant 60 : i32
    %eq3A_1702 = vector.broadcast %eq3A_1701 : i32 to vector<1x64xi32>
    %eq3A_1703 = arith.cmpi eq, %iota3A_7, %eq3A_1702 : vector<1x64xi32>
    %broadcast_in_dim3A_1704 = vector.shape_cast %broadcast_in_dim3A_1700 : vector<1x1xi32> to vector<1x1xi32>
    %broadcast_in_dim3A_1705 = vector.broadcast %broadcast_in_dim3A_1704 : vector<1x1xi32> to vector<1x64xi32>
    %select_n3A_1706 = arith.select %eq3A_1703, %broadcast_in_dim3A_1705, %select_n3A_1678 : vector<1x64xi1>, vector<1x64xi32>
    %eq3A_1707 = vector.broadcast %broadcast_in_dim3A_1700 : vector<1x1xi32> to vector<16x128xi32>
    %eq3A_1708 = arith.cmpi eq, %add3A, %eq3A_1707 : vector<16x128xi32>
    %jit3A_1709 = arith.constant 0xFF800000 : f32
    %broadcast_in_dim3A_1710 = vector.broadcast %jit3A_1709 : f32 to vector<16x128xf32>
    %select_n3A_1711 = arith.select %eq3A_1708, %broadcast_in_dim3A_1710, %select_n3A_1683 : vector<16x128xi1>, vector<16x128xf32>
    %reduce_max3A_1712 = vector.shape_cast %select_n3A_1711 : vector<16x128xf32> to vector<1x16x128xf32>
    %reduce_max3A_1713 = arith.constant dense<0xFF800000> : vector<1xf32>
    %reduce_max3A_1714 = vector.multi_reduction <maximumf>, %reduce_max3A_1712, %reduce_max3A_1713 [1, 2] : vector<1x16x128xf32> to vector<1xf32>
    %reduce_max3A_1715 = vector.shape_cast %reduce_max3A_1714 : vector<1xf32> to vector<1x1x1xf32>
    %reduce_max3A_1716 = vector.extract %reduce_max3A_1715[0, 0, 0] : f32 from vector<1x1x1xf32>
    %broadcast_in_dim3A_1717 = vector.broadcast %reduce_max3A_1716 : f32 to vector<1x1xf32>
    %eq3A_1718 = vector.broadcast %broadcast_in_dim3A_1717 : vector<1x1xf32> to vector<16x128xf32>
    %eq3A_1719 = arith.cmpf oeq, %select_n3A_1711, %eq3A_1718 : vector<16x128xf32>
    %jit3A_1720 = arith.constant 2048 : i32
    %broadcast_in_dim3A_1721 = vector.broadcast %jit3A_1720 : i32 to vector<16x128xi32>
    %select_n3A_1722 = arith.select %eq3A_1719, %add3A, %broadcast_in_dim3A_1721 : vector<16x128xi1>, vector<16x128xi32>
    %reduce_min3A_1723 = vector.shape_cast %select_n3A_1722 : vector<16x128xi32> to vector<1x16x128xi32>
    %reduce_min3A_1724 = arith.constant dense<2147483647> : vector<1xi32>
    %reduce_min3A_1725 = vector.multi_reduction <minsi>, %reduce_min3A_1723, %reduce_min3A_1724 [1, 2] : vector<1x16x128xi32> to vector<1xi32>
    %reduce_min3A_1726 = vector.shape_cast %reduce_min3A_1725 : vector<1xi32> to vector<1x1x1xi32>
    %reduce_min3A_1727 = vector.extract %reduce_min3A_1726[0, 0, 0] : i32 from vector<1x1x1xi32>
    %broadcast_in_dim3A_1728 = vector.broadcast %reduce_min3A_1727 : i32 to vector<1x1xi32>
    %eq3A_1729 = arith.constant 61 : i32
    %eq3A_1730 = vector.broadcast %eq3A_1729 : i32 to vector<1x64xi32>
    %eq3A_1731 = arith.cmpi eq, %iota3A_7, %eq3A_1730 : vector<1x64xi32>
    %broadcast_in_dim3A_1732 = vector.shape_cast %broadcast_in_dim3A_1728 : vector<1x1xi32> to vector<1x1xi32>
    %broadcast_in_dim3A_1733 = vector.broadcast %broadcast_in_dim3A_1732 : vector<1x1xi32> to vector<1x64xi32>
    %select_n3A_1734 = arith.select %eq3A_1731, %broadcast_in_dim3A_1733, %select_n3A_1706 : vector<1x64xi1>, vector<1x64xi32>
    %eq3A_1735 = vector.broadcast %broadcast_in_dim3A_1728 : vector<1x1xi32> to vector<16x128xi32>
    %eq3A_1736 = arith.cmpi eq, %add3A, %eq3A_1735 : vector<16x128xi32>
    %jit3A_1737 = arith.constant 0xFF800000 : f32
    %broadcast_in_dim3A_1738 = vector.broadcast %jit3A_1737 : f32 to vector<16x128xf32>
    %select_n3A_1739 = arith.select %eq3A_1736, %broadcast_in_dim3A_1738, %select_n3A_1711 : vector<16x128xi1>, vector<16x128xf32>
    %reduce_max3A_1740 = vector.shape_cast %select_n3A_1739 : vector<16x128xf32> to vector<1x16x128xf32>
    %reduce_max3A_1741 = arith.constant dense<0xFF800000> : vector<1xf32>
    %reduce_max3A_1742 = vector.multi_reduction <maximumf>, %reduce_max3A_1740, %reduce_max3A_1741 [1, 2] : vector<1x16x128xf32> to vector<1xf32>
    %reduce_max3A_1743 = vector.shape_cast %reduce_max3A_1742 : vector<1xf32> to vector<1x1x1xf32>
    %reduce_max3A_1744 = vector.extract %reduce_max3A_1743[0, 0, 0] : f32 from vector<1x1x1xf32>
    %broadcast_in_dim3A_1745 = vector.broadcast %reduce_max3A_1744 : f32 to vector<1x1xf32>
    %eq3A_1746 = vector.broadcast %broadcast_in_dim3A_1745 : vector<1x1xf32> to vector<16x128xf32>
    %eq3A_1747 = arith.cmpf oeq, %select_n3A_1739, %eq3A_1746 : vector<16x128xf32>
    %jit3A_1748 = arith.constant 2048 : i32
    %broadcast_in_dim3A_1749 = vector.broadcast %jit3A_1748 : i32 to vector<16x128xi32>
    %select_n3A_1750 = arith.select %eq3A_1747, %add3A, %broadcast_in_dim3A_1749 : vector<16x128xi1>, vector<16x128xi32>
    %reduce_min3A_1751 = vector.shape_cast %select_n3A_1750 : vector<16x128xi32> to vector<1x16x128xi32>
    %reduce_min3A_1752 = arith.constant dense<2147483647> : vector<1xi32>
    %reduce_min3A_1753 = vector.multi_reduction <minsi>, %reduce_min3A_1751, %reduce_min3A_1752 [1, 2] : vector<1x16x128xi32> to vector<1xi32>
    %reduce_min3A_1754 = vector.shape_cast %reduce_min3A_1753 : vector<1xi32> to vector<1x1x1xi32>
    %reduce_min3A_1755 = vector.extract %reduce_min3A_1754[0, 0, 0] : i32 from vector<1x1x1xi32>
    %broadcast_in_dim3A_1756 = vector.broadcast %reduce_min3A_1755 : i32 to vector<1x1xi32>
    %eq3A_1757 = arith.constant 62 : i32
    %eq3A_1758 = vector.broadcast %eq3A_1757 : i32 to vector<1x64xi32>
    %eq3A_1759 = arith.cmpi eq, %iota3A_7, %eq3A_1758 : vector<1x64xi32>
    %broadcast_in_dim3A_1760 = vector.shape_cast %broadcast_in_dim3A_1756 : vector<1x1xi32> to vector<1x1xi32>
    %broadcast_in_dim3A_1761 = vector.broadcast %broadcast_in_dim3A_1760 : vector<1x1xi32> to vector<1x64xi32>
    %select_n3A_1762 = arith.select %eq3A_1759, %broadcast_in_dim3A_1761, %select_n3A_1734 : vector<1x64xi1>, vector<1x64xi32>
    %eq3A_1763 = vector.broadcast %broadcast_in_dim3A_1756 : vector<1x1xi32> to vector<16x128xi32>
    %eq3A_1764 = arith.cmpi eq, %add3A, %eq3A_1763 : vector<16x128xi32>
    %jit3A_1765 = arith.constant 0xFF800000 : f32
    %broadcast_in_dim3A_1766 = vector.broadcast %jit3A_1765 : f32 to vector<16x128xf32>
    %select_n3A_1767 = arith.select %eq3A_1764, %broadcast_in_dim3A_1766, %select_n3A_1739 : vector<16x128xi1>, vector<16x128xf32>
    %reduce_max3A_1768 = vector.shape_cast %select_n3A_1767 : vector<16x128xf32> to vector<1x16x128xf32>
    %reduce_max3A_1769 = arith.constant dense<0xFF800000> : vector<1xf32>
    %reduce_max3A_1770 = vector.multi_reduction <maximumf>, %reduce_max3A_1768, %reduce_max3A_1769 [1, 2] : vector<1x16x128xf32> to vector<1xf32>
    %reduce_max3A_1771 = vector.shape_cast %reduce_max3A_1770 : vector<1xf32> to vector<1x1x1xf32>
    %reduce_max3A_1772 = vector.extract %reduce_max3A_1771[0, 0, 0] : f32 from vector<1x1x1xf32>
    %broadcast_in_dim3A_1773 = vector.broadcast %reduce_max3A_1772 : f32 to vector<1x1xf32>
    %eq3A_1774 = vector.broadcast %broadcast_in_dim3A_1773 : vector<1x1xf32> to vector<16x128xf32>
    %eq3A_1775 = arith.cmpf oeq, %select_n3A_1767, %eq3A_1774 : vector<16x128xf32>
    %jit3A_1776 = arith.constant 2048 : i32
    %broadcast_in_dim3A_1777 = vector.broadcast %jit3A_1776 : i32 to vector<16x128xi32>
    %select_n3A_1778 = arith.select %eq3A_1775, %add3A, %broadcast_in_dim3A_1777 : vector<16x128xi1>, vector<16x128xi32>
    %reduce_min3A_1779 = vector.shape_cast %select_n3A_1778 : vector<16x128xi32> to vector<1x16x128xi32>
    %reduce_min3A_1780 = arith.constant dense<2147483647> : vector<1xi32>
    %reduce_min3A_1781 = vector.multi_reduction <minsi>, %reduce_min3A_1779, %reduce_min3A_1780 [1, 2] : vector<1x16x128xi32> to vector<1xi32>
    %reduce_min3A_1782 = vector.shape_cast %reduce_min3A_1781 : vector<1xi32> to vector<1x1x1xi32>
    %reduce_min3A_1783 = vector.extract %reduce_min3A_1782[0, 0, 0] : i32 from vector<1x1x1xi32>
    %broadcast_in_dim3A_1784 = vector.broadcast %reduce_min3A_1783 : i32 to vector<1x1xi32>
    %eq3A_1785 = arith.constant 63 : i32
    %eq3A_1786 = vector.broadcast %eq3A_1785 : i32 to vector<1x64xi32>
    %eq3A_1787 = arith.cmpi eq, %iota3A_7, %eq3A_1786 : vector<1x64xi32>
    %broadcast_in_dim3A_1788 = vector.shape_cast %broadcast_in_dim3A_1784 : vector<1x1xi32> to vector<1x1xi32>
    %broadcast_in_dim3A_1789 = vector.broadcast %broadcast_in_dim3A_1788 : vector<1x1xi32> to vector<1x64xi32>
    %select_n3A_1790 = arith.select %eq3A_1787, %broadcast_in_dim3A_1789, %select_n3A_1762 : vector<1x64xi1>, vector<1x64xi32>
    %mul3A_1791 = arith.constant 2048 : i32
    %mul3A_1792 = arith.muli %arg0, %mul3A_1791 : i32
    %add3A_1793 = vector.broadcast %mul3A_1792 : i32 to vector<1x64xi32>
    %add3A_1794 = arith.addi %select_n3A_1790, %add3A_1793 : vector<1x64xi32>
    %swap3A = arith.constant 0 : index
    %swap3A_1795 = arith.constant 0 : index
    %swap3A_1796 = arith.constant 0 : index
    %swap3A_1797 = vector.load %arg2[%swap3A, %swap3A_1795, %swap3A_1796] : memref<1x1x64xi32, #tpu.memory_space<vmem>>, vector<1x1x64xi32>
    %swap3A_1798 = vector.shape_cast %swap3A_1797 : vector<1x1x64xi32> to vector<1x64xi32>
    %swap3A_1799 = vector.shape_cast %add3A_1794 : vector<1x64xi32> to vector<1x1x64xi32>
    tpu.vector_store %arg2[%swap3A, %swap3A_1795, %swap3A_1796], %swap3A_1799 {strides = array<i32>} : memref<1x1x64xi32, #tpu.memory_space<vmem>>, vector<1x1x64xi32>,
    return
  }
  func.func @transform_0(%arg0: i32) -> (i32, i32, i32) {
    %c0_i32 = arith.constant 0 : i32
    %c0_i32_0 = arith.constant 0 : i32
    %c0_i32_1 = arith.constant 0 : i32
    return %arg0, %c0_i32, %c0_i32_0 : i32, i32, i32
  }
  func.func @transform_1(%arg0: i32) -> (i32, i32, i32) {
    %c0_i32 = arith.constant 0 : i32
    %c0_i32_0 = arith.constant 0 : i32
    %c0_i32_1 = arith.constant 0 : i32
    return %arg0, %c0_i32, %c0_i32_0 : i32, i32, i32
  }
}

</mosaic_0001>

<sc_bundles>
// kernel: kernel.5.cloned.1.call-start
scs
__scs_entry_jumppad:
0x0: {  	(pc) =	sbr.rel $0x88, $3  }
0x1: {  	(tag) =	ssettag $0x0;
	lr =	simm.s32 $0x1  }
0x2: {  	[smem:$0x3F9F] =	sst lr;
	_ =	strace $0xD0000000  }
0x3: {  	_ = 	snop  }
0x4: {  	_ = 	snop  }
0x5: {  	_ = 	snop  }
0x6: {  	_ = 	snop  }
0x7: {  	_ = 	snop  }
__scs_overlays_trampoline_lowered:
0x8: {  	[smem:$0x3FAE] =	sst s0  }
0x9: {  	[smem:$0x3FAF] =	sst s1  }
0xa: {  	[smem:$0x3FB0] =	sst s2  }
0xb: {  	[smem:$0x3FB1] =	sst s3  }
0xc: {  	[smem:$0x3FB2] =	sst s4  }
0xd: {  	[smem:$0x3FB3] =	sst s5  }
0xe: {  	[smem:$0x3FB4] =	sst s6  }
0xf: {  	[smem:$0x3FB5] =	sst s7  }
0x10: {  	[smem:$0x3FB6] =	sst s8  }
0x11: {  	[smem:$0x3FB7] =	sst s9;
	s0 =	simm.s32 @!p0 $0x0  }
0x12: {  	s1 =	sld [smem:$0x3F9D];
	s0 =	simm.s32 @p0 $0x1  }
0x13: {  	[smem:$0x3FB8] =	sst s0;
	s0 =	simm.s32 @!p1 $0x0  }
0x14: {  	s2 =	sld [smem:$0x3F9C];
	s0 =	simm.s32 @p1 $0x1  }
0x15: {  	[smem:$0x3FB9] =	sst s0;
	s0 =	simm.s32 @!p2 $0x0  }
0x16: {  	s3 =	sld [smem:$0x3FDB];
	s0 =	simm.s32 @p2 $0x1  }
0x17: {  	s4 =	simm.s32 $0x1BF5;
	[smem:$0x3FBB] =	sst s0  }
0x18: {  	s0 =	sld [smem:$0x3F9E];
	_ =	swait.ge [sflag:s4], $0x0  }
0x19: {  	s7 =	sld [smem:$0x3F9F]  }
0x1a: {  	s8 =	sadd.s32 $0xFFFFE003, lr  }
0x1b: {  	s9 =	sadd.s32 $0xFFFFFEF7, lr;
	s5 =	simm.s32 $0xFFFFFFFF;
	p2 =	slt.u32 s8, $0xFFFFF086  }
0x1c: {  	p1 =	slt.u32 s9, $0xF7A;
	s5 =	simm.s32 @!p2 $0x0  }
0x1d: {  	s5 =	simm.s32 @p1 $0x1;
	p0 =	seq.s32 s7, s2  }
0x1e: {  	s7 =	smul.u32 @!p0 $0xF7A, s2;
	p2 =	seq.s32 @!p0 s5, $0x0  }
0x1f: {  	s9 =	smul.u32 $0xF7A, s1;
	s8 =	simm.s32 @!p0 $0x1BF5;
	p2 =	por !p2, p0  }
0x20: {  	[sflag:s8] =	ssyncset.s32 @!p0 $0xFFFFF086;
	s6 =	sadd.s32 @!p0 s3, s7;
	s7 =	simm.s32 @!p0 $0x108  }
0x21: {  	s3 =	sadd.s32 s3, s9;
	s6 =	sadd.s32 @!p0 $0x88, s6;
	s7 =	simm.s32 @p2 $0x1082  }
0x22: {  	[simem:s7], [sflag:s8] =	dma.local @!p0 [hbm:s6], $0xF7A  }
0x23: {  	s9 =	sor.u32 $0xD0000000, s2;
	s6 =	simm.s32 $0x108;
	_ =	swait.ge @!p0 [sflag:s8], $0x0  }
0x24: {  	s3 =	sadd.s32 $0x88, s3;
	s6 =	simm.s32 @!p1 $0x1082;
	[sflag:s4] =	ssyncset.s32 $0xFFFFF086  }
0x25: {  	[simem:s6], [sflag:s4] =	dma.local [hbm:s3], $0xF7A  }
0x26: {  	[smem:$0x3F9F] =	sst s1;
	(tag) =	ssettag s2;
	_ =	strace s9  }
0x27: {  	s1 =	sld [smem:$0x3FAF]  }
0x28: {  	s2 =	sld [smem:$0x3FB0]  }
0x29: {  	s4 =	sld [smem:$0x3FB2]  }
0x2a: {  	p0 =	seq.s32 s5, $0x0;
	s5 =	sld [smem:$0x3FB3]  }
0x2b: {  	s6 =	sld [smem:$0x3FB4]  }
0x2c: {  	s7 =	sld [smem:$0x3FB5]  }
0x2d: {  	s3 =	simm.s32 $0x108;
	s8 =	sld [smem:$0x3FB6]  }
0x2e: {  	s3 =	simm.s32 @!p0 $0x1082;
	s9 =	sld [smem:$0x3FB7]  }
0x2f: {  	lr =	sadd.s32 s0, s3;
	s0 =	sld [smem:$0x3FAE]  }
0x30: {  	s3 =	sld [smem:$0x3FB1]  }
0x31: {  	[smem:$0x3FBA] =	sst s10  }
0x32: {  	s10 =	sld [smem:$0x3FB8];
	_ =	sdelay $0x3  }
0x33: {  	p0 =	seq.s32 s10, $0x1;
	s10 =	sld [smem:$0x3FBA];
	_ =	sdelay $0x3  }
0x34: {  	[smem:$0x3FBA] =	sst s10  }
0x35: {  	s10 =	sld [smem:$0x3FB9];
	_ =	sdelay $0x3  }
0x36: {  	p1 =	seq.s32 s10, $0x1;
	s10 =	sld [smem:$0x3FBA];
	_ =	sdelay $0x3  }
0x37: {  	[smem:$0x3FBA] =	sst s10  }
0x38: {  	s10 =	sld [smem:$0x3FBB]  }
0x39: {  	_ = 	snop;
	(pc) =	sbr.ind lr, $3  }
0x3a: {  	_ = 	snop  }
0x3b: {  	_ = 	snop  }
0x3c: {  	p2 =	seq.s32 s10, $0x1;
	s10 =	sld [smem:$0x3FBA]  }
0x3d: {  	_ =	shalt  }
0x3e: {  	_ =	shalt  }
0x3f: {  	_ =	shalt  }
0x40: {  	_ =	shalt  }
0x41: {  	_ =	shalt  }
0x42: {  	_ =	shalt  }
0x43: {  	_ =	shalt  }
0x44: {  	_ =	shalt  }
0x45: {  	_ =	shalt  }
0x46: {  	_ =	shalt  }
0x47: {  	_ =	shalt  }
0x48: {  	_ =	shalt  }
0x49: {  	_ =	shalt  }
0x4a: {  	_ =	shalt  }
0x4b: {  	_ =	shalt  }
0x4c: {  	_ =	shalt  }
0x4d: {  	_ =	shalt  }
0x4e: {  	_ =	shalt  }
0x4f: {  	_ =	shalt  }
0x50: {  	_ =	shalt  }
0x51: {  	_ =	shalt  }
0x52: {  	_ =	shalt  }
0x53: {  	_ =	shalt  }
0x54: {  	_ =	shalt  }
0x55: {  	_ =	shalt  }
0x56: {  	_ =	shalt  }
0x57: {  	_ =	shalt  }
0x58: {  	_ =	shalt  }
0x59: {  	_ =	shalt  }
0x5a: {  	_ =	shalt  }
0x5b: {  	_ =	shalt  }
0x5c: {  	_ =	shalt  }
0x5d: {  	_ =	shalt  }
0x5e: {  	_ =	shalt  }
0x5f: {  	_ =	shalt  }
0x60: {  	_ =	shalt  }
0x61: {  	_ =	shalt  }
0x62: {  	_ =	shalt  }
0x63: {  	_ =	shalt  }
0x64: {  	_ =	shalt  }
0x65: {  	_ =	shalt  }
0x66: {  	_ =	shalt  }
0x67: {  	_ =	shalt  }
0x68: {  	_ =	shalt  }
0x69: {  	_ =	shalt  }
0x6a: {  	_ =	shalt  }
0x6b: {  	_ =	shalt  }
0x6c: {  	_ =	shalt  }
0x6d: {  	_ =	shalt  }
0x6e: {  	_ =	shalt  }
0x6f: {  	_ =	shalt  }
0x70: {  	_ =	shalt  }
0x71: {  	_ =	shalt  }
0x72: {  	_ =	shalt  }
0x73: {  	_ =	shalt  }
0x74: {  	_ =	shalt  }
0x75: {  	_ =	shalt  }
0x76: {  	_ =	shalt  }
0x77: {  	_ =	shalt  }
0x78: {  	_ =	shalt  }
0x79: {  	_ =	shalt  }
0x7a: {  	_ =	shalt  }
0x7b: {  	_ =	shalt  }
0x7c: {  	_ =	shalt  }
0x7d: {  	_ =	shalt  }
0x7e: {  	_ =	shalt  }
0x7f: {  	_ =	shalt  }
0x80: {  	_ =	shalt  }
0x81: {  	_ =	shalt  }
0x82: {  	_ =	shalt  }
0x83: {  	_ =	shalt  }
0x84: {  	_ =	shalt  }
0x85: {  	_ =	shalt  }
0x86: {  	_ =	shalt  }
0x87: {  	_ =	shalt  }
.Lfunc_end0:
.L_simem_size_0:
called_computation.1_lowered:
.L_overlay_start_0:
0x88: {  	s2 =	sld [smem:$0x3FD9]  }
0x89: {  	s3 =	sld [smem:$0x3FFE];
	_ =	sdelay $0x1  }
0x8a: {  	s1 =	srdreg.scid  }
0x8b: {  	s0 =	sand.u32 $0x1, s1  }
0x8c: {  	s17 =	sshll.u32 s0, $0xA;
	s2 =	sadd.s32 s3, s2  }
0x8d: {  	s2 =	sadd.s32 s2, s17  }
0x8e: {  	[smem:$0x3FC6] =	sst s2  }
0x8f: {  	_ = 	snop  }
0x90: {  	s2 =	sld [smem:$0x3FD0];
	(tm) =	ssettm $0x1  }
0x91: {  	s18 =	sld [smem:$0x3FFB];
	_ =	sdelay $0x3  }
0x92: {  	_ =	strace s18  }
0x93: {  	s3 =	sld [smem:$0x3FFC];
	_ =	sdelay $0x3  }
0x94: {  	_ =	strace s3  }
0x95: {  	s3 =	sld [smem:$0x3FFD];
	_ =	sdelay $0x3  }
0x96: {  	_ =	strace s3  }
0x97: {  	_ =	strace $0x8FFFFFFF  }
0x98: {  	s19 =	sld [smem:$0x3FDB];
	_ =	sdelay $0x1  }
0x99: {  	s4 =	simm.s32 $_scs_section_size  }
0x9a: {  	s5 =	simm.s32 $_size__tile_overlayer_lowered;
	s6 =	simm.s32 $_tile_overlayer_lowered  }
0x9b: {  	s22 =	simm.s32 $0x1BFF;
	s21 =	sshll.u32 s6, $0x1;
	s3 =	sadd.s32 s4, s19  }
0x9c: {  	s7 =	simm.s32 $0x0;
	s20 =	sshll.u32 s5, $0x1;
	s5 =	sadd.s32 s21, s3  }
0x9d: {  	[timem:s7], [sflag:s22] =	dma.local [hbm:s5], s20  }
0x9e: {  	_ =	swait.ge [sflag:s22], s20  }
0x9f: {  	s4 =	ssub.s32 $0x0, s20;
	[sflag:s22] =	ssyncset.done $0x0  }
0xa0: {  	[sflag:s22] =	ssyncadd.s32 s4;
	_ =	sdelay $0x1  }
0xa1: {  	s23 =	simm.s32 $0x1B8B  }
0xa2: {  	_ =	swait.ge [sflag:s23], $0x1  }
0xa3: {  	[sflag:s23] =	ssyncset.done $0x0  }
0xa4: {  	s25 =	simm.s32 $0x1B8E;
	s24 =	sld [smem:$0x3FFE];
	[sflag:s23] =	ssyncadd.s32 $0xFFFFFFFF  }
0xa5: {  	s26 =	simm.s32 $execute0_lowered;
	[smem:$0x3FD2] =	sst s25  }
0xa6: {  	s5 =	sshll.u32 s26, $0x1;
	_ =	strace $0x80000049;
	[dreg:$0x1] =	wrdreg $0xFFFFFFFF  }
0xa7: {  	s28 =	simm.s32 $_size_execute0_lowered;
	s3 =	sadd.s32 s3, s5;
	[dreg:$0x0] =	wrdreg $0x0  }
0xa8: {  	s5 =	sshll.u32 s28, $0x1;
	[dreg:$0x2] =	wrdreg s3  }
0xa9: {  	[dreg:$0x3] =	wrdreg s5  }
0xaa: {  	[dreg:$0x4] =	wrdreg $0xC0  }
0xab: {  	_ =	task [dreg:s7], $0x5FFFF  }
0xac: {  	[dreg:$0x1] =	wrdreg $0xFFFFFFFF  }
0xad: {  	[dreg:$0x0] =	wrdreg $0x60  }
0xae: {  	[dreg:$0x2] =	wrdreg s24  }
0xaf: {  	[dreg:$0x3] =	wrdreg s2  }
0xb0: {  	[dreg:$0x4] =	wrdreg $0x9  }
0xb1: {  	_ =	task.clear_ibuf [dreg:s7], $0x5FFFF;
	_ =	strace $0x90000049  }
0xb2: {  	s29 =	simm.s32 $0x9;
	_ =	strace $0x8000004B  }
0xb3: {  	_ =	swait.ge [sflag:s29], $0x1  }
0xb4: {  	[sflag:s29] =	ssyncadd.s32 $0xFFFFFFFF  }
0xb5: {  	_ =	strace $0x9000004B  }
0xb6: {  	_ =	sfence  }
0xb7: {  	s30 =	sld [smem:$0x0];
	_ =	sdelay $0x2  }
0xb8: {  	s31 =	sshll.u32 s1, $0xD;
	s1 =	sshrl.u32 s1, $0x2  }
0xb9: {  	s3 =	sand.u32 $0x4000, s31;
	s1 =	sadd.s32 s1, s30  }
0xba: {  	s0 =	sor.u32 s3, s0;
	s1 =	sshll.u32 s1, $0x11  }
0xbb: {  	s0 =	sor.u32 s1, s0  }
0xbc: {  	s0 =	sadd.s32 $0x8F2B, s0  }
0xbd: {  	[sflag:s0] =	ssyncadd.remote.s32 $0x1  }
0xbe: {  	_ =	sfence.sel $0xFFFF  }
0xbf: {  	[dreg:$0x0] =	wrdreg $0xFFFFFFFF;
	(pc) =	sbr.abs _section_cstart, $3  }
0xc0: {  	[dreg:$0x1] =	wrdreg $0xFFFFFFFF  }
0xc1: {  	_ =	task.clear_ibuf [dreg:s7], $0x2FFFF;
	_ =	strace $0x9FFFFFFF  }
0xc2: {  	(tm) =	ssettm $0x7FFFFFFF  }
0xc3: {  	_ =	shalt  }
tec
execute0_lowered:
.L_overlay_start_1:
0x0: {  	(tag) =	ssettag $0x1  }
0x1: {  	s3 =	rddreg [dreg:$0x0];
	s2 =	stileid.u32  }
0x2: {  	s4 =	rddreg [dreg:$0x1];
	s15 =	sshll.u32 s2, $0x4;
	s2 =	simm.s32 $0x0  }
0x3: {  	s6 =	sadd.s32 $0x600, s3;
	[smem:$0x7FF] =	sst s2  }
0x4: {  	s16 =	sadd.s32 $0x700, s3;
	_ =	strace $0x8000004A;
	[dreg:$0x3] =	wrdreg s6  }
0x5: {  	s17 =	sadd.s32 $0x800, s3;
	[dreg:$0x5] =	wrdreg s16  }
0x6: {  	s18 =	sadd.s32 $0x900, s3;
	[dreg:$0x6] =	wrdreg s17  }
0x7: {  	s19 =	sadd.s32 $0xA00, s3;
	[dreg:$0x7] =	wrdreg s18  }
0x8: {  	s20 =	sadd.s32 $0xB00, s3;
	[dreg:$0x8] =	wrdreg s19  }
0x9: {  	s21 =	sadd.s32 $0xC00, s3;
	[dreg:$0x9] =	wrdreg s20  }
0xa: {  	s22 =	sadd.s32 $0xD00, s3;
	[dreg:$0xa] =	wrdreg s21  }
0xb: {  	s23 =	sadd.s32 $0xE00, s3;
	[dreg:$0xb] =	wrdreg s22  }
0xc: {  	s24 =	sadd.s32 $0xF00, s3;
	[dreg:$0xc] =	wrdreg s23  }
0xd: {  	s25 =	sadd.s32 $0x1000, s3;
	[dreg:$0xd] =	wrdreg s24  }
0xe: {  	s26 =	sadd.s32 $0x1100, s3;
	[dreg:$0xe] =	wrdreg s25  }
0xf: {  	s28 =	sadd.s32 $0x1200, s3;
	[dreg:$0xf] =	wrdreg s26  }
0x10: {  	s29 =	sadd.s32 $0x1300, s3;
	[dreg:$0x10] =	wrdreg s28  }
0x11: {  	s30 =	sadd.s32 $0x1400, s3;
	[dreg:$0x11] =	wrdreg s29  }
0x12: {  	s31 =	sadd.s32 $0x1500, s3;
	[dreg:$0x12] =	wrdreg s30  }
0x13: {  	s7 =	sadd.s32 $0x1700, s3;
	[dreg:$0x13] =	wrdreg s31  }
0x14: {  	s8 =	sadd.s32 $0x1800, s3;
	[dreg:$0x15] =	wrdreg s7  }
0x15: {  	s9 =	sadd.s32 $0x1900, s3;
	[dreg:$0x16] =	wrdreg s8  }
0x16: {  	s10 =	sadd.s32 $0x1A00, s3;
	[dreg:$0x17] =	wrdreg s9  }
0x17: {  	s11 =	sadd.s32 $0x1B00, s3;
	[dreg:$0x18] =	wrdreg s10  }
0x18: {  	s12 =	sadd.s32 $0x1C00, s3;
	[dreg:$0x19] =	wrdreg s11  }
0x19: {  	s0 =	srdreg.scid;
	s13 =	sadd.s32 $0x1D00, s3;
	[dreg:$0x1a] =	wrdreg s12  }
0x1a: {  	s1 =	sand.u32 $0x1, s0;
	s14 =	sadd.s32 $0x1E00, s3;
	[dreg:$0x1b] =	wrdreg s13  }
0x1b: {  	s5 =	sshll.u32 s1, $0x3;
	s6 =	sadd.s32 $0x1600, s3;
	[dreg:$0x1c] =	wrdreg s14  }
0x1c: {  	s5 =	sor.u32 s5, s15;
	s15 =	sadd.s32 $0x1F00, s3;
	[dreg:$0x14] =	wrdreg s6  }
0x1d: {  	p0 =	por $0x0, $0x0;
	s16 =	sadd.s32 $0x2000, s3;
	[dreg:$0x1d] =	wrdreg s15  }
0x1e: {  	s1 =	ssub.s32 $0x2, s1;
	s17 =	sadd.s32 $0x2100, s3;
	[dreg:$0x1e] =	wrdreg s16  }
0x1f: {  	s18 =	sadd.s32 $0x2200, s3;
	s19 =	sadd.s32 $0x2300, s3;
	[dreg:$0x1f] =	wrdreg s17  }
0x20: {  	s20 =	sadd.s32 $0x2400, s3;
	s21 =	sadd.s32 $0x2500, s3;
	[smem:$0x7F3] =	sst s18  }
0x21: {  	s24 =	simm.s32 $0x880;
	s25 =	simm.s32 $0x1080;
	[smem:$0x7F4] =	sst s19  }
0x22: {  	s26 =	simm.s32 $0x1880;
	s28 =	sshrl.u32 s1, $0x1;
	[smem:$0x7F5] =	sst s20  }
0x23: {  	s29 =	simm.s32 $0x2080;
	s30 =	simm.s32 $0x2880;
	[smem:$0x7F6] =	sst s21  }
0x24: {  	s31 =	simm.s32 $0x3080;
	s11 =	simm.s32 $0xC880;
	[smem:$0x7F8] =	sst s24  }
0x25: {  	s10 =	simm.s32 $0xD080;
	[smem:$0x7F9] =	sst s25;
	s1 =	ssub.s32 s1, s28  }
0x26: {  	s12 =	simm.s32 $0xF080;
	[smem:$0x7FA] =	sst s26;
	s1 =	smax.u32 s1, $0x1  }
0x27: {  	s0 =	sshrl.u32 s5, $0x3;
	[smem:$0x7FB] =	sst s29;
	p1 =	sne.s32 s1, $0x1  }
.Ltmp0:
0x28: {  	s22 =	sshll.u32 s5, $0xA;
	[smem:$0x7FC] =	sst s30;
	(pc) =	sbr.rel @!p1 .LBB2_1-.Ltmp0, $4  }
0x29: {  	[smem:$0x7FD] =	sst s31;
	s0 =	sadd.s32 s0, s3;
	s23 =	sadd.s32 s4, s22  }
0x2a: {  	v0 =	vlaneseq.u32;
	s8 =	simm.s32 $0x1;
	s0 =	sadd.s32 $0x1000600, s0;
	[smem:$0x7F7] =	sst s23  }
0x2b: {  	v1 =	vshrl.u32 v0, $0x3;
	s6 =	simm.s32 $0x80;
	s17 =	simm.s32 $0x3880;
	[dreg:$0x4] =	wrdreg s0  }
0x2c: {  	vm0 =	vmmov $0xffff;
	v0 =	vand.u32 $0x7, v0;
	v1 =	vmul.u32 $0x8, v1;
	s3 =	simm.s32 $0x2;
	s5 =	sadd.s32 $0xFFFFFFFF, s1;
	s0 =	rddreg [dreg:$0x4]  }
0x2d: {  	[tilespmem:s2], [sflag:$0x2] =	stream.linear.gather [hbm4b:s0+s2], $0x8, $0x38;
	[tilespmem:$0x10080] =	vst v63  }
0x2e: {  	_ =	swait.ge [sflag:s3], $0x8  }
0x2f: {  	[sflag:s3] =	ssyncset.done $0x0  }
0x30: {  	[sflag:s3] =	ssyncadd.s32 $0xFFFFFFF8  }
0x31: {  	v2 =	vld.msk [tilespmem:$0x0], $0xff;
	_ =	sdelay $0x4  }
0x32: {  	v3 =	vshll.u32 v2, $0x6  }
0x33: {  	v2 =	vand.u32 $0x7, v2;
	v3 =	vand.u32 $0xFFFFFE00, v3  }
0x34: {  	v2 =	vor.u32 v2, v3  }
0x35: {  	v2 =	vperm.xlane v2, v0  }
0x36: {  	s24 =	sld [smem:$0x7F9]  }
0x37: {  	s1 =	rddreg [dreg:$0x3];
	v2 =	vadd.s32 v1, v2  }
0x38: {  	s13 =	sld [smem:$0x7F8]  }
0x39: {  	s25 =	rddreg [dreg:$0x5]  }
0x3a: {  	s26 =	sld [smem:$0x7FA]  }
0x3b: {  	[smem:$0x7EE] =	sst s24  }
0x3c: {  	[tilespmem:s6], [sflag:$0x1] =	stream.indirect_vreg.gather [hbm4b:s1+s2], $0x80, v2, vm0, $0xb8;
	[tilespmem:$0x10080] =	vst v63  }
0x3d: {  	s6 =	sld [smem:$0x7EE]  }
0x3e: {  	[tilespmem:s13], [sflag:$0x1] =	stream.indirect_vreg.gather [hbm4b:s25+s2], $0x80, v2, vm0, $0xb8;
	[tilespmem:$0x10080] =	vst v63  }
0x3f: {  	s1 =	rddreg [dreg:$0x6]  }
0x40: {  	[tilespmem:s6], [sflag:$0x1] =	stream.indirect_vreg.gather [hbm4b:s1+s2], $0x80, v2, vm0, $0xb8;
	[tilespmem:$0x10080] =	vst v63  }
0x41: {  	s6 =	sld [smem:$0x7FB];
	_ =	sdelay $0x1  }
0x42: {  	[smem:$0x7EF] =	sst s26  }
0x43: {  	[smem:$0x7F0] =	sst s6  }
0x44: {  	s6 =	sld [smem:$0x7EF];
	_ =	sdelay $0x1  }
0x45: {  	s0 =	rddreg [dreg:$0x7]  }
0x46: {  	[tilespmem:s6], [sflag:$0x1] =	stream.indirect_vreg.gather [hbm4b:s0+s2], $0x80, v2, vm0, $0xb8;
	[tilespmem:$0x10080] =	vst v63  }
0x47: {  	s0 =	rddreg [dreg:$0x9]  }
0x48: {  	[smem:$0x7F1] =	sst s0  }
0x49: {  	s0 =	sld [smem:$0x7F0];
	_ =	sdelay $0x1  }
0x4a: {  	s1 =	rddreg [dreg:$0x8]  }
0x4b: {  	[tilespmem:s0], [sflag:$0x1] =	stream.indirect_vreg.gather [hbm4b:s1+s2], $0x80, v2, vm0, $0xb8;
	[tilespmem:$0x10080] =	vst v63  }
0x4c: {  	s1 =	sld [smem:$0x7FD];
	_ =	sdelay $0x1  }
0x4d: {  	s6 =	sld [smem:$0x7FC]  }
0x4e: {  	[smem:$0x7F2] =	sst s1  }
0x4f: {  	s1 =	sld [smem:$0x7F1];
	_ =	sdelay $0x2  }
0x50: {  	[tilespmem:s6], [sflag:$0x1] =	stream.indirect_vreg.gather [hbm4b:s1+s2], $0x80, v2, vm0, $0xb8;
	[tilespmem:$0x10080] =	vst v63  }
0x51: {  	s6 =	sld [smem:$0x7F2]  }
0x52: {  	s0 =	rddreg [dreg:$0xa]  }
0x53: {  	s1 =	rddreg [dreg:$0xb]  }
0x54: {  	[tilespmem:s6], [sflag:$0x1] =	stream.indirect_vreg.gather [hbm4b:s0+s2], $0x80, v2, vm0, $0xb8;
	[tilespmem:$0x10080] =	vst v63  }
0x55: {  	s6 =	rddreg [dreg:$0xc]  }
0x56: {  	[tilespmem:s17], [sflag:$0x1] =	stream.indirect_vreg.gather [hbm4b:s1+s2], $0x80, v2, vm0, $0xb8;
	[tilespmem:$0x10080] =	vst v63  }
0x57: {  	s31 =	simm.s32 $0x4080;
	s17 =	rddreg [dreg:$0xd]  }
0x58: {  	[tilespmem:s31], [sflag:$0x1] =	stream.indirect_vreg.gather [hbm4b:s6+s2], $0x80, v2, vm0, $0xb8;
	[tilespmem:$0x10080] =	vst v63  }
0x59: {  	s9 =	simm.s32 $0x4880;
	s6 =	rddreg [dreg:$0xe]  }
0x5a: {  	[tilespmem:s9], [sflag:$0x1] =	stream.indirect_vreg.gather [hbm4b:s17+s2], $0x80, v2, vm0, $0xb8;
	[tilespmem:$0x10080] =	vst v63  }
0x5b: {  	s17 =	rddreg [dreg:$0xf]  }
0x5c: {  	s4 =	simm.s32 $0x5080;
	s9 =	rddreg [dreg:$0x11]  }
0x5d: {  	[tilespmem:s4], [sflag:$0x1] =	stream.indirect_vreg.gather [hbm4b:s6+s2], $0x80, v2, vm0, $0xb8;
	[tilespmem:$0x10080] =	vst v63  }
0x5e: {  	s29 =	simm.s32 $0x5880;
	s6 =	rddreg [dreg:$0x10]  }
0x5f: {  	[tilespmem:s29], [sflag:$0x1] =	stream.indirect_vreg.gather [hbm4b:s17+s2], $0x80, v2, vm0, $0xb8;
	[tilespmem:$0x10080] =	vst v63  }
0x60: {  	s28 =	simm.s32 $0x6080;
	s4 =	rddreg [dreg:$0x13]  }
0x61: {  	[tilespmem:s28], [sflag:$0x1] =	stream.indirect_vreg.gather [hbm4b:s6+s2], $0x80, v2, vm0, $0xb8;
	[tilespmem:$0x10080] =	vst v63  }
0x62: {  	s30 =	simm.s32 $0x6880;
	s17 =	rddreg [dreg:$0x12]  }
0x63: {  	[tilespmem:s30], [sflag:$0x1] =	stream.indirect_vreg.gather [hbm4b:s9+s2], $0x80, v2, vm0, $0xb8;
	[tilespmem:$0x10080] =	vst v63  }
0x64: {  	s25 =	simm.s32 $0x7080;
	s6 =	rddreg [dreg:$0x14]  }
0x65: {  	[tilespmem:s25], [sflag:$0x1] =	stream.indirect_vreg.gather [hbm4b:s17+s2], $0x80, v2, vm0, $0xb8;
	[tilespmem:$0x10080] =	vst v63  }
0x66: {  	s24 =	simm.s32 $0x7880;
	s9 =	rddreg [dreg:$0x15]  }
0x67: {  	[tilespmem:s24], [sflag:$0x1] =	stream.indirect_vreg.gather [hbm4b:s4+s2], $0x80, v2, vm0, $0xb8;
	[tilespmem:$0x10080] =	vst v63  }
0x68: {  	s23 =	simm.s32 $0x8080;
	s17 =	rddreg [dreg:$0x16]  }
0x69: {  	[tilespmem:s23], [sflag:$0x1] =	stream.indirect_vreg.gather [hbm4b:s6+s2], $0x80, v2, vm0, $0xb8;
	[tilespmem:$0x10080] =	vst v63  }
0x6a: {  	s22 =	simm.s32 $0x8880;
	s25 =	rddreg [dreg:$0x19]  }
0x6b: {  	[tilespmem:s22], [sflag:$0x1] =	stream.indirect_vreg.gather [hbm4b:s9+s2], $0x80, v2, vm0, $0xb8;
	[tilespmem:$0x10080] =	vst v63  }
0x6c: {  	s21 =	simm.s32 $0x9080;
	s24 =	rddreg [dreg:$0x18]  }
0x6d: {  	[tilespmem:s21], [sflag:$0x1] =	stream.indirect_vreg.gather [hbm4b:s17+s2], $0x80, v2, vm0, $0xb8;
	[tilespmem:$0x10080] =	vst v63  }
0x6e: {  	s20 =	simm.s32 $0x9880;
	s23 =	rddreg [dreg:$0x17]  }
0x6f: {  	[tilespmem:s20], [sflag:$0x1] =	stream.indirect_vreg.gather [hbm4b:s23+s2], $0x80, v2, vm0, $0xb8;
	[tilespmem:$0x10080] =	vst v63  }
0x70: {  	s19 =	simm.s32 $0xA080;
	s4 =	rddreg [dreg:$0x1a]  }
0x71: {  	[tilespmem:s19], [sflag:$0x1] =	stream.indirect_vreg.gather [hbm4b:s24+s2], $0x80, v2, vm0, $0xb8;
	[tilespmem:$0x10080] =	vst v63  }
0x72: {  	s18 =	simm.s32 $0xA880;
	s6 =	rddreg [dreg:$0x1b]  }
0x73: {  	[tilespmem:s18], [sflag:$0x1] =	stream.indirect_vreg.gather [hbm4b:s25+s2], $0x80, v2, vm0, $0xb8;
	[tilespmem:$0x10080] =	vst v63  }
0x74: {  	s16 =	simm.s32 $0xB080;
	s9 =	rddreg [dreg:$0x1c]  }
0x75: {  	[tilespmem:s16], [sflag:$0x1] =	stream.indirect_vreg.gather [hbm4b:s4+s2], $0x80, v2, vm0, $0xb8;
	[tilespmem:$0x10080] =	vst v63  }
0x76: {  	s13 =	simm.s32 $0xB880;
	s22 =	sld [smem:$0x7F5]  }
0x77: {  	[tilespmem:s13], [sflag:$0x1] =	stream.indirect_vreg.gather [hbm4b:s6+s2], $0x80, v2, vm0, $0xb8;
	[tilespmem:$0x10080] =	vst v63  }
0x78: {  	s7 =	simm.s32 $0xE880;
	s17 =	simm.s32 $0xC080;
	s20 =	sld [smem:$0x7F3]  }
0x79: {  	[tilespmem:s17], [sflag:$0x1] =	stream.indirect_vreg.gather [hbm4b:s9+s2], $0x80, v2, vm0, $0xb8;
	[tilespmem:$0x10080] =	vst v63  }
0x7a: {  	s14 =	simm.s32 $0xD880;
	s15 =	simm.s32 $0xE080;
	s16 =	rddreg [dreg:$0x1d]  }
0x7b: {  	[tilespmem:s11], [sflag:$0x1] =	stream.indirect_vreg.gather [hbm4b:s16+s2], $0x80, v2, vm0, $0xb8;
	[tilespmem:$0x10080] =	vst v63  }
0x7c: {  	p1 =	sne.s32 s5, $0x1;
	p0 =	por $0x1, $0x1;
	s18 =	rddreg [dreg:$0x1e]  }
0x7d: {  	[tilespmem:s10], [sflag:$0x1] =	stream.indirect_vreg.gather [hbm4b:s18+s2], $0x80, v2, vm0, $0xb8;
	[tilespmem:$0x10080] =	vst v63  }
0x7e: {  	s26 =	simm.s32 $0x80;
	s1 =	sadd.s32 $0xFFFFFFFF, s5;
	s19 =	rddreg [dreg:$0x1f]  }
0x7f: {  	[tilespmem:s14], [sflag:$0x1] =	stream.indirect_vreg.gather [hbm4b:s19+s2], $0x80, v2, vm0, $0xb8;
	[tilespmem:$0x10080] =	vst v63  }
0x80: {  	s31 =	simm.s32 $0x5080;
	s29 =	simm.s32 $0x6080;
	s21 =	sld [smem:$0x7F4]  }
0x81: {  	[tilespmem:s15], [sflag:$0x1] =	stream.indirect_vreg.gather [hbm4b:s20+s2], $0x80, v2, vm0, $0xb8;
	[tilespmem:$0x10080] =	vst v63  }
0x82: {  	s28 =	simm.s32 $0x6880;
	s30 =	simm.s32 $0x5880;
	s23 =	sld [smem:$0x7F6]  }
0x83: {  	[tilespmem:s7], [sflag:$0x1] =	stream.indirect_vreg.gather [hbm4b:s21+s2], $0x80, v2, vm0, $0xb8;
	[tilespmem:$0x10080] =	vst v63  }
0x84: {  	s24 =	simm.s32 $0xF880;
	s4 =	simm.s32 $0x4880;
	s13 =	simm.s32 $0x80  }
0x85: {  	[tilespmem:s12], [sflag:$0x1] =	stream.indirect_vreg.gather [hbm4b:s22+s2], $0x80, v2, vm0, $0xb8;
	[tilespmem:$0x10080] =	vst v63  }
0x86: {  	s17 =	simm.s32 $0xB080;
	s16 =	simm.s32 $0xE080;
	s18 =	simm.s32 $0xF880  }
0x87: {  	[tilespmem:s24], [sflag:$0x1] =	stream.indirect_vreg.gather [hbm4b:s23+s2], $0x80, v2, vm0, $0xb8;
	[tilespmem:$0x10080] =	vst v63  }
0x88: {  	s19 =	simm.s32 $0xA880;
	s14 =	simm.s32 $0x4080;
	_ =	swait.ge [sflag:s8], $0x10000  }
0x89: {  	s15 =	simm.s32 $0x3880;
	s20 =	simm.s32 $0xA080;
	s25 =	sld [smem:$0x7F7]  }
.Ltmp1:
0x8a: {  	s21 =	simm.s32 $0x9880;
	[sflag:s8] =	ssyncset.done $0x0;
	(pc) =	sbr.rel @!p1 .LBB2_3-.Ltmp1, $4  }
0x8b: {  	s22 =	simm.s32 $0x9080;
	s23 =	simm.s32 $0x8880;
	[sflag:s8] =	ssyncadd.s32 $0xFFFF0000  }
0x8c: {  	[hbm4b:s25+s2] =	stream.linear.scatter [tilespmem:s26], [sflag:$0x2], $0x10000, $0x38;
	[tilespmem:$0x10080] =	vst v63  }
0x8d: {  	s24 =	simm.s32 $0x8080;
	s25 =	simm.s32 $0x7880;
	_ =	swait.ge [sflag:s3], $0x10000  }
0x8e: {  	s26 =	simm.s32 $0x7080;
	s0 =	rddreg [dreg:$0x4];
	[sflag:s3] =	ssyncset.done $0x0  }
.LBB2_4:
0x8f: {  	[sflag:s3] =	ssyncadd.s32 $0xFFFF0000  }
0x90: {  	[tilespmem:s2], [sflag:$0x2] =	stream.linear.gather [hbm4b:s0+s2], $0x8, $0x38;
	[tilespmem:$0x10080] =	vst v63  }
0x91: {  	_ =	swait.ge [sflag:s3], $0x8  }
0x92: {  	[sflag:s3] =	ssyncset.done $0x0  }
0x93: {  	[sflag:s3] =	ssyncadd.s32 $0xFFFFFFF8  }
0x94: {  	v2 =	vld.msk [tilespmem:$0x0], $0xff;
	_ =	sdelay $0x4  }
0x95: {  	v3 =	vshll.u32 v2, $0x6  }
0x96: {  	v2 =	vand.u32 $0x7, v2;
	v3 =	vand.u32 $0xFFFFFE00, v3  }
0x97: {  	s0 =	sld [smem:$0x7FD];
	v2 =	vor.u32 v2, v3  }
0x98: {  	s5 =	sld [smem:$0x7FC];
	v2 =	vperm.xlane v2, v0  }
0x99: {  	s6 =	sld [smem:$0x7FB]  }
0x9a: {  	s7 =	sld [smem:$0x7FA];
	v2 =	vadd.s32 v1, v2  }
0x9b: {  	s9 =	sld [smem:$0x7F9]  }
0x9c: {  	s10 =	rddreg [dreg:$0x3]  }
0x9d: {  	s11 =	sld [smem:$0x7F8]  }
0x9e: {  	s12 =	rddreg [dreg:$0x5]  }
0x9f: {  	[tilespmem:s13], [sflag:$0x1] =	stream.indirect_vreg.gather [hbm4b:s10+s2], $0x80, v2, vm0, $0xb8;
	[tilespmem:$0x10080] =	vst v63  }
0xa0: {  	s10 =	rddreg [dreg:$0x6]  }
0xa1: {  	[tilespmem:s11], [sflag:$0x1] =	stream.indirect_vreg.gather [hbm4b:s12+s2], $0x80, v2, vm0, $0xb8;
	[tilespmem:$0x10080] =	vst v63  }
0xa2: {  	s11 =	rddreg [dreg:$0x7]  }
0xa3: {  	[tilespmem:s9], [sflag:$0x1] =	stream.indirect_vreg.gather [hbm4b:s10+s2], $0x80, v2, vm0, $0xb8;
	[tilespmem:$0x10080] =	vst v63  }
0xa4: {  	s9 =	rddreg [dreg:$0x8]  }
0xa5: {  	[tilespmem:s7], [sflag:$0x1] =	stream.indirect_vreg.gather [hbm4b:s11+s2], $0x80, v2, vm0, $0xb8;
	[tilespmem:$0x10080] =	vst v63  }
0xa6: {  	s7 =	rddreg [dreg:$0x9]  }
0xa7: {  	[tilespmem:s6], [sflag:$0x1] =	stream.indirect_vreg.gather [hbm4b:s9+s2], $0x80, v2, vm0, $0xb8;
	[tilespmem:$0x10080] =	vst v63  }
0xa8: {  	s9 =	rddreg [dreg:$0xa]  }
0xa9: {  	[tilespmem:s5], [sflag:$0x1] =	stream.indirect_vreg.gather [hbm4b:s7+s2], $0x80, v2, vm0, $0xb8;
	[tilespmem:$0x10080] =	vst v63  }
0xaa: {  	s7 =	rddreg [dreg:$0xb]  }
0xab: {  	[tilespmem:s0], [sflag:$0x1] =	stream.indirect_vreg.gather [hbm4b:s9+s2], $0x80, v2, vm0, $0xb8;
	[tilespmem:$0x10080] =	vst v63  }
0xac: {  	s5 =	rddreg [dreg:$0x1d]  }
0xad: {  	[tilespmem:s15], [sflag:$0x1] =	stream.indirect_vreg.gather [hbm4b:s7+s2], $0x80, v2, vm0, $0xb8;
	[tilespmem:$0x10080] =	vst v63  }
0xae: {  	s9 =	rddreg [dreg:$0xc]  }
0xaf: {  	[tilespmem:s14], [sflag:$0x1] =	stream.indirect_vreg.gather [hbm4b:s9+s2], $0x80, v2, vm0, $0xb8;
	[tilespmem:$0x10080] =	vst v63  }
0xb0: {  	s7 =	rddreg [dreg:$0xd]  }
0xb1: {  	[tilespmem:s4], [sflag:$0x1] =	stream.indirect_vreg.gather [hbm4b:s7+s2], $0x80, v2, vm0, $0xb8;
	[tilespmem:$0x10080] =	vst v63  }
0xb2: {  	s9 =	rddreg [dreg:$0xe]  }
0xb3: {  	[tilespmem:s31], [sflag:$0x1] =	stream.indirect_vreg.gather [hbm4b:s9+s2], $0x80, v2, vm0, $0xb8;
	[tilespmem:$0x10080] =	vst v63  }
0xb4: {  	s7 =	rddreg [dreg:$0xf]  }
0xb5: {  	[tilespmem:s30], [sflag:$0x1] =	stream.indirect_vreg.gather [hbm4b:s7+s2], $0x80, v2, vm0, $0xb8;
	[tilespmem:$0x10080] =	vst v63  }
0xb6: {  	s9 =	rddreg [dreg:$0x10]  }
0xb7: {  	[tilespmem:s29], [sflag:$0x1] =	stream.indirect_vreg.gather [hbm4b:s9+s2], $0x80, v2, vm0, $0xb8;
	[tilespmem:$0x10080] =	vst v63  }
0xb8: {  	s7 =	rddreg [dreg:$0x11]  }
0xb9: {  	[tilespmem:s28], [sflag:$0x1] =	stream.indirect_vreg.gather [hbm4b:s7+s2], $0x80, v2, vm0, $0xb8;
	[tilespmem:$0x10080] =	vst v63  }
0xba: {  	s9 =	rddreg [dreg:$0x12]  }
0xbb: {  	[tilespmem:s26], [sflag:$0x1] =	stream.indirect_vreg.gather [hbm4b:s9+s2], $0x80, v2, vm0, $0xb8;
	[tilespmem:$0x10080] =	vst v63  }
0xbc: {  	s7 =	rddreg [dreg:$0x13]  }
0xbd: {  	[tilespmem:s25], [sflag:$0x1] =	stream.indirect_vreg.gather [hbm4b:s7+s2], $0x80, v2, vm0, $0xb8;
	[tilespmem:$0x10080] =	vst v63  }
0xbe: {  	s9 =	rddreg [dreg:$0x14]  }
0xbf: {  	[tilespmem:s24], [sflag:$0x1] =	stream.indirect_vreg.gather [hbm4b:s9+s2], $0x80, v2, vm0, $0xb8;
	[tilespmem:$0x10080] =	vst v63  }
0xc0: {  	s7 =	rddreg [dreg:$0x15]  }
0xc1: {  	[tilespmem:s23], [sflag:$0x1] =	stream.indirect_vreg.gather [hbm4b:s7+s2], $0x80, v2, vm0, $0xb8;
	[tilespmem:$0x10080] =	vst v63  }
0xc2: {  	s9 =	rddreg [dreg:$0x16]  }
0xc3: {  	[tilespmem:s22], [sflag:$0x1] =	stream.indirect_vreg.gather [hbm4b:s9+s2], $0x80, v2, vm0, $0xb8;
	[tilespmem:$0x10080] =	vst v63  }
0xc4: {  	s7 =	rddreg [dreg:$0x17]  }
0xc5: {  	[tilespmem:s21], [sflag:$0x1] =	stream.indirect_vreg.gather [hbm4b:s7+s2], $0x80, v2, vm0, $0xb8;
	[tilespmem:$0x10080] =	vst v63  }
0xc6: {  	s9 =	rddreg [dreg:$0x18]  }
0xc7: {  	[tilespmem:s20], [sflag:$0x1] =	stream.indirect_vreg.gather [hbm4b:s9+s2], $0x80, v2, vm0, $0xb8;
	[tilespmem:$0x10080] =	vst v63  }
0xc8: {  	s7 =	rddreg [dreg:$0x19]  }
0xc9: {  	[tilespmem:s19], [sflag:$0x1] =	stream.indirect_vreg.gather [hbm4b:s7+s2], $0x80, v2, vm0, $0xb8;
	[tilespmem:$0x10080] =	vst v63  }
0xca: {  	s9 =	rddreg [dreg:$0x1a]  }
0xcb: {  	[tilespmem:s17], [sflag:$0x1] =	stream.indirect_vreg.gather [hbm4b:s9+s2], $0x80, v2, vm0, $0xb8;
	[tilespmem:$0x10080] =	vst v63  }
0xcc: {  	s7 =	rddreg [dreg:$0x1b];
	s9 =	simm.s32 $0xB880  }
0xcd: {  	[tilespmem:s9], [sflag:$0x1] =	stream.indirect_vreg.gather [hbm4b:s7+s2], $0x80, v2, vm0, $0xb8;
	[tilespmem:$0x10080] =	vst v63  }
0xce: {  	s0 =	rddreg [dreg:$0x1c];
	s9 =	simm.s32 $0xC080  }
0xcf: {  	[tilespmem:s9], [sflag:$0x1] =	stream.indirect_vreg.gather [hbm4b:s0+s2], $0x80, v2, vm0, $0xb8;
	[tilespmem:$0x10080] =	vst v63  }
0xd0: {  	s11 =	simm.s32 $0xC880;
	s7 =	rddreg [dreg:$0x1f]  }
0xd1: {  	[tilespmem:s11], [sflag:$0x1] =	stream.indirect_vreg.gather [hbm4b:s5+s2], $0x80, v2, vm0, $0xb8;
	[tilespmem:$0x10080] =	vst v63  }
0xd2: {  	s10 =	simm.s32 $0xD080;
	s9 =	rddreg [dreg:$0x1e]  }
0xd3: {  	[tilespmem:s10], [sflag:$0x1] =	stream.indirect_vreg.gather [hbm4b:s9+s2], $0x80, v2, vm0, $0xb8;
	[tilespmem:$0x10080] =	vst v63  }
0xd4: {  	s0 =	sld [smem:$0x7F3];
	s9 =	simm.s32 $0xD880  }
0xd5: {  	[tilespmem:s9], [sflag:$0x1] =	stream.indirect_vreg.gather [hbm4b:s7+s2], $0x80, v2, vm0, $0xb8;
	[tilespmem:$0x10080] =	vst v63  }
0xd6: {  	s7 =	sld [smem:$0x7F4]  }
0xd7: {  	[tilespmem:s16], [sflag:$0x1] =	stream.indirect_vreg.gather [hbm4b:s0+s2], $0x80, v2, vm0, $0xb8;
	[tilespmem:$0x10080] =	vst v63  }
0xd8: {  	s6 =	simm.s32 $0xE880;
	s9 =	sld [smem:$0x7F5]  }
0xd9: {  	[tilespmem:s6], [sflag:$0x1] =	stream.indirect_vreg.gather [hbm4b:s7+s2], $0x80, v2, vm0, $0xb8;
	[tilespmem:$0x10080] =	vst v63  }
0xda: {  	s12 =	simm.s32 $0xF080;
	s7 =	sld [smem:$0x7F6]  }
0xdb: {  	[tilespmem:s12], [sflag:$0x1] =	stream.indirect_vreg.gather [hbm4b:s9+s2], $0x80, v2, vm0, $0xb8;
	[tilespmem:$0x10080] =	vst v63  }
0xdc: {  	_ = 	snop  }
0xdd: {  	[tilespmem:s18], [sflag:$0x1] =	stream.indirect_vreg.gather [hbm4b:s7+s2], $0x80, v2, vm0, $0xb8;
	[tilespmem:$0x10080] =	vst v63  }
0xde: {  	_ =	swait.ge [sflag:s8], $0x10000  }
0xdf: {  	p1 =	sne.s32 s1, $0x1;
	s9 =	sld [smem:$0x7F7]  }
.Ltmp2:
0xe0: {  	[sflag:s8] =	ssyncset.done $0x0;
	(pc) =	sbr.rel @p1 .LBB2_4-.Ltmp2, $4  }
0xe1: {  	[sflag:s8] =	ssyncadd.s32 $0xFFFF0000  }
0xe2: {  	[hbm4b:s9+s2] =	stream.linear.scatter [tilespmem:s13], [sflag:$0x2], $0x10000, $0x38;
	[tilespmem:$0x10080] =	vst v63  }
0xe3: {  	_ =	swait.ge [sflag:s3], $0x10000  }
0xe4: {  	s1 =	sadd.s32 $0xFFFFFFFF, s1;
	s0 =	rddreg [dreg:$0x4];
	[sflag:s3] =	ssyncset.done $0x0  }
0xe5: {  	s16 =	simm.s32 $0x3880;
	s18 =	simm.s32 $0x4080  }
0xe6: {  	s4 =	simm.s32 $0x4880;
	s31 =	simm.s32 $0x5080;
	s30 =	simm.s32 $0x5880  }
0xe7: {  	s29 =	simm.s32 $0x6080;
	s28 =	simm.s32 $0x6880;
	s26 =	simm.s32 $0x7080  }
0xe8: {  	s25 =	simm.s32 $0x7880;
	s24 =	simm.s32 $0x8080;
	s23 =	simm.s32 $0x8880  }
0xe9: {  	s22 =	simm.s32 $0x9080;
	s21 =	simm.s32 $0x9880;
	s20 =	simm.s32 $0xA080  }
0xea: {  	s19 =	simm.s32 $0xA880;
	s17 =	simm.s32 $0xB080;
	s15 =	simm.s32 $0xD880  }
0xeb: {  	s14 =	simm.s32 $0xB880;
	s7 =	simm.s32 $0xE880;
	s13 =	simm.s32 $0xC080  }
.LBB2_6:
0xec: {  	[sflag:s3] =	ssyncadd.s32 @p0 $0xFFFF0000  }
0xed: {  	[tilespmem:s2], [sflag:$0x2] =	stream.linear.gather [hbm4b:s0+s2], $0x8, $0x38;
	[tilespmem:$0x10080] =	vst v63  }
0xee: {  	_ =	swait.ge [sflag:s3], $0x8  }
0xef: {  	[sflag:s3] =	ssyncset.done $0x0  }
0xf0: {  	[sflag:s3] =	ssyncadd.s32 $0xFFFFFFF8  }
0xf1: {  	v2 =	vld.msk [tilespmem:$0x0], $0xff;
	_ =	sdelay $0x4  }
0xf2: {  	v3 =	vshll.u32 v2, $0x6  }
0xf3: {  	v2 =	vand.u32 $0x7, v2;
	v3 =	vand.u32 $0xFFFFFE00, v3  }
0xf4: {  	v2 =	vor.u32 v2, v3  }
0xf5: {  	v0 =	vperm.xlane v2, v0;
	_ =	sdelay $0x1  }
0xf6: {  	v0 =	vadd.s32 v1, v0  }
0xf7: {  	s6 =	rddreg [dreg:$0x3]  }
0xf8: {  	s0 =	sld [smem:$0x7F8]  }
0xf9: {  	s1 =	rddreg [dreg:$0x5]  }
0xfa: {  	s9 =	simm.s32 $0x80;
	s5 =	sld [smem:$0x7F9]  }
0xfb: {  	[tilespmem:s9], [sflag:$0x1] =	stream.indirect_vreg.gather [hbm4b:s6+s2], $0x80, v0, vm0, $0xb8;
	[tilespmem:$0x10080] =	vst v63  }
0xfc: {  	s6 =	rddreg [dreg:$0x6]  }
0xfd: {  	[tilespmem:s0], [sflag:$0x1] =	stream.indirect_vreg.gather [hbm4b:s1+s2], $0x80, v0, vm0, $0xb8;
	[tilespmem:$0x10080] =	vst v63  }
0xfe: {  	s0 =	sld [smem:$0x7FA]  }
0xff: {  	s1 =	rddreg [dreg:$0x7]  }
0x100: {  	[tilespmem:s5], [sflag:$0x1] =	stream.indirect_vreg.gather [hbm4b:s6+s2], $0x80, v0, vm0, $0xb8;
	[tilespmem:$0x10080] =	vst v63  }
0x101: {  	s5 =	sld [smem:$0x7FB]  }
0x102: {  	s6 =	rddreg [dreg:$0x8]  }
0x103: {  	[tilespmem:s0], [sflag:$0x1] =	stream.indirect_vreg.gather [hbm4b:s1+s2], $0x80, v0, vm0, $0xb8;
	[tilespmem:$0x10080] =	vst v63  }
0x104: {  	s0 =	sld [smem:$0x7FC]  }
0x105: {  	s1 =	rddreg [dreg:$0x9]  }
0x106: {  	[tilespmem:s5], [sflag:$0x1] =	stream.indirect_vreg.gather [hbm4b:s6+s2], $0x80, v0, vm0, $0xb8;
	[tilespmem:$0x10080] =	vst v63  }
0x107: {  	s5 =	sld [smem:$0x7FD]  }
0x108: {  	s6 =	rddreg [dreg:$0xa]  }
0x109: {  	[tilespmem:s0], [sflag:$0x1] =	stream.indirect_vreg.gather [hbm4b:s1+s2], $0x80, v0, vm0, $0xb8;
	[tilespmem:$0x10080] =	vst v63  }
0x10a: {  	s1 =	rddreg [dreg:$0xb]  }
0x10b: {  	[tilespmem:s5], [sflag:$0x1] =	stream.indirect_vreg.gather [hbm4b:s6+s2], $0x80, v0, vm0, $0xb8;
	[tilespmem:$0x10080] =	vst v63  }
0x10c: {  	s6 =	rddreg [dreg:$0xc]  }
0x10d: {  	[tilespmem:s16], [sflag:$0x1] =	stream.indirect_vreg.gather [hbm4b:s1+s2], $0x80, v0, vm0, $0xb8;
	[tilespmem:$0x10080] =	vst v63  }
0x10e: {  	s5 =	rddreg [dreg:$0xf]  }
0x10f: {  	[tilespmem:s18], [sflag:$0x1] =	stream.indirect_vreg.gather [hbm4b:s6+s2], $0x80, v0, vm0, $0xb8;
	[tilespmem:$0x10080] =	vst v63  }
0x110: {  	s16 =	rddreg [dreg:$0xd]  }
0x111: {  	[tilespmem:s4], [sflag:$0x1] =	stream.indirect_vreg.gather [hbm4b:s16+s2], $0x80, v0, vm0, $0xb8;
	[tilespmem:$0x10080] =	vst v63  }
0x112: {  	s18 =	rddreg [dreg:$0xe]  }
0x113: {  	[tilespmem:s31], [sflag:$0x1] =	stream.indirect_vreg.gather [hbm4b:s18+s2], $0x80, v0, vm0, $0xb8;
	[tilespmem:$0x10080] =	vst v63  }
0x114: {  	s6 =	rddreg [dreg:$0x10]  }
0x115: {  	[tilespmem:s30], [sflag:$0x1] =	stream.indirect_vreg.gather [hbm4b:s5+s2], $0x80, v0, vm0, $0xb8;
	[tilespmem:$0x10080] =	vst v63  }
0x116: {  	s16 =	rddreg [dreg:$0x11]  }
0x117: {  	[tilespmem:s29], [sflag:$0x1] =	stream.indirect_vreg.gather [hbm4b:s6+s2], $0x80, v0, vm0, $0xb8;
	[tilespmem:$0x10080] =	vst v63  }
0x118: {  	s4 =	rddreg [dreg:$0x17]  }
0x119: {  	[tilespmem:s28], [sflag:$0x1] =	stream.indirect_vreg.gather [hbm4b:s16+s2], $0x80, v0, vm0, $0xb8;
	[tilespmem:$0x10080] =	vst v63  }
0x11a: {  	s18 =	rddreg [dreg:$0x12]  }
0x11b: {  	[tilespmem:s26], [sflag:$0x1] =	stream.indirect_vreg.gather [hbm4b:s18+s2], $0x80, v0, vm0, $0xb8;
	[tilespmem:$0x10080] =	vst v63  }
0x11c: {  	s28 =	rddreg [dreg:$0x13]  }
0x11d: {  	[tilespmem:s25], [sflag:$0x1] =	stream.indirect_vreg.gather [hbm4b:s28+s2], $0x80, v0, vm0, $0xb8;
	[tilespmem:$0x10080] =	vst v63  }
0x11e: {  	s29 =	rddreg [dreg:$0x14]  }
0x11f: {  	[tilespmem:s24], [sflag:$0x1] =	stream.indirect_vreg.gather [hbm4b:s29+s2], $0x80, v0, vm0, $0xb8;
	[tilespmem:$0x10080] =	vst v63  }
0x120: {  	s30 =	rddreg [dreg:$0x15]  }
0x121: {  	[tilespmem:s23], [sflag:$0x1] =	stream.indirect_vreg.gather [hbm4b:s30+s2], $0x80, v0, vm0, $0xb8;
	[tilespmem:$0x10080] =	vst v63  }
0x122: {  	s31 =	rddreg [dreg:$0x16]  }
0x123: {  	[tilespmem:s22], [sflag:$0x1] =	stream.indirect_vreg.gather [hbm4b:s31+s2], $0x80, v0, vm0, $0xb8;
	[tilespmem:$0x10080] =	vst v63  }
0x124: {  	s5 =	rddreg [dreg:$0x18]  }
0x125: {  	[tilespmem:s21], [sflag:$0x1] =	stream.indirect_vreg.gather [hbm4b:s4+s2], $0x80, v0, vm0, $0xb8;
	[tilespmem:$0x10080] =	vst v63  }
0x126: {  	s6 =	rddreg [dreg:$0x19]  }
0x127: {  	[tilespmem:s20], [sflag:$0x1] =	stream.indirect_vreg.gather [hbm4b:s5+s2], $0x80, v0, vm0, $0xb8;
	[tilespmem:$0x10080] =	vst v63  }
0x128: {  	s16 =	rddreg [dreg:$0x1a]  }
0x129: {  	[tilespmem:s19], [sflag:$0x1] =	stream.indirect_vreg.gather [hbm4b:s6+s2], $0x80, v0, vm0, $0xb8;
	[tilespmem:$0x10080] =	vst v63  }
0x12a: {  	s18 =	rddreg [dreg:$0x1b]  }
0x12b: {  	[tilespmem:s17], [sflag:$0x1] =	stream.indirect_vreg.gather [hbm4b:s16+s2], $0x80, v0, vm0, $0xb8;
	[tilespmem:$0x10080] =	vst v63  }
0x12c: {  	s23 =	sld [smem:$0x7F3]  }
0x12d: {  	[tilespmem:s14], [sflag:$0x1] =	stream.indirect_vreg.gather [hbm4b:s18+s2], $0x80, v0, vm0, $0xb8;
	[tilespmem:$0x10080] =	vst v63  }
0x12e: {  	s19 =	rddreg [dreg:$0x1c]  }
0x12f: {  	[tilespmem:s13], [sflag:$0x1] =	stream.indirect_vreg.gather [hbm4b:s19+s2], $0x80, v0, vm0, $0xb8;
	[tilespmem:$0x10080] =	vst v63  }
0x130: {  	s20 =	rddreg [dreg:$0x1d]  }
0x131: {  	[tilespmem:s11], [sflag:$0x1] =	stream.indirect_vreg.gather [hbm4b:s20+s2], $0x80, v0, vm0, $0xb8;
	[tilespmem:$0x10080] =	vst v63  }
0x132: {  	s21 =	rddreg [dreg:$0x1e]  }
0x133: {  	[tilespmem:s10], [sflag:$0x1] =	stream.indirect_vreg.gather [hbm4b:s21+s2], $0x80, v0, vm0, $0xb8;
	[tilespmem:$0x10080] =	vst v63  }
0x134: {  	s22 =	rddreg [dreg:$0x1f]  }
0x135: {  	[tilespmem:s15], [sflag:$0x1] =	stream.indirect_vreg.gather [hbm4b:s22+s2], $0x80, v0, vm0, $0xb8;
	[tilespmem:$0x10080] =	vst v63  }
0x136: {  	s25 =	simm.s32 $0xE080;
	s24 =	sld [smem:$0x7F4]  }
0x137: {  	[tilespmem:s25], [sflag:$0x1] =	stream.indirect_vreg.gather [hbm4b:s23+s2], $0x80, v0, vm0, $0xb8;
	[tilespmem:$0x10080] =	vst v63  }
0x138: {  	s26 =	sld [smem:$0x7F5]  }
0x139: {  	[tilespmem:s7], [sflag:$0x1] =	stream.indirect_vreg.gather [hbm4b:s24+s2], $0x80, v0, vm0, $0xb8;
	[tilespmem:$0x10080] =	vst v63  }
0x13a: {  	s28 =	sld [smem:$0x7F6]  }
0x13b: {  	[tilespmem:s12], [sflag:$0x1] =	stream.indirect_vreg.gather [hbm4b:s26+s2], $0x80, v0, vm0, $0xb8;
	[tilespmem:$0x10080] =	vst v63  }
0x13c: {  	s29 =	simm.s32 $0xF880  }
0x13d: {  	[tilespmem:s29], [sflag:$0x1] =	stream.indirect_vreg.gather [hbm4b:s28+s2], $0x80, v0, vm0, $0xb8;
	[tilespmem:$0x10080] =	vst v63  }
0x13e: {  	_ =	swait.ge [sflag:s8], $0x10000  }
0x13f: {  	s30 =	sld [smem:$0x7F7]  }
0x140: {  	[sflag:s8] =	ssyncset.done $0x0  }
0x141: {  	[sflag:s8] =	ssyncadd.s32 $0xFFFF0000  }
0x142: {  	[hbm4b:s30+s2] =	stream.linear.scatter [tilespmem:s9], [sflag:$0x2], $0x10000, $0x38;
	[tilespmem:$0x10080] =	vst v63  }
0x143: {  	_ =	swait.ge [sflag:s3], $0x10000  }
0x144: {  	[sflag:s3] =	ssyncset.done $0x0  }
0x145: {  	[sflag:s3] =	ssyncadd.s32 $0xFFFF0000  }
0x146: {  	_ =	sfence.sel $0x180000  }
0x147: {  	[bflag:$0x0] =	sbarrier.arrive $0xFFFF  }
0x148: {  	_ =	strace $0x9000004A  }
0x149: {  	s31 =	stileid.u32;
	[bflag:$0x2] =	sbarrier.arrive $0xFFFF  }
0x14a: {  	p0 =	sne.s32 s31, $0x0;
	s0 =	rddreg [dreg:$0x2]  }
0x14b: {  	s0 =	sadd.s32 @!p0 $0x100000, s0  }
0x14c: {  	[sflag:s0] =	ssyncadd.tile.s32 @!p0 $0x1;
	_ =	shalt  }
.LBB2_1:
0x14d: {  	s16 =	simm.s32 $0x3880;
	s18 =	simm.s32 $0x4080;
	s4 =	simm.s32 $0x4880  }
0x14e: {  	s31 =	simm.s32 $0x5080;
	s30 =	simm.s32 $0x5880;
	s29 =	simm.s32 $0x6080  }
.Ltmp3:
0x14f: {  	s28 =	simm.s32 $0x6880;
	s26 =	simm.s32 $0x7080;
	(pc) =	sbr.rel .LBB2_6-.Ltmp3, $4  }
0x150: {  	s25 =	simm.s32 $0x7880;
	s24 =	simm.s32 $0x8080;
	s23 =	simm.s32 $0x8880  }
0x151: {  	s22 =	simm.s32 $0x9080;
	s21 =	simm.s32 $0x9880;
	s20 =	simm.s32 $0xA080  }
0x152: {  	s19 =	simm.s32 $0xA880;
	s17 =	simm.s32 $0xB080;
	s15 =	simm.s32 $0xD880  }
0x153: {  	s14 =	simm.s32 $0xB880;
	s7 =	simm.s32 $0xE880;
	s13 =	simm.s32 $0xC080  }
.LBB2_3:
0x154: {  	s16 =	simm.s32 $0x3880;
	s18 =	simm.s32 $0x4080;
	s4 =	simm.s32 $0x4880  }
0x155: {  	s31 =	simm.s32 $0x5080;
	s30 =	simm.s32 $0x5880;
	s29 =	simm.s32 $0x6080  }
.Ltmp4:
0x156: {  	s28 =	simm.s32 $0x6880;
	s26 =	simm.s32 $0x7080;
	(pc) =	sbr.rel .LBB2_6-.Ltmp4, $4  }
0x157: {  	s25 =	simm.s32 $0x7880;
	s24 =	simm.s32 $0x8080;
	s23 =	simm.s32 $0x8880  }
0x158: {  	s22 =	simm.s32 $0x9080;
	s21 =	simm.s32 $0x9880;
	s20 =	simm.s32 $0xA080  }
0x159: {  	s19 =	simm.s32 $0xA880;
	s17 =	simm.s32 $0xB080;
	s15 =	simm.s32 $0xD880  }
0x15a: {  	s14 =	simm.s32 $0xB880;
	s7 =	simm.s32 $0xE880;
	s13 =	simm.s32 $0xC080  }
.Lfunc_end2:
_tile_overlayer_lowered:
.L_overlay_start_2:
0x15b: {  	(tag) =	ssettag $0x2  }
0x15c: {  	s0 =	rddreg [dreg:$0x0];
	s2 =	stileid.u32  }
0x15d: {  	s1 =	rddreg [dreg:$0x1];
	p0 =	sne.s32 s2, $0x0  }
0x15e: {  	s3 =	rddreg [dreg:$0x2];
	[bflag:$0x3] =	sbarrier.arrive $0xFFFF;
	s2 =	simm.s32 @!p0 $0x1C02  }
0x15f: {  	[timem:s3], [sflag:s2] =	dma.local @!p0 [hbm:s0], s1  }
0x160: {  	s0 =	simm.s32 @!p0 $0x2  }
0x161: {  	_ =	swait.ge @!p0 [sflag:s0], s1  }
0x162: {  	s1 =	ssub.s32 @!p0 $0x0, s1;
	[sflag:s0] =	ssyncset.done @!p0 $0x0  }
0x163: {  	[sflag:s0] =	ssyncadd.s32 @!p0 s1  }
0x164: {  	[bflag:$0x3] =	sbarrier.arrive $0xFFFF  }
0x165: {  	_ =	shalt  }

// kernel: sparse-core-data-format-call.cloned.1.call-start
scs
called_computation_lowered:
.L_overlay_start_0:
0x0: {  	s1 =	sld [smem:$0x3FD9]  }
0x1: {  	s2 =	sld [smem:$0x3FFE];
	_ =	sdelay $0x1  }
0x2: {  	s3 =	srdreg.scid  }
0x3: {  	s0 =	sand.u32 $0x1, s3  }
0x4: {  	s17 =	sshll.u32 s0, $0xA;
	s1 =	sadd.s32 s2, s1  }
0x5: {  	s1 =	sadd.s32 s1, s17  }
0x6: {  	[smem:$0x3FC6] =	sst s1  }
0x7: {  	_ = 	snop  }
0x8: {  	(tm) =	ssettm $0x1  }
0x9: {  	s18 =	sld [smem:$0x3FFB];
	_ =	sdelay $0x3  }
0xa: {  	_ =	strace s18  }
0xb: {  	s1 =	sld [smem:$0x3FFC];
	_ =	sdelay $0x3  }
0xc: {  	_ =	strace s1  }
0xd: {  	s1 =	sld [smem:$0x3FFD];
	_ =	sdelay $0x3  }
0xe: {  	_ =	strace s1  }
0xf: {  	_ =	strace $0x8FFFFFFF  }
0x10: {  	s19 =	sld [smem:$0x3FDB];
	_ =	sdelay $0x1  }
0x11: {  	s20 =	simm.s32 $_scs_section_size  }
0x12: {  	s4 =	simm.s32 $_size__tile_overlayer_lowered;
	s5 =	simm.s32 $_tile_overlayer_lowered  }
0x13: {  	s23 =	simm.s32 $0x1BFF;
	s22 =	sshll.u32 s5, $0x1;
	s1 =	sadd.s32 s20, s19  }
0x14: {  	s6 =	simm.s32 $0x0;
	s21 =	sshll.u32 s4, $0x1;
	s4 =	sadd.s32 s22, s1  }
0x15: {  	[timem:s6], [sflag:s23] =	dma.local [hbm:s4], s21  }
0x16: {  	_ =	swait.ge [sflag:s23], s21  }
0x17: {  	s2 =	ssub.s32 $0x0, s21;
	[sflag:s23] =	ssyncset.done $0x0  }
0x18: {  	[sflag:s23] =	ssyncadd.s32 s2;
	_ =	sdelay $0x1  }
0x19: {  	s24 =	simm.s32 $0x1B8B  }
0x1a: {  	_ =	swait.ge [sflag:s24], $0x1  }
0x1b: {  	[sflag:s24] =	ssyncset.done $0x0  }
0x1c: {  	s26 =	simm.s32 $0x1B8E;
	s25 =	sld [smem:$0x3FFE];
	[sflag:s24] =	ssyncadd.s32 $0xFFFFFFFF  }
0x1d: {  	s27 =	simm.s32 $execute0_lowered;
	[smem:$0x3FD2] =	sst s26  }
0x1e: {  	s4 =	sshll.u32 s27, $0x1;
	_ =	strace $0x80000046;
	[dreg:$0x1] =	wrdreg $0xFFFFFFFF  }
0x1f: {  	s28 =	simm.s32 $_size_execute0_lowered;
	s1 =	sadd.s32 s1, s4;
	[dreg:$0x0] =	wrdreg $0x0  }
0x20: {  	s4 =	sshll.u32 s28, $0x1;
	[dreg:$0x2] =	wrdreg s1  }
0x21: {  	[dreg:$0x3] =	wrdreg s4  }
0x22: {  	[dreg:$0x4] =	wrdreg $0xC0  }
0x23: {  	_ =	task [dreg:s6], $0x5FFFF  }
0x24: {  	[dreg:$0x1] =	wrdreg $0xFFFFFFFF  }
0x25: {  	[dreg:$0x0] =	wrdreg $0x60  }
0x26: {  	[dreg:$0x2] =	wrdreg s25  }
0x27: {  	[dreg:$0x3] =	wrdreg $0x9  }
0x28: {  	_ =	task.clear_ibuf [dreg:s6], $0x4FFFF;
	_ =	strace $0x90000046  }
0x29: {  	s29 =	simm.s32 $0x9;
	_ =	strace $0x80000048  }
0x2a: {  	_ =	swait.ge [sflag:s29], $0x1  }
0x2b: {  	[sflag:s29] =	ssyncadd.s32 $0xFFFFFFFF  }
0x2c: {  	_ =	strace $0x90000048  }
0x2d: {  	_ =	sfence  }
0x2e: {  	s30 =	sld [smem:$0x0];
	_ =	sdelay $0x2  }
0x2f: {  	s31 =	sshll.u32 s3, $0xD;
	s3 =	sshrl.u32 s3, $0x2  }
0x30: {  	s2 =	sand.u32 $0x4000, s31;
	s1 =	sadd.s32 s3, s30  }
0x31: {  	s0 =	sor.u32 s2, s0;
	s1 =	sshll.u32 s1, $0x11  }
0x32: {  	s0 =	sor.u32 s1, s0  }
0x33: {  	s0 =	sadd.s32 $0x8F2B, s0  }
0x34: {  	[sflag:s0] =	ssyncadd.remote.s32 $0x1  }
0x35: {  	_ =	sfence.sel $0xFFFF  }
0x36: {  	[dreg:$0x0] =	wrdreg $0xFFFFFFFF;
	(pc) =	sbr.abs _section_cstart, $3  }
0x37: {  	[dreg:$0x1] =	wrdreg $0xFFFFFFFF  }
0x38: {  	_ =	task.clear_ibuf [dreg:s6], $0x2FFFF;
	_ =	strace $0x9FFFFFFF  }
0x39: {  	(tm) =	ssettm $0x7FFFFFFF  }
tec
execute0_lowered:
.L_overlay_start_1:
0x0: {  	(tag) =	ssettag $0x1  }
0x1: {  	s1 =	rddreg [dreg:$0x0]  }
0x2: {  	s0 =	rddreg [dreg:$0x1]  }
0x3: {  	_ =	strace $0x80000047;
	s4 =	srdreg.scid;
	s6 =	simm.s32 $0x2  }
0x4: {  	s12 =	simm.s32 $0x0;
	p0 =	por $0x0, $0x0;
	s13 =	simm.s32 $0x0  }
0x5: {  	s15 =	simm.s32 $0x0;
	s14 =	simm.s32 $0x0;
	s8 =	simm.s32 $0x0  }
.Ltmp0:
0x6: {  	s9 =	simm.s32 $0x0;
	s10 =	simm.s32 $0x0;
	(pc) =	sbr.rel .LBB1_1-.Ltmp0, $4  }
0x7: {  	s2 =	sadd.s32 $0x600, s1;
	s3 =	sadd.s32 $0x800600, s1;
	s5 =	sshll.u32 s4, $0x4  }
0x8: {  	s1 =	stileid.u32;
	s4 =	simm.s32 $0x1;
	s5 =	sand.u32 $0x10, s5  }
0x9: {  	s7 =	simm.s32 $0x0;
	[sflag:s4] =	ssyncpa.u1 $0x0;
	s5 =	sor.u32 s1, s5  }
0xa: {  	[sflag:s6] =	ssyncpa.u1 $0x0;
	s6 =	simm.s32 $0x4000;
	s11 =	smov.u32 s5  }
.LBB1_7:
0xb: {  	s16 =	sadd.s32 $0x200, s8  }
0xc: {  	s12 =	sadd.s32 $0x4, s9;
	s17 =	smov.u32 s9;
	p2 =	sgt.s32 s16, $0x7FF  }
0xd: {  	s17 =	smov.u32 @p2 s12  }
0xe: {  	s18 =	smov.u32 s10;
	s12 =	sadd.s32 $0x8, s10;
	p3 =	sgt.s32 s17, $0x3  }
0xf: {  	s18 =	smov.u32 @p3 s12  }
0x10: {  	s19 =	smov.u32 s11;
	s12 =	sadd.s32 $0x20, s11;
	p4 =	sgt.s32 s18, $0x7  }
0x11: {  	p1 =	slt.u32 s7, $0x2;
	s19 =	smov.u32 @p4 s12  }
0x12: {  	s7 =	sadd.s32 $0x1, s7;
	s16 =	simm.s32 @p2 $0x0;
	p2 =	sgt.s32 s19, $0x3FF  }
0x13: {  	s20 =	simm.s32 @!p1 $0x2;
	s19 =	smov.u32 @p2 s5;
	p2 =	sne.s32 s7, $0x82  }
.Ltmp1:
0x14: {  	s13 =	smov.u32 s9;
	_ =	swait.ge @!p1 [sflag:s20], $0x4000;
	(pc) =	sbr.rel @!p2 .LBB1_8-.Ltmp1, $4  }
0x15: {  	s15 =	smov.u32 s10;
	s14 =	smov.u32 s11;
	[sflag:s20] =	ssyncset.done @!p1 $0x0  }
0x16: {  	p0 =	por !p0, !p0;
	s17 =	simm.s32 @p3 $0x0;
	[sflag:s20] =	ssyncadd.s32 @!p1 $0xFFFFC000  }
0x17: {  	s9 =	smov.u32 s17;
	s18 =	simm.s32 @p4 $0x0;
	s12 =	smov.u32 s8  }
0x18: {  	s8 =	smov.u32 s16;
	s10 =	smov.u32 s18;
	s11 =	smov.u32 s19  }
.LBB1_1:
0x19: {  	p1 =	sgt.u32 s7, $0x7F  }
0x1a: {  	s16 =	sxor.u32 @!p1 $0xFFFFFFFF, s7;
	s17 =	sshll.u32 @!p1 s9, $0x7  }
0x1b: {  	s18 =	sand.u32 @!p1 $0x78, s8;
	s19 =	sshll.u32 @!p1 s8, $0x2;
	s20 =	sshrl.u32 @!p1 s8, $0x1  }
0x1c: {  	s17 =	sand.u32 @!p1 $0x180, s17;
	s16 =	sshll.u32 @!p1 s16, $0xE;
	s19 =	sand.u32 @!p1 $0x600, s19  }
0x1d: {  	s20 =	sand.u32 @!p1 $0x300, s20;
	s17 =	sor.u32 @!p1 s17, s18;
	s18 =	sshll.u32 @!p1 s11, $0xD  }
0x1e: {  	s17 =	sor.u32 @!p1 s19, s17;
	s19 =	sshll.u32 @!p1 s10, $0xA;
	s18 =	sadd.s32 @!p1 s2, s18  }
0x1f: {  	s16 =	sand.u32 @!p1 $0x4000, s16;
	s18 =	sadd.s32 @!p1 s19, s18;
	s19 =	sand.u32 @!p1 $0x7, s8  }
0x20: {  	s17 =	sshrl.u32 @!p1 s17, $0x3;
	s18 =	sadd.s32 @!p1 s20, s18;
	s19 =	sshll.u32 @!p1 s19, $0x12  }
0x21: {  	s17 =	sadd.s32 @!p1 s17, s18;
	s18 =	sor.u32 @!p1 $0x800, s19;
	s19 =	simm.s32 @!p1 $0x2000  }
0x22: {  	[tilespmem:s16], [sflag:$0x1] =	stream.strided.gather @!p1 [hbm4b:s17+s18], $0x4000, s19, s18, $0x38;
	[tilespmem:$0x10000] =	vst v63  }
0x23: {  	p1 =	seq.s32 s7, $0x0  }
0x24: {  	p2 =	seq.s32 @!p1 s7, $0x81  }
0x25: {  	p1 =	por p1, p2  }
.Ltmp2:
0x26: {  	_ = 	snop;
	(pc) =	sbr.rel @p1 .LBB1_7-.Ltmp2, $1  }
0x27: {  	_ =	sdelay $0x3  }
0x28: {  	s16 =	simm.s32 $0x1  }
0x29: {  	_ =	swait.ge [sflag:s4], $0x4000;
	s31 =	sshll.u32 s7, $0xE;
	s16 =	simm.s32 @!p0 $0x0  }
0x2a: {  	s20 =	simm.s32 $0x0;
	s21 =	simm.s32 $0x0;
	s16 =	sshll.u32 s16, $0x10  }
0x2b: {  	s22 =	simm.s32 $0x0;
	[sflag:s4] =	ssyncset.done $0x0;
	s19 =	sshrl.u32 s16, $0x2  }
0x2c: {  	[sflag:s4] =	ssyncadd.s32 $0xFFFFC000;
	s16 =	sand.u32 $0x4000, s31;
	s17 =	sor.u32 $0x400, s19  }
0x2d: {  	s18 =	sor.u32 $0x8000, s19;
	s16 =	sor.u32 $0x8000, s16;
	s19 =	sadd.s32 $0x8C00, s19  }
.LBB1_3:
0x2e: {  	v0 =	vmov s18;
	v1 =	vld [tilespmem:s17+$0x270]  }
0x2f: {  	v2 =	vld [tilespmem:s17+$0xFFFFFC10]  }
0x30: {  	v3 =	vld [tilespmem:s17+$0xFFFFFC20]  }
0x31: {  	s23 =	sshll.u32 s21, $0x2;
	s24 =	sand.u32 $0x3, s20;
	v4 =	vld [tilespmem:s17+$0xFFFFFC30]  }
0x32: {  	v5 =	vld [tilespmem:s17+$0xFFFFFC40];
	s25 =	sand.u32 $0xFFFFF800, s23;
	s24 =	sshll.u32 s24, $0x9;
	s23 =	simm.s32 $0x0  }
0x33: {  	v6 =	vld [tilespmem:s17+$0xFFFFFC50];
	s24 =	sor.u32 s24, s25;
	[tilespmem:v0+s23+$0xC70 ss:$0x1] =	vst.idx.msk $0xffff, v1  }
0x34: {  	v7 =	vld [tilespmem:s17+$0x220];
	s24 =	sshrl.u32 s24, $0x2;
	[tilespmem:v0+s23+$0x10 ss:$0x1] =	vst.idx.msk $0xffff, v2  }
0x35: {  	v8 =	vld [tilespmem:s17+$0x230];
	s24 =	sadd.s32 s24, s19;
	[tilespmem:v0+s23+$0x20 ss:$0x1] =	vst.idx.msk $0xffff, v3  }
0x36: {  	v1 =	vmov s24;
	[tilespmem:v0+s23+$0x30 ss:$0x1] =	vst.idx.msk $0xffff, v4;
	v4 =	vld [tilespmem:s17+$0xFFFFFE00]  }
0x37: {  	[tilespmem:v0+s23+$0x40 ss:$0x1] =	vst.idx.msk $0xffff, v5;
	v5 =	vld [tilespmem:s17+$0xFFFFFE10]  }
0x38: {  	[tilespmem:v0+s23+$0x50 ss:$0x1] =	vst.idx.msk $0xffff, v6;
	v6 =	vld [tilespmem:s17+$0xFFFFFE20]  }
0x39: {  	v2 =	vld [tilespmem:s17+$0xFFFFFC60];
	[tilespmem:v0+s23+$0xC20 ss:$0x1] =	vst.idx.msk $0xffff, v7  }
0x3a: {  	v3 =	vld [tilespmem:s17+$0xFFFFFC70];
	[tilespmem:v0+s23+$0xC30 ss:$0x1] =	vst.idx.msk $0xffff, v8  }
0x3b: {  	[tilespmem:v1+s23+$0xFFFFF800 ss:$0x1] =	vst.idx.msk $0xffff, v4;
	v4 =	vld [tilespmem:s17+$0xFFFFFE50]  }
0x3c: {  	[tilespmem:v0+s23+$0x410 ss:$0x1] =	vst.idx.msk $0xffff, v5;
	v5 =	vld [tilespmem:s17+$0xFFFFFE60]  }
0x3d: {  	[tilespmem:v0+s23+$0x420 ss:$0x1] =	vst.idx.msk $0xffff, v6;
	v6 =	vld [tilespmem:s17+$0xFFFFFE70]  }
0x3e: {  	[tilespmem:v0+s23+$0x60 ss:$0x1] =	vst.idx.msk $0xffff, v2;
	v2 =	vld [tilespmem:s17+$0xFFFFFE30]  }
0x3f: {  	[tilespmem:v0+s23+$0x70 ss:$0x1] =	vst.idx.msk $0xffff, v3;
	v3 =	vld [tilespmem:s17+$0xFFFFFE40]  }
0x40: {  	[tilespmem:v0+s23+$0x450 ss:$0x1] =	vst.idx.msk $0xffff, v4;
	v4 =	vld [tilespmem:s17+$0x20]  }
0x41: {  	[tilespmem:v0+s23+$0x460 ss:$0x1] =	vst.idx.msk $0xffff, v5;
	v5 =	vld [tilespmem:s17+$0x30]  }
0x42: {  	[tilespmem:v0+s23+$0x470 ss:$0x1] =	vst.idx.msk $0xffff, v6;
	v6 =	vld [tilespmem:s17+$0x40]  }
0x43: {  	[tilespmem:v0+s23+$0x430 ss:$0x1] =	vst.idx.msk $0xffff, v2;
	v2 =	vld [tilespmem:s17+$0x0]  }
0x44: {  	[tilespmem:v0+s23+$0x440 ss:$0x1] =	vst.idx.msk $0xffff, v3;
	v3 =	vld [tilespmem:s17+$0x10]  }
0x45: {  	[tilespmem:v0+s23+$0x820 ss:$0x1] =	vst.idx.msk $0xffff, v4;
	v4 =	vld [tilespmem:s17+$0x70]  }
0x46: {  	[tilespmem:v0+s23+$0x830 ss:$0x1] =	vst.idx.msk $0xffff, v5;
	v5 =	vld [tilespmem:s17+$0x200]  }
0x47: {  	[tilespmem:v0+s23+$0x840 ss:$0x1] =	vst.idx.msk $0xffff, v6;
	v6 =	vld [tilespmem:s17+$0x210]  }
0x48: {  	[tilespmem:v1+s23+$0xFFFFFC00 ss:$0x1] =	vst.idx.msk $0xffff, v2;
	v2 =	vld [tilespmem:s17+$0x50]  }
0x49: {  	[tilespmem:v0+s23+$0x810 ss:$0x1] =	vst.idx.msk $0xffff, v3;
	v3 =	vld [tilespmem:s17+$0x60]  }
0x4a: {  	[tilespmem:v0+s23+$0x870 ss:$0x1] =	vst.idx.msk $0xffff, v4;
	v4 =	vld [tilespmem:s17+$0x240]  }
0x4b: {  	[tilespmem:v1+s23+$0x0 ss:$0x1] =	vst.idx.msk $0xffff, v5;
	v5 =	vld [tilespmem:s17+$0x250]  }
0x4c: {  	[tilespmem:v0+s23+$0xC10 ss:$0x1] =	vst.idx.msk $0xffff, v6;
	v6 =	vld [tilespmem:s17+$0x260]  }
0x4d: {  	s24 =	sadd.s32 $0x80, s17;
	[tilespmem:v0+s23+$0x850 ss:$0x1] =	vst.idx.msk $0xffff, v2;
	v2 =	vld [tilespmem:s17+$0xFFFFFC00]  }
0x4e: {  	s26 =	simm.s32 $0x8000;
	s25 =	simm.s32 $0x4000;
	[tilespmem:v0+s23+$0x860 ss:$0x1] =	vst.idx.msk $0xffff, v3;
	v3 =	vld [tilespmem:s24+$0x270]  }
.LBB1_4:
0x4f: {  	p1 =	sne.s32 s26, $0xC000;
	v7 =	vld [tilespmem:s24+$0xFFFFFC10];
	[tilespmem:v0+s23+$0xC40 ss:$0x1] =	vst.idx.msk $0xffff, v4  }
0x50: {  	v4 =	vld [tilespmem:s24+$0xFFFFFC20];
	[tilespmem:v0+s23+$0xC50 ss:$0x1] =	vst.idx.msk $0xffff, v5  }
0x51: {  	v5 =	vld [tilespmem:s24+$0xFFFFFC30];
	[tilespmem:v0+s23+$0xC60 ss:$0x1] =	vst.idx.msk $0xffff, v6  }
0x52: {  	v6 =	vld [tilespmem:s24+$0xFFFFFC40];
	[tilespmem:v0+s23+$0x0 ss:$0x1] =	vst.idx.msk $0xffff, v2;
	s23 =	sshra.s32 s25, $0x2;
	s25 =	smov.u32 s26  }
0x53: {  	v2 =	vld [tilespmem:s24+$0xFFFFFC50];
	[tilespmem:v0+s23+$0xC70 ss:$0x1] =	vst.idx.msk $0xffff, v3  }
0x54: {  	[tilespmem:v0+s23+$0x10 ss:$0x1] =	vst.idx.msk $0xffff, v7;
	v3 =	vld [tilespmem:s24+$0xFFFFFC60]  }
0x55: {  	[tilespmem:v0+s23+$0x20 ss:$0x1] =	vst.idx.msk $0xffff, v4;
	v4 =	vld [tilespmem:s24+$0xFFFFFC70]  }
0x56: {  	[tilespmem:v0+s23+$0x30 ss:$0x1] =	vst.idx.msk $0xffff, v5;
	v5 =	vld [tilespmem:s24+$0xFFFFFE00]  }
0x57: {  	[tilespmem:v0+s23+$0x40 ss:$0x1] =	vst.idx.msk $0xffff, v6;
	v6 =	vld [tilespmem:s24+$0xFFFFFE10]  }
0x58: {  	[tilespmem:v0+s23+$0x50 ss:$0x1] =	vst.idx.msk $0xffff, v2;
	v2 =	vld [tilespmem:s24+$0xFFFFFE20]  }
0x59: {  	[tilespmem:v0+s23+$0x60 ss:$0x1] =	vst.idx.msk $0xffff, v3;
	v3 =	vld [tilespmem:s24+$0xFFFFFE30]  }
0x5a: {  	[tilespmem:v0+s23+$0x70 ss:$0x1] =	vst.idx.msk $0xffff, v4;
	v4 =	vld [tilespmem:s24+$0xFFFFFE40]  }
0x5b: {  	[tilespmem:v1+s23+$0xFFFFF800 ss:$0x1] =	vst.idx.msk $0xffff, v5;
	v5 =	vld [tilespmem:s24+$0xFFFFFE50]  }
0x5c: {  	[tilespmem:v0+s23+$0x410 ss:$0x1] =	vst.idx.msk $0xffff, v6;
	v6 =	vld [tilespmem:s24+$0xFFFFFE60]  }
0x5d: {  	[tilespmem:v0+s23+$0x420 ss:$0x1] =	vst.idx.msk $0xffff, v2;
	v2 =	vld [tilespmem:s24+$0xFFFFFE70]  }
0x5e: {  	[tilespmem:v0+s23+$0x430 ss:$0x1] =	vst.idx.msk $0xffff, v3;
	v3 =	vld [tilespmem:s24+$0x0]  }
0x5f: {  	[tilespmem:v0+s23+$0x440 ss:$0x1] =	vst.idx.msk $0xffff, v4;
	v4 =	vld [tilespmem:s24+$0x10]  }
0x60: {  	[tilespmem:v0+s23+$0x450 ss:$0x1] =	vst.idx.msk $0xffff, v5;
	v5 =	vld [tilespmem:s24+$0x20]  }
0x61: {  	[tilespmem:v0+s23+$0x460 ss:$0x1] =	vst.idx.msk $0xffff, v6;
	v6 =	vld [tilespmem:s24+$0x30]  }
0x62: {  	[tilespmem:v0+s23+$0x470 ss:$0x1] =	vst.idx.msk $0xffff, v2;
	v2 =	vld [tilespmem:s24+$0x40]  }
0x63: {  	[tilespmem:v1+s23+$0xFFFFFC00 ss:$0x1] =	vst.idx.msk $0xffff, v3;
	v3 =	vld [tilespmem:s24+$0x50]  }
0x64: {  	[tilespmem:v0+s23+$0x810 ss:$0x1] =	vst.idx.msk $0xffff, v4;
	v4 =	vld [tilespmem:s24+$0x60]  }
0x65: {  	[tilespmem:v0+s23+$0x820 ss:$0x1] =	vst.idx.msk $0xffff, v5;
	v5 =	vld [tilespmem:s24+$0x70]  }
0x66: {  	[tilespmem:v0+s23+$0x830 ss:$0x1] =	vst.idx.msk $0xffff, v6;
	v6 =	vld [tilespmem:s24+$0x200]  }
0x67: {  	[tilespmem:v0+s23+$0x840 ss:$0x1] =	vst.idx.msk $0xffff, v2;
	v2 =	vld [tilespmem:s24+$0x210]  }
0x68: {  	[tilespmem:v0+s23+$0x850 ss:$0x1] =	vst.idx.msk $0xffff, v3;
	v3 =	vld [tilespmem:s24+$0x220]  }
0x69: {  	[tilespmem:v0+s23+$0x860 ss:$0x1] =	vst.idx.msk $0xffff, v4;
	v7 =	vld [tilespmem:s24+$0x230]  }
.Ltmp3:
0x6a: {  	[tilespmem:v0+s23+$0x870 ss:$0x1] =	vst.idx.msk $0xffff, v5;
	v4 =	vld [tilespmem:s24+$0x240];
	(pc) =	sbr.rel @p1 .LBB1_4-.Ltmp3, $4  }
0x6b: {  	[tilespmem:v1+s23+$0x0 ss:$0x1] =	vst.idx.msk $0xffff, v6;
	v5 =	vld [tilespmem:s24+$0x250]  }
0x6c: {  	[tilespmem:v0+s23+$0xC10 ss:$0x1] =	vst.idx.msk $0xffff, v2;
	v6 =	vld [tilespmem:s24+$0x260]  }
0x6d: {  	v2 =	vld [tilespmem:s24+$0xFFFFFC00];
	[tilespmem:v0+s23+$0xC20 ss:$0x1] =	vst.idx.msk $0xffff, v3;
	s24 =	sadd.s32 $0x80, s24  }
0x6e: {  	s26 =	sadd.s32 $0x4000, s26;
	v3 =	vld [tilespmem:s24+$0x270];
	[tilespmem:v0+s23+$0xC30 ss:$0x1] =	vst.idx.msk $0xffff, v7  }
0x6f: {  	_ =	sdelay $0x3  }
0x70: {  	v7 =	vld [tilespmem:s24+$0xFFFFFC10];
	[tilespmem:v0+s23+$0xC40 ss:$0x1] =	vst.idx.msk $0xffff, v4  }
0x71: {  	v34 =	vld [tilespmem:s24+$0xFFFFFC20];
	[tilespmem:v0+s23+$0xC50 ss:$0x1] =	vst.idx.msk $0xffff, v5  }
0x72: {  	v35 =	vld [tilespmem:s24+$0xFFFFFC30];
	[tilespmem:v0+s23+$0xC60 ss:$0x1] =	vst.idx.msk $0xffff, v6  }
0x73: {  	s25 =	sshra.s32 s25, $0x2;
	v36 =	vld [tilespmem:s24+$0xFFFFFC40];
	[tilespmem:v0+s23+$0x0 ss:$0x1] =	vst.idx.msk $0xffff, v2  }
0x74: {  	v37 =	vld [tilespmem:s24+$0xFFFFFC50];
	[tilespmem:v0+s25+$0xC70 ss:$0x1] =	vst.idx.msk $0xffff, v3  }
0x75: {  	v38 =	vld [tilespmem:s24+$0xFFFFFC60];
	[tilespmem:v0+s25+$0x10 ss:$0x1] =	vst.idx.msk $0xffff, v7  }
0x76: {  	v39 =	vld [tilespmem:s24+$0xFFFFFC70];
	[tilespmem:v0+s25+$0x20 ss:$0x1] =	vst.idx.msk $0xffff, v34  }
0x77: {  	v40 =	vld [tilespmem:s24+$0xFFFFFE00];
	[tilespmem:v0+s25+$0x30 ss:$0x1] =	vst.idx.msk $0xffff, v35  }
0x78: {  	v41 =	vld [tilespmem:s24+$0xFFFFFE10];
	[tilespmem:v0+s25+$0x40 ss:$0x1] =	vst.idx.msk $0xffff, v36  }
0x79: {  	v42 =	vld [tilespmem:s24+$0xFFFFFE20];
	[tilespmem:v0+s25+$0x50 ss:$0x1] =	vst.idx.msk $0xffff, v37  }
0x7a: {  	v43 =	vld [tilespmem:s24+$0xFFFFFE30];
	[tilespmem:v0+s25+$0x60 ss:$0x1] =	vst.idx.msk $0xffff, v38  }
0x7b: {  	v44 =	vld [tilespmem:s24+$0xFFFFFE40];
	[tilespmem:v0+s25+$0x70 ss:$0x1] =	vst.idx.msk $0xffff, v39  }
0x7c: {  	v45 =	vld [tilespmem:s24+$0xFFFFFE50];
	[tilespmem:v1+s25+$0xFFFFF800 ss:$0x1] =	vst.idx.msk $0xffff, v40  }
0x7d: {  	v46 =	vld [tilespmem:s24+$0xFFFFFE60];
	[tilespmem:v0+s25+$0x410 ss:$0x1] =	vst.idx.msk $0xffff, v41  }
0x7e: {  	v47 =	vld [tilespmem:s24+$0xFFFFFE70];
	[tilespmem:v0+s25+$0x420 ss:$0x1] =	vst.idx.msk $0xffff, v42  }
0x7f: {  	v48 =	vld [tilespmem:s24+$0x0];
	[tilespmem:v0+s25+$0x430 ss:$0x1] =	vst.idx.msk $0xffff, v43  }
0x80: {  	v49 =	vld [tilespmem:s24+$0x10];
	[tilespmem:v0+s25+$0x440 ss:$0x1] =	vst.idx.msk $0xffff, v44  }
0x81: {  	v50 =	vld [tilespmem:s24+$0x20];
	[tilespmem:v0+s25+$0x450 ss:$0x1] =	vst.idx.msk $0xffff, v45  }
0x82: {  	v51 =	vld [tilespmem:s24+$0x30];
	[tilespmem:v0+s25+$0x460 ss:$0x1] =	vst.idx.msk $0xffff, v46  }
0x83: {  	v52 =	vld [tilespmem:s24+$0x40];
	[tilespmem:v0+s25+$0x470 ss:$0x1] =	vst.idx.msk $0xffff, v47  }
0x84: {  	v53 =	vld [tilespmem:s24+$0x50];
	[tilespmem:v1+s25+$0xFFFFFC00 ss:$0x1] =	vst.idx.msk $0xffff, v48  }
0x85: {  	v54 =	vld [tilespmem:s24+$0x60];
	[tilespmem:v0+s25+$0x810 ss:$0x1] =	vst.idx.msk $0xffff, v49  }
0x86: {  	v55 =	vld [tilespmem:s24+$0x70];
	[tilespmem:v0+s25+$0x820 ss:$0x1] =	vst.idx.msk $0xffff, v50  }
0x87: {  	v56 =	vld [tilespmem:s24+$0x200];
	[tilespmem:v0+s25+$0x830 ss:$0x1] =	vst.idx.msk $0xffff, v51  }
0x88: {  	v57 =	vld [tilespmem:s24+$0x210];
	[tilespmem:v0+s25+$0x840 ss:$0x1] =	vst.idx.msk $0xffff, v52  }
0x89: {  	v58 =	vld [tilespmem:s24+$0x220];
	[tilespmem:v0+s25+$0x850 ss:$0x1] =	vst.idx.msk $0xffff, v53  }
0x8a: {  	v59 =	vld [tilespmem:s24+$0x230];
	[tilespmem:v0+s25+$0x860 ss:$0x1] =	vst.idx.msk $0xffff, v54  }
0x8b: {  	v60 =	vld [tilespmem:s24+$0x240];
	[tilespmem:v0+s25+$0x870 ss:$0x1] =	vst.idx.msk $0xffff, v55  }
0x8c: {  	v61 =	vld [tilespmem:s24+$0x250];
	[tilespmem:v1+s25+$0x0 ss:$0x1] =	vst.idx.msk $0xffff, v56  }
0x8d: {  	v62 =	vld [tilespmem:s24+$0x260];
	s22 =	sadd.s32 $0x1, s22;
	[tilespmem:v0+s25+$0xC10 ss:$0x1] =	vst.idx.msk $0xffff, v57  }
0x8e: {  	v63 =	vld [tilespmem:s24+$0xFFFFFC00];
	p1 =	sne.s32 s22, $0x8;
	[tilespmem:v0+s25+$0xC20 ss:$0x1] =	vst.idx.msk $0xffff, v58  }
.Ltmp4:
0x8f: {  	[tilespmem:v0+s25+$0xC30 ss:$0x1] =	vst.idx.msk $0xffff, v59;
	(pc) =	sbr.rel @p1 .LBB1_3-.Ltmp4, $4  }
0x90: {  	[tilespmem:v0+s25+$0xC40 ss:$0x1] =	vst.idx.msk $0xffff, v60  }
0x91: {  	[tilespmem:v0+s25+$0xC50 ss:$0x1] =	vst.idx.msk $0xffff, v61  }
0x92: {  	s17 =	sadd.s32 $0x800, s17;
	[tilespmem:v0+s25+$0xC60 ss:$0x1] =	vst.idx.msk $0xffff, v62  }
0x93: {  	s21 =	sadd.s32 $0x80, s21;
	s20 =	sadd.s32 $0x1, s20;
	s18 =	sadd.s32 $0x80, s18;
	[tilespmem:v0+s25+$0x0 ss:$0x1] =	vst.idx.msk $0xffff, v63  }
0x94: {  	s15 =	sshll.u32 s15, $0x7;
	s17 =	sand.u32 $0x78, s12  }
0x95: {  	s18 =	sshll.u32 s12, $0x3;
	s14 =	sshll.u32 s14, $0xD;
	s13 =	sshll.u32 s13, $0xB  }
0x96: {  	s29 =	sand.u32 $0x700, s12;
	s15 =	sand.u32 $0x380, s15;
	s18 =	sand.u32 $0x400, s18  }
.Ltmp5:
0x97: {  	s14 =	sadd.s32 s3, s14;
	s15 =	sor.u32 s15, s17;
	(pc) =	sbr.rel .LBB1_7-.Ltmp5, $4  }
0x98: {  	s30 =	sand.u32 $0x7, s12;
	s13 =	sadd.s32 s13, s14;
	s15 =	sor.u32 s18, s15  }
0x99: {  	s12 =	sshll.u32 s30, $0x12;
	s13 =	sadd.s32 s29, s13;
	s31 =	sshrl.u32 s15, $0x3  }
0x9a: {  	s12 =	sor.u32 $0x1000, s12;
	s13 =	sadd.s32 s31, s13  }
0x9b: {  	[hbm4b:s13+s12] =	stream.strided.scatter [tilespmem:s16], [sflag:$0x2], $0x4000, s6, s12, $0x38;
	[tilespmem:$0x10000] =	vst v63  }
.LBB1_8:
0x9c: {  	_ =	sfence.sel $0x180000  }
0x9d: {  	s2 =	simm.s32 $0x1;
	[bflag:$0x0] =	sbarrier.arrive $0xFFFF  }
0x9e: {  	s31 =	simm.s32 $0x2;
	[sflag:s2] =	ssyncpa.u1 $0x1  }
0x9f: {  	[sflag:s31] =	ssyncpa.u1 $0x1  }
0xa0: {  	p0 =	sne.s32 s1, $0x0;
	_ =	strace $0x90000047  }
0xa1: {  	s0 =	sadd.s32 @!p0 $0x100000, s0;
	[bflag:$0x2] =	sbarrier.arrive $0xFFFF  }
0xa2: {  	[sflag:s0] =	ssyncadd.tile.s32 @!p0 $0x1;
	_ =	shalt  }
.Lfunc_end1:
_tile_overlayer_lowered:
.L_overlay_start_2:
0xa3: {  	(tag) =	ssettag $0x2  }
0xa4: {  	s0 =	rddreg [dreg:$0x0];
	s2 =	stileid.u32  }
0xa5: {  	s1 =	rddreg [dreg:$0x1];
	p0 =	sne.s32 s2, $0x0  }
0xa6: {  	s3 =	rddreg [dreg:$0x2];
	[bflag:$0x3] =	sbarrier.arrive $0xFFFF;
	s2 =	simm.s32 @!p0 $0x1C01  }
0xa7: {  	[timem:s3], [sflag:s2] =	dma.local @!p0 [hbm:s0], s1  }
0xa8: {  	s0 =	simm.s32 @!p0 $0x1  }
0xa9: {  	_ =	swait.ge @!p0 [sflag:s0], s1  }
0xaa: {  	s1 =	ssub.s32 @!p0 $0x0, s1;
	[sflag:s0] =	ssyncset.done @!p0 $0x0  }
0xab: {  	[sflag:s0] =	ssyncadd.s32 @!p0 s1  }
0xac: {  	[bflag:$0x3] =	sbarrier.arrive $0xFFFF  }
0xad: {  	_ =	shalt  }

</sc_bundles>
